<compile_context>
chip_gen: v7x
topology: tpu7x:2x2x1
jax: 0.10.2.dev20260603
libtpu: 0.0.44.dev20260713+nightly
codegen_flags: <defaults>
</compile_context>

<pallas_src>
import functools

import jax
import jax.numpy as jnp
from jax import lax
from jax.experimental import pallas as pl
from jax.experimental.pallas import tpu as pltpu
from jax.experimental.pallas import tpu_sc as plsc

MARGIN = 0.5

SC_ROWS = 6144
NUM_WORKERS = 32
ROWS_PER_W = SC_ROWS // NUM_WORKERS
CH = 16
LANES = 16


def _tc_partials_kernel(x_ref, xr_ref, pc_ref, ps_ref, y_ref, out_ref, acc_ref,
                        *, grid_n, ce_steps, n_classes):
    i = pl.program_id(0)

    @pl.when(i == 0)
    def _init():
        acc_ref[0] = 0.0
        acc_ref[1] = 0.0
        acc_ref[2] = 0.0
        acc_ref[3] = 0.0

    x = x_ref[...]
    xr = xr_ref[...]
    rowsum = jnp.sum(x, axis=1)
    mask = rowsum != 0
    diff_rowsum = jnp.sum(jnp.abs(xr - x), axis=1)
    acc_ref[0] += jnp.sum(jnp.where(mask, diff_rowsum, 0.0))
    acc_ref[1] += jnp.sum(mask.astype(jnp.float32))

    @pl.when(i < ce_steps)
    def _ce():
        yv = y_ref[0, 0, :]
        p_blk = yv.shape[0]
        sub = jax.lax.broadcasted_iota(jnp.int32, (n_classes, p_blk), 0)
        onehot = sub == yv[None, :]
        for ref_, slot in ((pc_ref, 2), (ps_ref, 3)):
            logits = ref_[...]
            m = jnp.max(logits, axis=0, keepdims=True)
            lse = jnp.log(jnp.sum(jnp.exp(logits - m), axis=0)) + m[0]
            picked = jnp.sum(jnp.where(onehot, logits, 0.0), axis=0)
            acc_ref[slot] += jnp.sum(lse - picked)

    @pl.when(i == grid_n - 1)
    def _fin():
        out_ref[0] = acc_ref[0]
        out_ref[1] = acc_ref[1]
        out_ref[2] = acc_ref[2]
        out_ref[3] = acc_ref[3]


def _sc_l1_body(x_hbm, xr_hbm, out_hbm,
                xb0, xb1, xrb0, xrb1, ov, sx0, sx1, sxr0, sxr1,
                *, d_model, base_row):
    c = lax.axis_index("c")
    s = lax.axis_index("s")
    wid = s * 2 + c
    base = base_row + wid * ROWS_PER_W
    n_chunks = ROWS_PER_W // CH
    n_slices = d_model // LANES
    zero = jnp.zeros((LANES,), jnp.float32)

    xbs, xrbs = (xb0, xb1), (xrb0, xrb1)
    sxs, sxrs = (sx0, sx1), (sxr0, sxr1)

    def start(ci):
        b = ci % 2
        row0 = base + ci * CH
        return (pltpu.async_copy(x_hbm.at[pl.ds(row0, CH)], xbs[b], sxs[b]),
                pltpu.async_copy(xr_hbm.at[pl.ds(row0, CH)], xrbs[b], sxrs[b]))

    cps = start(0)
    for ci in range(n_chunks):
        nxt = start(ci + 1) if ci + 1 < n_chunks else None
        cps[0].wait()
        cps[1].wait()
        b = ci % 2
        xb, xrb = xbs[b], xrbs[b]

        def row_loop(r16, _, xb=xb, xrb=xrb, ci=ci):
            def col_loop(j, c2, xb=xb, xrb=xrb):
                rs, ad = c2
                xv = xb[r16, pl.ds(j * LANES, LANES)]
                xrv = xrb[r16, pl.ds(j * LANES, LANES)]
                return rs + xv, ad + jnp.abs(xrv - xv)

            rs, ad = lax.fori_loop(0, n_slices, col_loop, (zero, zero),
                                   unroll=8)
            r = ci * CH + r16
            orow = lax.shift_right_logical(r, 2)
            ocol = lax.shift_left(lax.bitwise_and(r, 3), 5)
            ov[orow, pl.ds(ocol, LANES)] = rs
            ov[orow, pl.ds(ocol + LANES, LANES)] = ad
            return 0

        lax.fori_loop(0, CH, row_loop, 0)
        cps = nxt

    pltpu.sync_copy(ov, out_hbm.at[pl.ds(wid * (ROWS_PER_W // 4),
                                         ROWS_PER_W // 4)])


def _sc_l1_partials(x2, xr2, d_model, base_row):
    mesh = plsc.VectorSubcoreMesh(core_axis_name="c", subcore_axis_name="s")
    run = functools.partial(
        pl.kernel,
        functools.partial(_sc_l1_body, d_model=d_model, base_row=base_row),
        out_type=jax.ShapeDtypeStruct((SC_ROWS // 4, 128), jnp.float32),
        mesh=mesh,
        scratch_types=[
            pltpu.VMEM((CH, d_model), jnp.float32),
            pltpu.VMEM((CH, d_model), jnp.float32),
            pltpu.VMEM((CH, d_model), jnp.float32),
            pltpu.VMEM((CH, d_model), jnp.float32),
            pltpu.VMEM((ROWS_PER_W // 4, 128), jnp.float32),
            pltpu.SemaphoreType.DMA,
            pltpu.SemaphoreType.DMA,
            pltpu.SemaphoreType.DMA,
            pltpu.SemaphoreType.DMA,
        ],
        compiler_params=pltpu.CompilerParams(
            use_tc_tiling_on_sc=True, needs_layout_passes=False),
    )()
    return run(x2, xr2)


def _tail_kernel(sc_ref, tcp_ref, out_ref, *, n_rows, d_model):
    b = sc_ref[...]
    sum_abs = tcp_ref[0]
    cnt = tcp_ref[1]
    for cpack in range(4):
        rs = jnp.sum(b[:, cpack * 32:cpack * 32 + 16], axis=1)
        ad = jnp.sum(b[:, cpack * 32 + 16:cpack * 32 + 32], axis=1)
        mask = rs != 0
        sum_abs += jnp.sum(jnp.where(mask, ad, 0.0))
        cnt += jnp.sum(mask.astype(jnp.float32))
    inv_n = 1.0 / jnp.float32(n_rows)
    cls_cont = tcp_ref[2] * inv_n
    cls_sty = tcp_ref[3] * inv_n
    loss_rec = sum_abs / (cnt * jnp.float32(d_model)) + MARGIN
    loss = (cls_sty + cls_cont) * 0.5 + loss_rec
    out_ref[0] = loss
    out_ref[1] = 0.0
    out_ref[2] = 0.0
    out_ref[3] = cls_cont
    out_ref[4] = cls_sty
    out_ref[5] = loss_rec


def kernel(stypred_cont, stypred_sty, pred_cont, pred_sty, x_rec, cont, sty, stylabels, y, x, D):
    B, S, Dm = x.shape
    N, C = pred_cont.shape
    R = B * S
    x2 = x.reshape(R, Dm)
    xr2 = x_rec.reshape(R, Dm)
    ce_steps = 8
    P_BLK = N // ce_steps
    pct = pred_cont.T
    pst = pred_sty.T
    y3 = y.astype(jnp.int32).reshape(ce_steps, 1, P_BLK)

    tc_rows = R - SC_ROWS
    sc_part = _sc_l1_partials(x2, xr2, Dm, tc_rows)

    R_BLK = 1024
    grid_n = tc_rows // R_BLK

    tc_part = pl.pallas_call(
        functools.partial(_tc_partials_kernel, grid_n=grid_n,
                          ce_steps=ce_steps, n_classes=C),
        grid=(grid_n,),
        in_specs=[
            pl.BlockSpec((R_BLK, Dm), lambda i: (i, 0)),
            pl.BlockSpec((R_BLK, Dm), lambda i: (i, 0)),
            pl.BlockSpec((C, P_BLK), lambda i: (0, i % 8)),
            pl.BlockSpec((C, P_BLK), lambda i: (0, i % 8)),
            pl.BlockSpec((1, 1, P_BLK), lambda i: (i % 8, 0, 0)),
        ],
        out_specs=pl.BlockSpec(memory_space=pltpu.SMEM),
        out_shape=jax.ShapeDtypeStruct((4,), jnp.float32),
        scratch_shapes=[pltpu.SMEM((4,), jnp.float32)],
    )(x2, xr2, pct, pst, y3)

    out = pl.pallas_call(
        functools.partial(_tail_kernel, n_rows=N, d_model=Dm),
        in_specs=[
            pl.BlockSpec((SC_ROWS // 4, 128), lambda: (0, 0)),
            pl.BlockSpec(memory_space=pltpu.SMEM),
        ],
        out_specs=pl.BlockSpec(memory_space=pltpu.SMEM),
        out_shape=jax.ShapeDtypeStruct((6,), jnp.float32),
    )(sc_part, tc_part)

    return (out[0], out[1], out[2], out[3], out[4], out[5])

# --- scband reference (transcript-rebuilt; emitter-appended) ---
"""Pipeline reference for scband-loss-function-wostyledetection-26482768347305 (READ-ONLY COPY).

The authoritative reference and input builder live on the scoring server;
editing this copy changes nothing except your own understanding.
"""

import jax, jax.numpy as jnp
import numpy as np

MARGIN = 0.5

def setup_inputs(seed: int = 0) -> dict:
    key = jax.random.key(seed)
    ks = jax.random.split(key, 11)
    B, S, Dm = 4, 4096, 1024
    N, C = 4096, 100
    return {
        "stypred_cont": jax.random.normal(ks[0], (N, 4), dtype=jnp.float32),
        "stypred_sty": jax.random.normal(ks[1], (N, 4), dtype=jnp.float32),
        "pred_cont": jax.random.normal(ks[2], (N, C), dtype=jnp.float32),
        "pred_sty": jax.random.normal(ks[3], (N, C), dtype=jnp.float32),
        "x_rec": jax.random.normal(ks[4], (B, S, Dm), dtype=jnp.float32),
        "cont": jax.random.normal(ks[5], (N, 256), dtype=jnp.float32),
        "sty": jax.random.normal(ks[6], (N, 256), dtype=jnp.float32),
        "stylabels": jax.random.randint(ks[7], (N,), 0, 4, dtype=jnp.int64) if jax.config.jax_enable_x64 else jax.random.randint(ks[7], (N,), 0, 4),
        "y": jax.random.randint(ks[8], (N,), 0, C),
        "x": jax.random.normal(ks[9], (B, S, Dm), dtype=jnp.float32),
        "D": jax.random.randint(ks[10], (N,), 0, 4),
    }

def _cross_entropy_mean(logits, labels):
    # F.cross_entropy with default reduction='mean'
    logp = jax.nn.log_softmax(logits, axis=-1)
    nll = -jnp.take_along_axis(logp, labels[:, None], axis=1)[:, 0]
    return jnp.mean(nll)

def _reconstruction_loss(x_rec, x, margin):
    # torch.nonzero(x.sum(-1)) selects (batch, idx) positions with nonzero row-sum;
    # nn.L1Loss over the selected rows == masked mean absolute error.
    mask = (jnp.sum(x, axis=-1) != 0)
    cnt = jnp.sum(mask).astype(jnp.float32) * jnp.float32(x.shape[-1])
    diff = jnp.abs(x_rec - x) * mask[..., None].astype(x.dtype)
    dis = jnp.sum(diff) / cnt
    # torch.mean(dis, dim=0) on a 0-dim tensor is identity
    return dis + margin

def reference(stypred_cont, stypred_sty, pred_cont, pred_sty, x_rec, cont, sty, stylabels, y, x, D):
    clsloss_sty = _cross_entropy_mean(pred_sty + 1e-06, y)
    clsloss_cont = _cross_entropy_mean(pred_cont + 1e-06, y)
    loss_rec = _reconstruction_loss(x_rec, x, MARGIN)
    styloss_cont = jnp.float32(0.0)
    styloss_sty = jnp.float32(0.0)
    loss = styloss_cont + styloss_sty + (clsloss_sty + clsloss_cont) * 0.5 + loss_rec
    return (loss, styloss_cont, styloss_sty, clsloss_cont, clsloss_sty, loss_rec)

if __name__ == "__main__":
    import jax
    _d = setup_inputs()
    print(jax.jit(kernel)(*tuple(_d.values())))

</pallas_src>

<mosaic_0001>
#map = affine_map<(d0, d1) -> (0, 0)>
module attributes {stable_mosaic.version = 14 : i64} {
  func.func @_sc_l1_body(%arg0: i32, %arg1: i32, %arg2: memref<16384x1024xf32, #tpu.memory_space<hbm>>, %arg3: memref<16384x1024xf32, #tpu.memory_space<hbm>>, %arg4: memref<1536x128xf32, #tpu.memory_space<hbm>>, %arg5: memref<16x1024xf32, #tpu.memory_space<vmem>>, %arg6: memref<16x1024xf32, #tpu.memory_space<vmem>>, %arg7: memref<16x1024xf32, #tpu.memory_space<vmem>>, %arg8: memref<16x1024xf32, #tpu.memory_space<vmem>>, %arg9: memref<48x128xf32, #tpu.memory_space<vmem>>, %arg10: memref<!tpu.dma_semaphore, #tpu.memory_space<semaphore_mem>>, %arg11: memref<!tpu.dma_semaphore, #tpu.memory_space<semaphore_mem>>, %arg12: memref<!tpu.dma_semaphore, #tpu.memory_space<semaphore_mem>>, %arg13: memref<!tpu.dma_semaphore, #tpu.memory_space<semaphore_mem>>) attributes {dimension_semantics = [#tpu.dimension_semantics<core_parallel>, #tpu.dimension_semantics<subcore_parallel>], iteration_bounds = array<i64: 2, 16>, scalar_prefetch = 0 : i64, scratch_operands = 9 : i64, tpu.core_type = #tpu.core_type<sc_vector_subcore>, window_params = [{transform_indices = #map}, {transform_indices = #map}, {transform_indices = #map}]} {
    %mul3A = arith.constant 2 : i32
    %mul3A_0 = arith.muli %arg1, %mul3A : i32
    %add3A = arith.addi %mul3A_0, %arg0 : i32
    %mul3A_1 = arith.constant 192 : i32
    %mul3A_2 = arith.muli %add3A, %mul3A_1 : i32
    %add3A_3 = arith.constant 10240 : i32
    %add3A_4 = arith.addi %add3A_3, %mul3A_2 : i32
    %broadcast_in_dim3A = arith.constant 0.000000e+00 : f32
    %broadcast_in_dim3A_5 = vector.broadcast %broadcast_in_dim3A : f32 to vector<16xf32>
    %add3A_6 = arith.constant 0 : i32
    %add3A_7 = arith.addi %add3A_4, %add3A_6 : i32
    %dma_start3A = arith.constant 0 : i32
    %dma_start3A_8 = tpu.memref_slice %arg2[%add3A_7, %dma_start3A] : memref<16384x1024xf32, #tpu.memory_space<hbm>> -> memref<16x1024xf32, #tpu.memory_space<hbm>>
    %dma_start3A_9 = arith.constant 0 : i32
    %dma_start3A_10 = tpu.memref_slice %arg2[%add3A_7, %dma_start3A_9] : memref<16384x1024xf32, #tpu.memory_space<hbm>> -> memref<16x1024xf32, #tpu.memory_space<hbm>>
    tpu.enqueue_dma source(%dma_start3A_10 : memref<16x1024xf32, #tpu.memory_space<hbm>>) target(%arg5 : memref<16x1024xf32, #tpu.memory_space<vmem>>) target_semaphore(%arg10 : memref<!tpu.dma_semaphore, #tpu.memory_space<semaphore_mem>>)
    %dma_start3A_11 = arith.constant 0 : i32
    %dma_start3A_12 = tpu.memref_slice %arg3[%add3A_7, %dma_start3A_11] : memref<16384x1024xf32, #tpu.memory_space<hbm>> -> memref<16x1024xf32, #tpu.memory_space<hbm>>
    %dma_start3A_13 = arith.constant 0 : i32
    %dma_start3A_14 = tpu.memref_slice %arg3[%add3A_7, %dma_start3A_13] : memref<16384x1024xf32, #tpu.memory_space<hbm>> -> memref<16x1024xf32, #tpu.memory_space<hbm>>
    tpu.enqueue_dma source(%dma_start3A_14 : memref<16x1024xf32, #tpu.memory_space<hbm>>) target(%arg7 : memref<16x1024xf32, #tpu.memory_space<vmem>>) target_semaphore(%arg12 : memref<!tpu.dma_semaphore, #tpu.memory_space<semaphore_mem>>)
    %add3A_15 = arith.constant 16 : i32
    %add3A_16 = arith.addi %add3A_4, %add3A_15 : i32
    %dma_start3A_17 = arith.constant 0 : i32
    %dma_start3A_18 = tpu.memref_slice %arg2[%add3A_16, %dma_start3A_17] : memref<16384x1024xf32, #tpu.memory_space<hbm>> -> memref<16x1024xf32, #tpu.memory_space<hbm>>
    %dma_start3A_19 = arith.constant 0 : i32
    %dma_start3A_20 = tpu.memref_slice %arg2[%add3A_16, %dma_start3A_19] : memref<16384x1024xf32, #tpu.memory_space<hbm>> -> memref<16x1024xf32, #tpu.memory_space<hbm>>
    tpu.enqueue_dma source(%dma_start3A_20 : memref<16x1024xf32, #tpu.memory_space<hbm>>) target(%arg6 : memref<16x1024xf32, #tpu.memory_space<vmem>>) target_semaphore(%arg11 : memref<!tpu.dma_semaphore, #tpu.memory_space<semaphore_mem>>)
    %dma_start3A_21 = arith.constant 0 : i32
    %dma_start3A_22 = tpu.memref_slice %arg3[%add3A_16, %dma_start3A_21] : memref<16384x1024xf32, #tpu.memory_space<hbm>> -> memref<16x1024xf32, #tpu.memory_space<hbm>>
    %dma_start3A_23 = arith.constant 0 : i32
    %dma_start3A_24 = tpu.memref_slice %arg3[%add3A_16, %dma_start3A_23] : memref<16384x1024xf32, #tpu.memory_space<hbm>> -> memref<16x1024xf32, #tpu.memory_space<hbm>>
    tpu.enqueue_dma source(%dma_start3A_24 : memref<16x1024xf32, #tpu.memory_space<hbm>>) target(%arg8 : memref<16x1024xf32, #tpu.memory_space<vmem>>) target_semaphore(%arg13 : memref<!tpu.dma_semaphore, #tpu.memory_space<semaphore_mem>>)
    %dma_wait3A = arith.constant 0 : i32
    %dma_wait3A_25 = tpu.memref_slice %arg2[%add3A_7, %dma_wait3A] : memref<16384x1024xf32, #tpu.memory_space<hbm>> -> memref<16x1024xf32, #tpu.memory_space<hbm>>
    %dma_wait3A_26 = arith.constant 0 : i32
    %dma_wait3A_27 = tpu.memref_slice %arg2[%add3A_7, %dma_wait3A_26] : memref<16384x1024xf32, #tpu.memory_space<hbm>> -> memref<16x1024xf32, #tpu.memory_space<hbm>>
    tpu.wait_dma2 semaphore(%arg10 : memref<!tpu.dma_semaphore, #tpu.memory_space<semaphore_mem>>) src(%dma_wait3A_27 : memref<16x1024xf32, #tpu.memory_space<hbm>>) dst(%arg5 : memref<16x1024xf32, #tpu.memory_space<vmem>>)
    %dma_wait3A_28 = arith.constant 0 : i32
    %dma_wait3A_29 = tpu.memref_slice %arg3[%add3A_7, %dma_wait3A_28] : memref<16384x1024xf32, #tpu.memory_space<hbm>> -> memref<16x1024xf32, #tpu.memory_space<hbm>>
    %dma_wait3A_30 = arith.constant 0 : i32
    %dma_wait3A_31 = tpu.memref_slice %arg3[%add3A_7, %dma_wait3A_30] : memref<16384x1024xf32, #tpu.memory_space<hbm>> -> memref<16x1024xf32, #tpu.memory_space<hbm>>
    tpu.wait_dma2 semaphore(%arg12 : memref<!tpu.dma_semaphore, #tpu.memory_space<semaphore_mem>>) src(%dma_wait3A_31 : memref<16x1024xf32, #tpu.memory_space<hbm>>) dst(%arg7 : memref<16x1024xf32, #tpu.memory_space<vmem>>)
    %scan3A = arith.constant 0 : i32
    %scan3A_32 = arith.constant 0 : i32
    %scan3A_33 = arith.constant 16 : i32
    %scan3A_34 = arith.addi %scan3A_32, %scan3A_33 : i32
    %scan3A_35 = arith.constant 1 : i32
    %scan3A_36 = scf.for %scan3A_305 = %scan3A_32 to %scan3A_34 step %scan3A_35 iter_args(%scan3A_306 = %scan3A) -> (i32)  : i32 {
      %scan3A_307 = arith.constant 0 : i32
      %scan3A_308 = arith.constant 64 : i32
      %scan3A_309 = arith.addi %scan3A_307, %scan3A_308 : i32
      %scan3A_310 = arith.constant 8 : i32
      %scan3A_311:2 = scf.for %scan3A_326 = %scan3A_307 to %scan3A_309 step %scan3A_310 iter_args(%scan3A_327 = %broadcast_in_dim3A_5, %scan3A_328 = %broadcast_in_dim3A_5) -> (vector<16xf32>, vector<16xf32>)  : i32 {
        %mul3A_329 = arith.constant 16 : i32
        %mul3A_330 = arith.muli %scan3A_326, %mul3A_329 : i32
        %get3A = arith.index_cast %scan3A_305 : i32 to index
        %get3A_331 = arith.index_cast %mul3A_330 : i32 to index
        %get3A_332 = tpu.vector_load %arg5[%get3A, %get3A_331] {strides = array<i32>} : memref<16x1024xf32, #tpu.memory_space<vmem>>, vector<16xf32>,
        %mul3A_333 = arith.constant 16 : i32
        %mul3A_334 = arith.muli %scan3A_326, %mul3A_333 : i32
        %get3A_335 = arith.index_cast %scan3A_305 : i32 to index
        %get3A_336 = arith.index_cast %mul3A_334 : i32 to index
        %get3A_337 = tpu.vector_load %arg7[%get3A_335, %get3A_336] {strides = array<i32>} : memref<16x1024xf32, #tpu.memory_space<vmem>>, vector<16xf32>,
        %add3A_338 = arith.addf %scan3A_327, %get3A_332 : vector<16xf32>
        %sub3A = arith.subf %get3A_337, %get3A_332 : vector<16xf32>
        %abs3A = math.absf %sub3A : vector<16xf32>
        %add3A_339 = arith.addf %scan3A_328, %abs3A : vector<16xf32>
        %scan3A_340 = arith.constant 1 : i32
        %scan3A_341 = arith.addi %scan3A_326, %scan3A_340 : i32
        %mul3A_342 = arith.constant 16 : i32
        %mul3A_343 = arith.muli %scan3A_341, %mul3A_342 : i32
        %get3A_344 = arith.index_cast %scan3A_305 : i32 to index
        %get3A_345 = arith.index_cast %mul3A_343 : i32 to index
        %get3A_346 = tpu.vector_load %arg5[%get3A_344, %get3A_345] {strides = array<i32>} : memref<16x1024xf32, #tpu.memory_space<vmem>>, vector<16xf32>,
        %mul3A_347 = arith.constant 16 : i32
        %mul3A_348 = arith.muli %scan3A_341, %mul3A_347 : i32
        %get3A_349 = arith.index_cast %scan3A_305 : i32 to index
        %get3A_350 = arith.index_cast %mul3A_348 : i32 to index
        %get3A_351 = tpu.vector_load %arg7[%get3A_349, %get3A_350] {strides = array<i32>} : memref<16x1024xf32, #tpu.memory_space<vmem>>, vector<16xf32>,
        %add3A_352 = arith.addf %add3A_338, %get3A_346 : vector<16xf32>
        %sub3A_353 = arith.subf %get3A_351, %get3A_346 : vector<16xf32>
        %abs3A_354 = math.absf %sub3A_353 : vector<16xf32>
        %add3A_355 = arith.addf %add3A_339, %abs3A_354 : vector<16xf32>
        %scan3A_356 = arith.constant 2 : i32
        %scan3A_357 = arith.addi %scan3A_326, %scan3A_356 : i32
        %mul3A_358 = arith.constant 16 : i32
        %mul3A_359 = arith.muli %scan3A_357, %mul3A_358 : i32
        %get3A_360 = arith.index_cast %scan3A_305 : i32 to index
        %get3A_361 = arith.index_cast %mul3A_359 : i32 to index
        %get3A_362 = tpu.vector_load %arg5[%get3A_360, %get3A_361] {strides = array<i32>} : memref<16x1024xf32, #tpu.memory_space<vmem>>, vector<16xf32>,
        %mul3A_363 = arith.constant 16 : i32
        %mul3A_364 = arith.muli %scan3A_357, %mul3A_363 : i32
        %get3A_365 = arith.index_cast %scan3A_305 : i32 to index
        %get3A_366 = arith.index_cast %mul3A_364 : i32 to index
        %get3A_367 = tpu.vector_load %arg7[%get3A_365, %get3A_366] {strides = array<i32>} : memref<16x1024xf32, #tpu.memory_space<vmem>>, vector<16xf32>,
        %add3A_368 = arith.addf %add3A_352, %get3A_362 : vector<16xf32>
        %sub3A_369 = arith.subf %get3A_367, %get3A_362 : vector<16xf32>
        %abs3A_370 = math.absf %sub3A_369 : vector<16xf32>
        %add3A_371 = arith.addf %add3A_355, %abs3A_370 : vector<16xf32>
        %scan3A_372 = arith.constant 3 : i32
        %scan3A_373 = arith.addi %scan3A_326, %scan3A_372 : i32
        %mul3A_374 = arith.constant 16 : i32
        %mul3A_375 = arith.muli %scan3A_373, %mul3A_374 : i32
        %get3A_376 = arith.index_cast %scan3A_305 : i32 to index
        %get3A_377 = arith.index_cast %mul3A_375 : i32 to index
        %get3A_378 = tpu.vector_load %arg5[%get3A_376, %get3A_377] {strides = array<i32>} : memref<16x1024xf32, #tpu.memory_space<vmem>>, vector<16xf32>,
        %mul3A_379 = arith.constant 16 : i32
        %mul3A_380 = arith.muli %scan3A_373, %mul3A_379 : i32
        %get3A_381 = arith.index_cast %scan3A_305 : i32 to index
        %get3A_382 = arith.index_cast %mul3A_380 : i32 to index
        %get3A_383 = tpu.vector_load %arg7[%get3A_381, %get3A_382] {strides = array<i32>} : memref<16x1024xf32, #tpu.memory_space<vmem>>, vector<16xf32>,
        %add3A_384 = arith.addf %add3A_368, %get3A_378 : vector<16xf32>
        %sub3A_385 = arith.subf %get3A_383, %get3A_378 : vector<16xf32>
        %abs3A_386 = math.absf %sub3A_385 : vector<16xf32>
        %add3A_387 = arith.addf %add3A_371, %abs3A_386 : vector<16xf32>
        %scan3A_388 = arith.constant 4 : i32
        %scan3A_389 = arith.addi %scan3A_326, %scan3A_388 : i32
        %mul3A_390 = arith.constant 16 : i32
        %mul3A_391 = arith.muli %scan3A_389, %mul3A_390 : i32
        %get3A_392 = arith.index_cast %scan3A_305 : i32 to index
        %get3A_393 = arith.index_cast %mul3A_391 : i32 to index
        %get3A_394 = tpu.vector_load %arg5[%get3A_392, %get3A_393] {strides = array<i32>} : memref<16x1024xf32, #tpu.memory_space<vmem>>, vector<16xf32>,
        %mul3A_395 = arith.constant 16 : i32
        %mul3A_396 = arith.muli %scan3A_389, %mul3A_395 : i32
        %get3A_397 = arith.index_cast %scan3A_305 : i32 to index
        %get3A_398 = arith.index_cast %mul3A_396 : i32 to index
        %get3A_399 = tpu.vector_load %arg7[%get3A_397, %get3A_398] {strides = array<i32>} : memref<16x1024xf32, #tpu.memory_space<vmem>>, vector<16xf32>,
        %add3A_400 = arith.addf %add3A_384, %get3A_394 : vector<16xf32>
        %sub3A_401 = arith.subf %get3A_399, %get3A_394 : vector<16xf32>
        %abs3A_402 = math.absf %sub3A_401 : vector<16xf32>
        %add3A_403 = arith.addf %add3A_387, %abs3A_402 : vector<16xf32>
        %scan3A_404 = arith.constant 5 : i32
        %scan3A_405 = arith.addi %scan3A_326, %scan3A_404 : i32
        %mul3A_406 = arith.constant 16 : i32
        %mul3A_407 = arith.muli %scan3A_405, %mul3A_406 : i32
        %get3A_408 = arith.index_cast %scan3A_305 : i32 to index
        %get3A_409 = arith.index_cast %mul3A_407 : i32 to index
        %get3A_410 = tpu.vector_load %arg5[%get3A_408, %get3A_409] {strides = array<i32>} : memref<16x1024xf32, #tpu.memory_space<vmem>>, vector<16xf32>,
        %mul3A_411 = arith.constant 16 : i32
        %mul3A_412 = arith.muli %scan3A_405, %mul3A_411 : i32
        %get3A_413 = arith.index_cast %scan3A_305 : i32 to index
        %get3A_414 = arith.index_cast %mul3A_412 : i32 to index
        %get3A_415 = tpu.vector_load %arg7[%get3A_413, %get3A_414] {strides = array<i32>} : memref<16x1024xf32, #tpu.memory_space<vmem>>, vector<16xf32>,
        %add3A_416 = arith.addf %add3A_400, %get3A_410 : vector<16xf32>
        %sub3A_417 = arith.subf %get3A_415, %get3A_410 : vector<16xf32>
        %abs3A_418 = math.absf %sub3A_417 : vector<16xf32>
        %add3A_419 = arith.addf %add3A_403, %abs3A_418 : vector<16xf32>
        %scan3A_420 = arith.constant 6 : i32
        %scan3A_421 = arith.addi %scan3A_326, %scan3A_420 : i32
        %mul3A_422 = arith.constant 16 : i32
        %mul3A_423 = arith.muli %scan3A_421, %mul3A_422 : i32
        %get3A_424 = arith.index_cast %scan3A_305 : i32 to index
        %get3A_425 = arith.index_cast %mul3A_423 : i32 to index
        %get3A_426 = tpu.vector_load %arg5[%get3A_424, %get3A_425] {strides = array<i32>} : memref<16x1024xf32, #tpu.memory_space<vmem>>, vector<16xf32>,
        %mul3A_427 = arith.constant 16 : i32
        %mul3A_428 = arith.muli %scan3A_421, %mul3A_427 : i32
        %get3A_429 = arith.index_cast %scan3A_305 : i32 to index
        %get3A_430 = arith.index_cast %mul3A_428 : i32 to index
        %get3A_431 = tpu.vector_load %arg7[%get3A_429, %get3A_430] {strides = array<i32>} : memref<16x1024xf32, #tpu.memory_space<vmem>>, vector<16xf32>,
        %add3A_432 = arith.addf %add3A_416, %get3A_426 : vector<16xf32>
        %sub3A_433 = arith.subf %get3A_431, %get3A_426 : vector<16xf32>
        %abs3A_434 = math.absf %sub3A_433 : vector<16xf32>
        %add3A_435 = arith.addf %add3A_419, %abs3A_434 : vector<16xf32>
        %scan3A_436 = arith.constant 7 : i32
        %scan3A_437 = arith.addi %scan3A_326, %scan3A_436 : i32
        %mul3A_438 = arith.constant 16 : i32
        %mul3A_439 = arith.muli %scan3A_437, %mul3A_438 : i32
        %get3A_440 = arith.index_cast %scan3A_305 : i32 to index
        %get3A_441 = arith.index_cast %mul3A_439 : i32 to index
        %get3A_442 = tpu.vector_load %arg5[%get3A_440, %get3A_441] {strides = array<i32>} : memref<16x1024xf32, #tpu.memory_space<vmem>>, vector<16xf32>,
        %mul3A_443 = arith.constant 16 : i32
        %mul3A_444 = arith.muli %scan3A_437, %mul3A_443 : i32
        %get3A_445 = arith.index_cast %scan3A_305 : i32 to index
        %get3A_446 = arith.index_cast %mul3A_444 : i32 to index
        %get3A_447 = tpu.vector_load %arg7[%get3A_445, %get3A_446] {strides = array<i32>} : memref<16x1024xf32, #tpu.memory_space<vmem>>, vector<16xf32>,
        %add3A_448 = arith.addf %add3A_432, %get3A_442 : vector<16xf32>
        %sub3A_449 = arith.subf %get3A_447, %get3A_442 : vector<16xf32>
        %abs3A_450 = math.absf %sub3A_449 : vector<16xf32>
        %add3A_451 = arith.addf %add3A_435, %abs3A_450 : vector<16xf32>
        scf.yield %add3A_448, %add3A_451 : vector<16xf32>, vector<16xf32>
      }
      %scan3A_312 = arith.constant 64 : i32
      %add3A_313 = arith.constant 0 : i32
      %add3A_314 = arith.addi %add3A_313, %scan3A_305 : i32
      %shift_right_logical3A = arith.constant 2 : i32
      %shift_right_logical3A_315 = arith.shrui %add3A_314, %shift_right_logical3A : i32
      %and3A = arith.constant 3 : i32
      %and3A_316 = arith.andi %add3A_314, %and3A : i32
      %shift_left3A = arith.constant 5 : i32
      %shift_left3A_317 = arith.shli %and3A_316, %shift_left3A : i32
      %swap3A = arith.index_cast %shift_right_logical3A_315 : i32 to index
      %swap3A_318 = arith.index_cast %shift_left3A_317 : i32 to index
      %swap3A_319 = tpu.vector_load %arg9[%swap3A, %swap3A_318] {strides = array<i32>} : memref<48x128xf32, #tpu.memory_space<vmem>>, vector<16xf32>,
      tpu.vector_store %arg9[%swap3A, %swap3A_318], %scan3A_311#0 {strides = array<i32>} : memref<48x128xf32, #tpu.memory_space<vmem>>, vector<16xf32>,
      %add3A_320 = arith.constant 16 : i32
      %add3A_321 = arith.addi %shift_left3A_317, %add3A_320 : i32
      %swap3A_322 = arith.index_cast %shift_right_logical3A_315 : i32 to index
      %swap3A_323 = arith.index_cast %add3A_321 : i32 to index
      %swap3A_324 = tpu.vector_load %arg9[%swap3A_322, %swap3A_323] {strides = array<i32>} : memref<48x128xf32, #tpu.memory_space<vmem>>, vector<16xf32>,
      tpu.vector_store %arg9[%swap3A_322, %swap3A_323], %scan3A_311#1 {strides = array<i32>} : memref<48x128xf32, #tpu.memory_space<vmem>>, vector<16xf32>,
      %scan3A_325 = arith.constant 0 : i32
      scf.yield %scan3A_325 : i32
    }
    %scan3A_37 = arith.constant 16 : i32
    %add3A_38 = arith.constant 32 : i32
    %add3A_39 = arith.addi %add3A_4, %add3A_38 : i32
    %dma_start3A_40 = arith.constant 0 : i32
    %dma_start3A_41 = tpu.memref_slice %arg2[%add3A_39, %dma_start3A_40] : memref<16384x1024xf32, #tpu.memory_space<hbm>> -> memref<16x1024xf32, #tpu.memory_space<hbm>>
    %dma_start3A_42 = arith.constant 0 : i32
    %dma_start3A_43 = tpu.memref_slice %arg2[%add3A_39, %dma_start3A_42] : memref<16384x1024xf32, #tpu.memory_space<hbm>> -> memref<16x1024xf32, #tpu.memory_space<hbm>>
    tpu.enqueue_dma source(%dma_start3A_43 : memref<16x1024xf32, #tpu.memory_space<hbm>>) target(%arg5 : memref<16x1024xf32, #tpu.memory_space<vmem>>) target_semaphore(%arg10 : memref<!tpu.dma_semaphore, #tpu.memory_space<semaphore_mem>>)
    %dma_start3A_44 = arith.constant 0 : i32
    %dma_start3A_45 = tpu.memref_slice %arg3[%add3A_39, %dma_start3A_44] : memref<16384x1024xf32, #tpu.memory_space<hbm>> -> memref<16x1024xf32, #tpu.memory_space<hbm>>
    %dma_start3A_46 = arith.constant 0 : i32
    %dma_start3A_47 = tpu.memref_slice %arg3[%add3A_39, %dma_start3A_46] : memref<16384x1024xf32, #tpu.memory_space<hbm>> -> memref<16x1024xf32, #tpu.memory_space<hbm>>
    tpu.enqueue_dma source(%dma_start3A_47 : memref<16x1024xf32, #tpu.memory_space<hbm>>) target(%arg7 : memref<16x1024xf32, #tpu.memory_space<vmem>>) target_semaphore(%arg12 : memref<!tpu.dma_semaphore, #tpu.memory_space<semaphore_mem>>)
    %dma_wait3A_48 = arith.constant 0 : i32
    %dma_wait3A_49 = tpu.memref_slice %arg2[%add3A_16, %dma_wait3A_48] : memref<16384x1024xf32, #tpu.memory_space<hbm>> -> memref<16x1024xf32, #tpu.memory_space<hbm>>
    %dma_wait3A_50 = arith.constant 0 : i32
    %dma_wait3A_51 = tpu.memref_slice %arg2[%add3A_16, %dma_wait3A_50] : memref<16384x1024xf32, #tpu.memory_space<hbm>> -> memref<16x1024xf32, #tpu.memory_space<hbm>>
    tpu.wait_dma2 semaphore(%arg11 : memref<!tpu.dma_semaphore, #tpu.memory_space<semaphore_mem>>) src(%dma_wait3A_51 : memref<16x1024xf32, #tpu.memory_space<hbm>>) dst(%arg6 : memref<16x1024xf32, #tpu.memory_space<vmem>>)
    %dma_wait3A_52 = arith.constant 0 : i32
    %dma_wait3A_53 = tpu.memref_slice %arg3[%add3A_16, %dma_wait3A_52] : memref<16384x1024xf32, #tpu.memory_space<hbm>> -> memref<16x1024xf32, #tpu.memory_space<hbm>>
    %dma_wait3A_54 = arith.constant 0 : i32
    %dma_wait3A_55 = tpu.memref_slice %arg3[%add3A_16, %dma_wait3A_54] : memref<16384x1024xf32, #tpu.memory_space<hbm>> -> memref<16x1024xf32, #tpu.memory_space<hbm>>
    tpu.wait_dma2 semaphore(%arg13 : memref<!tpu.dma_semaphore, #tpu.memory_space<semaphore_mem>>) src(%dma_wait3A_55 : memref<16x1024xf32, #tpu.memory_space<hbm>>) dst(%arg8 : memref<16x1024xf32, #tpu.memory_space<vmem>>)
    %scan3A_56 = arith.constant 0 : i32
    %scan3A_57 = arith.constant 0 : i32
    %scan3A_58 = arith.constant 16 : i32
    %scan3A_59 = arith.addi %scan3A_57, %scan3A_58 : i32
    %scan3A_60 = arith.constant 1 : i32
    %scan3A_61 = scf.for %scan3A_305 = %scan3A_57 to %scan3A_59 step %scan3A_60 iter_args(%scan3A_306 = %scan3A_56) -> (i32)  : i32 {
      %scan3A_307 = arith.constant 0 : i32
      %scan3A_308 = arith.constant 64 : i32
      %scan3A_309 = arith.addi %scan3A_307, %scan3A_308 : i32
      %scan3A_310 = arith.constant 8 : i32
      %scan3A_311:2 = scf.for %scan3A_326 = %scan3A_307 to %scan3A_309 step %scan3A_310 iter_args(%scan3A_327 = %broadcast_in_dim3A_5, %scan3A_328 = %broadcast_in_dim3A_5) -> (vector<16xf32>, vector<16xf32>)  : i32 {
        %mul3A_329 = arith.constant 16 : i32
        %mul3A_330 = arith.muli %scan3A_326, %mul3A_329 : i32
        %get3A = arith.index_cast %scan3A_305 : i32 to index
        %get3A_331 = arith.index_cast %mul3A_330 : i32 to index
        %get3A_332 = tpu.vector_load %arg6[%get3A, %get3A_331] {strides = array<i32>} : memref<16x1024xf32, #tpu.memory_space<vmem>>, vector<16xf32>,
        %mul3A_333 = arith.constant 16 : i32
        %mul3A_334 = arith.muli %scan3A_326, %mul3A_333 : i32
        %get3A_335 = arith.index_cast %scan3A_305 : i32 to index
        %get3A_336 = arith.index_cast %mul3A_334 : i32 to index
        %get3A_337 = tpu.vector_load %arg8[%get3A_335, %get3A_336] {strides = array<i32>} : memref<16x1024xf32, #tpu.memory_space<vmem>>, vector<16xf32>,
        %add3A_338 = arith.addf %scan3A_327, %get3A_332 : vector<16xf32>
        %sub3A = arith.subf %get3A_337, %get3A_332 : vector<16xf32>
        %abs3A = math.absf %sub3A : vector<16xf32>
        %add3A_339 = arith.addf %scan3A_328, %abs3A : vector<16xf32>
        %scan3A_340 = arith.constant 1 : i32
        %scan3A_341 = arith.addi %scan3A_326, %scan3A_340 : i32
        %mul3A_342 = arith.constant 16 : i32
        %mul3A_343 = arith.muli %scan3A_341, %mul3A_342 : i32
        %get3A_344 = arith.index_cast %scan3A_305 : i32 to index
        %get3A_345 = arith.index_cast %mul3A_343 : i32 to index
        %get3A_346 = tpu.vector_load %arg6[%get3A_344, %get3A_345] {strides = array<i32>} : memref<16x1024xf32, #tpu.memory_space<vmem>>, vector<16xf32>,
        %mul3A_347 = arith.constant 16 : i32
        %mul3A_348 = arith.muli %scan3A_341, %mul3A_347 : i32
        %get3A_349 = arith.index_cast %scan3A_305 : i32 to index
        %get3A_350 = arith.index_cast %mul3A_348 : i32 to index
        %get3A_351 = tpu.vector_load %arg8[%get3A_349, %get3A_350] {strides = array<i32>} : memref<16x1024xf32, #tpu.memory_space<vmem>>, vector<16xf32>,
        %add3A_352 = arith.addf %add3A_338, %get3A_346 : vector<16xf32>
        %sub3A_353 = arith.subf %get3A_351, %get3A_346 : vector<16xf32>
        %abs3A_354 = math.absf %sub3A_353 : vector<16xf32>
        %add3A_355 = arith.addf %add3A_339, %abs3A_354 : vector<16xf32>
        %scan3A_356 = arith.constant 2 : i32
        %scan3A_357 = arith.addi %scan3A_326, %scan3A_356 : i32
        %mul3A_358 = arith.constant 16 : i32
        %mul3A_359 = arith.muli %scan3A_357, %mul3A_358 : i32
        %get3A_360 = arith.index_cast %scan3A_305 : i32 to index
        %get3A_361 = arith.index_cast %mul3A_359 : i32 to index
        %get3A_362 = tpu.vector_load %arg6[%get3A_360, %get3A_361] {strides = array<i32>} : memref<16x1024xf32, #tpu.memory_space<vmem>>, vector<16xf32>,
        %mul3A_363 = arith.constant 16 : i32
        %mul3A_364 = arith.muli %scan3A_357, %mul3A_363 : i32
        %get3A_365 = arith.index_cast %scan3A_305 : i32 to index
        %get3A_366 = arith.index_cast %mul3A_364 : i32 to index
        %get3A_367 = tpu.vector_load %arg8[%get3A_365, %get3A_366] {strides = array<i32>} : memref<16x1024xf32, #tpu.memory_space<vmem>>, vector<16xf32>,
        %add3A_368 = arith.addf %add3A_352, %get3A_362 : vector<16xf32>
        %sub3A_369 = arith.subf %get3A_367, %get3A_362 : vector<16xf32>
        %abs3A_370 = math.absf %sub3A_369 : vector<16xf32>
        %add3A_371 = arith.addf %add3A_355, %abs3A_370 : vector<16xf32>
        %scan3A_372 = arith.constant 3 : i32
        %scan3A_373 = arith.addi %scan3A_326, %scan3A_372 : i32
        %mul3A_374 = arith.constant 16 : i32
        %mul3A_375 = arith.muli %scan3A_373, %mul3A_374 : i32
        %get3A_376 = arith.index_cast %scan3A_305 : i32 to index
        %get3A_377 = arith.index_cast %mul3A_375 : i32 to index
        %get3A_378 = tpu.vector_load %arg6[%get3A_376, %get3A_377] {strides = array<i32>} : memref<16x1024xf32, #tpu.memory_space<vmem>>, vector<16xf32>,
        %mul3A_379 = arith.constant 16 : i32
        %mul3A_380 = arith.muli %scan3A_373, %mul3A_379 : i32
        %get3A_381 = arith.index_cast %scan3A_305 : i32 to index
        %get3A_382 = arith.index_cast %mul3A_380 : i32 to index
        %get3A_383 = tpu.vector_load %arg8[%get3A_381, %get3A_382] {strides = array<i32>} : memref<16x1024xf32, #tpu.memory_space<vmem>>, vector<16xf32>,
        %add3A_384 = arith.addf %add3A_368, %get3A_378 : vector<16xf32>
        %sub3A_385 = arith.subf %get3A_383, %get3A_378 : vector<16xf32>
        %abs3A_386 = math.absf %sub3A_385 : vector<16xf32>
        %add3A_387 = arith.addf %add3A_371, %abs3A_386 : vector<16xf32>
        %scan3A_388 = arith.constant 4 : i32
        %scan3A_389 = arith.addi %scan3A_326, %scan3A_388 : i32
        %mul3A_390 = arith.constant 16 : i32
        %mul3A_391 = arith.muli %scan3A_389, %mul3A_390 : i32
        %get3A_392 = arith.index_cast %scan3A_305 : i32 to index
        %get3A_393 = arith.index_cast %mul3A_391 : i32 to index
        %get3A_394 = tpu.vector_load %arg6[%get3A_392, %get3A_393] {strides = array<i32>} : memref<16x1024xf32, #tpu.memory_space<vmem>>, vector<16xf32>,
        %mul3A_395 = arith.constant 16 : i32
        %mul3A_396 = arith.muli %scan3A_389, %mul3A_395 : i32
        %get3A_397 = arith.index_cast %scan3A_305 : i32 to index
        %get3A_398 = arith.index_cast %mul3A_396 : i32 to index
        %get3A_399 = tpu.vector_load %arg8[%get3A_397, %get3A_398] {strides = array<i32>} : memref<16x1024xf32, #tpu.memory_space<vmem>>, vector<16xf32>,
        %add3A_400 = arith.addf %add3A_384, %get3A_394 : vector<16xf32>
        %sub3A_401 = arith.subf %get3A_399, %get3A_394 : vector<16xf32>
        %abs3A_402 = math.absf %sub3A_401 : vector<16xf32>
        %add3A_403 = arith.addf %add3A_387, %abs3A_402 : vector<16xf32>
        %scan3A_404 = arith.constant 5 : i32
        %scan3A_405 = arith.addi %scan3A_326, %scan3A_404 : i32
        %mul3A_406 = arith.constant 16 : i32
        %mul3A_407 = arith.muli %scan3A_405, %mul3A_406 : i32
        %get3A_408 = arith.index_cast %scan3A_305 : i32 to index
        %get3A_409 = arith.index_cast %mul3A_407 : i32 to index
        %get3A_410 = tpu.vector_load %arg6[%get3A_408, %get3A_409] {strides = array<i32>} : memref<16x1024xf32, #tpu.memory_space<vmem>>, vector<16xf32>,
        %mul3A_411 = arith.constant 16 : i32
        %mul3A_412 = arith.muli %scan3A_405, %mul3A_411 : i32
        %get3A_413 = arith.index_cast %scan3A_305 : i32 to index
        %get3A_414 = arith.index_cast %mul3A_412 : i32 to index
        %get3A_415 = tpu.vector_load %arg8[%get3A_413, %get3A_414] {strides = array<i32>} : memref<16x1024xf32, #tpu.memory_space<vmem>>, vector<16xf32>,
        %add3A_416 = arith.addf %add3A_400, %get3A_410 : vector<16xf32>
        %sub3A_417 = arith.subf %get3A_415, %get3A_410 : vector<16xf32>
        %abs3A_418 = math.absf %sub3A_417 : vector<16xf32>
        %add3A_419 = arith.addf %add3A_403, %abs3A_418 : vector<16xf32>
        %scan3A_420 = arith.constant 6 : i32
        %scan3A_421 = arith.addi %scan3A_326, %scan3A_420 : i32
        %mul3A_422 = arith.constant 16 : i32
        %mul3A_423 = arith.muli %scan3A_421, %mul3A_422 : i32
        %get3A_424 = arith.index_cast %scan3A_305 : i32 to index
        %get3A_425 = arith.index_cast %mul3A_423 : i32 to index
        %get3A_426 = tpu.vector_load %arg6[%get3A_424, %get3A_425] {strides = array<i32>} : memref<16x1024xf32, #tpu.memory_space<vmem>>, vector<16xf32>,
        %mul3A_427 = arith.constant 16 : i32
        %mul3A_428 = arith.muli %scan3A_421, %mul3A_427 : i32
        %get3A_429 = arith.index_cast %scan3A_305 : i32 to index
        %get3A_430 = arith.index_cast %mul3A_428 : i32 to index
        %get3A_431 = tpu.vector_load %arg8[%get3A_429, %get3A_430] {strides = array<i32>} : memref<16x1024xf32, #tpu.memory_space<vmem>>, vector<16xf32>,
        %add3A_432 = arith.addf %add3A_416, %get3A_426 : vector<16xf32>
        %sub3A_433 = arith.subf %get3A_431, %get3A_426 : vector<16xf32>
        %abs3A_434 = math.absf %sub3A_433 : vector<16xf32>
        %add3A_435 = arith.addf %add3A_419, %abs3A_434 : vector<16xf32>
        %scan3A_436 = arith.constant 7 : i32
        %scan3A_437 = arith.addi %scan3A_326, %scan3A_436 : i32
        %mul3A_438 = arith.constant 16 : i32
        %mul3A_439 = arith.muli %scan3A_437, %mul3A_438 : i32
        %get3A_440 = arith.index_cast %scan3A_305 : i32 to index
        %get3A_441 = arith.index_cast %mul3A_439 : i32 to index
        %get3A_442 = tpu.vector_load %arg6[%get3A_440, %get3A_441] {strides = array<i32>} : memref<16x1024xf32, #tpu.memory_space<vmem>>, vector<16xf32>,
        %mul3A_443 = arith.constant 16 : i32
        %mul3A_444 = arith.muli %scan3A_437, %mul3A_443 : i32
        %get3A_445 = arith.index_cast %scan3A_305 : i32 to index
        %get3A_446 = arith.index_cast %mul3A_444 : i32 to index
        %get3A_447 = tpu.vector_load %arg8[%get3A_445, %get3A_446] {strides = array<i32>} : memref<16x1024xf32, #tpu.memory_space<vmem>>, vector<16xf32>,
        %add3A_448 = arith.addf %add3A_432, %get3A_442 : vector<16xf32>
        %sub3A_449 = arith.subf %get3A_447, %get3A_442 : vector<16xf32>
        %abs3A_450 = math.absf %sub3A_449 : vector<16xf32>
        %add3A_451 = arith.addf %add3A_435, %abs3A_450 : vector<16xf32>
        scf.yield %add3A_448, %add3A_451 : vector<16xf32>, vector<16xf32>
      }
      %scan3A_312 = arith.constant 64 : i32
      %add3A_313 = arith.constant 16 : i32
      %add3A_314 = arith.addi %add3A_313, %scan3A_305 : i32
      %shift_right_logical3A = arith.constant 2 : i32
      %shift_right_logical3A_315 = arith.shrui %add3A_314, %shift_right_logical3A : i32
      %and3A = arith.constant 3 : i32
      %and3A_316 = arith.andi %add3A_314, %and3A : i32
      %shift_left3A = arith.constant 5 : i32
      %shift_left3A_317 = arith.shli %and3A_316, %shift_left3A : i32
      %swap3A = arith.index_cast %shift_right_logical3A_315 : i32 to index
      %swap3A_318 = arith.index_cast %shift_left3A_317 : i32 to index
      %swap3A_319 = tpu.vector_load %arg9[%swap3A, %swap3A_318] {strides = array<i32>} : memref<48x128xf32, #tpu.memory_space<vmem>>, vector<16xf32>,
      tpu.vector_store %arg9[%swap3A, %swap3A_318], %scan3A_311#0 {strides = array<i32>} : memref<48x128xf32, #tpu.memory_space<vmem>>, vector<16xf32>,
      %add3A_320 = arith.constant 16 : i32
      %add3A_321 = arith.addi %shift_left3A_317, %add3A_320 : i32
      %swap3A_322 = arith.index_cast %shift_right_logical3A_315 : i32 to index
      %swap3A_323 = arith.index_cast %add3A_321 : i32 to index
      %swap3A_324 = tpu.vector_load %arg9[%swap3A_322, %swap3A_323] {strides = array<i32>} : memref<48x128xf32, #tpu.memory_space<vmem>>, vector<16xf32>,
      tpu.vector_store %arg9[%swap3A_322, %swap3A_323], %scan3A_311#1 {strides = array<i32>} : memref<48x128xf32, #tpu.memory_space<vmem>>, vector<16xf32>,
      %scan3A_325 = arith.constant 0 : i32
      scf.yield %scan3A_325 : i32
    }
    %scan3A_62 = arith.constant 16 : i32
    %add3A_63 = arith.constant 48 : i32
    %add3A_64 = arith.addi %add3A_4, %add3A_63 : i32
    %dma_start3A_65 = arith.constant 0 : i32
    %dma_start3A_66 = tpu.memref_slice %arg2[%add3A_64, %dma_start3A_65] : memref<16384x1024xf32, #tpu.memory_space<hbm>> -> memref<16x1024xf32, #tpu.memory_space<hbm>>
    %dma_start3A_67 = arith.constant 0 : i32
    %dma_start3A_68 = tpu.memref_slice %arg2[%add3A_64, %dma_start3A_67] : memref<16384x1024xf32, #tpu.memory_space<hbm>> -> memref<16x1024xf32, #tpu.memory_space<hbm>>
    tpu.enqueue_dma source(%dma_start3A_68 : memref<16x1024xf32, #tpu.memory_space<hbm>>) target(%arg6 : memref<16x1024xf32, #tpu.memory_space<vmem>>) target_semaphore(%arg11 : memref<!tpu.dma_semaphore, #tpu.memory_space<semaphore_mem>>)
    %dma_start3A_69 = arith.constant 0 : i32
    %dma_start3A_70 = tpu.memref_slice %arg3[%add3A_64, %dma_start3A_69] : memref<16384x1024xf32, #tpu.memory_space<hbm>> -> memref<16x1024xf32, #tpu.memory_space<hbm>>
    %dma_start3A_71 = arith.constant 0 : i32
    %dma_start3A_72 = tpu.memref_slice %arg3[%add3A_64, %dma_start3A_71] : memref<16384x1024xf32, #tpu.memory_space<hbm>> -> memref<16x1024xf32, #tpu.memory_space<hbm>>
    tpu.enqueue_dma source(%dma_start3A_72 : memref<16x1024xf32, #tpu.memory_space<hbm>>) target(%arg8 : memref<16x1024xf32, #tpu.memory_space<vmem>>) target_semaphore(%arg13 : memref<!tpu.dma_semaphore, #tpu.memory_space<semaphore_mem>>)
    %dma_wait3A_73 = arith.constant 0 : i32
    %dma_wait3A_74 = tpu.memref_slice %arg2[%add3A_39, %dma_wait3A_73] : memref<16384x1024xf32, #tpu.memory_space<hbm>> -> memref<16x1024xf32, #tpu.memory_space<hbm>>
    %dma_wait3A_75 = arith.constant 0 : i32
    %dma_wait3A_76 = tpu.memref_slice %arg2[%add3A_39, %dma_wait3A_75] : memref<16384x1024xf32, #tpu.memory_space<hbm>> -> memref<16x1024xf32, #tpu.memory_space<hbm>>
    tpu.wait_dma2 semaphore(%arg10 : memref<!tpu.dma_semaphore, #tpu.memory_space<semaphore_mem>>) src(%dma_wait3A_76 : memref<16x1024xf32, #tpu.memory_space<hbm>>) dst(%arg5 : memref<16x1024xf32, #tpu.memory_space<vmem>>)
    %dma_wait3A_77 = arith.constant 0 : i32
    %dma_wait3A_78 = tpu.memref_slice %arg3[%add3A_39, %dma_wait3A_77] : memref<16384x1024xf32, #tpu.memory_space<hbm>> -> memref<16x1024xf32, #tpu.memory_space<hbm>>
    %dma_wait3A_79 = arith.constant 0 : i32
    %dma_wait3A_80 = tpu.memref_slice %arg3[%add3A_39, %dma_wait3A_79] : memref<16384x1024xf32, #tpu.memory_space<hbm>> -> memref<16x1024xf32, #tpu.memory_space<hbm>>
    tpu.wait_dma2 semaphore(%arg12 : memref<!tpu.dma_semaphore, #tpu.memory_space<semaphore_mem>>) src(%dma_wait3A_80 : memref<16x1024xf32, #tpu.memory_space<hbm>>) dst(%arg7 : memref<16x1024xf32, #tpu.memory_space<vmem>>)
    %scan3A_81 = arith.constant 0 : i32
    %scan3A_82 = arith.constant 0 : i32
    %scan3A_83 = arith.constant 16 : i32
    %scan3A_84 = arith.addi %scan3A_82, %scan3A_83 : i32
    %scan3A_85 = arith.constant 1 : i32
    %scan3A_86 = scf.for %scan3A_305 = %scan3A_82 to %scan3A_84 step %scan3A_85 iter_args(%scan3A_306 = %scan3A_81) -> (i32)  : i32 {
      %scan3A_307 = arith.constant 0 : i32
      %scan3A_308 = arith.constant 64 : i32
      %scan3A_309 = arith.addi %scan3A_307, %scan3A_308 : i32
      %scan3A_310 = arith.constant 8 : i32
      %scan3A_311:2 = scf.for %scan3A_326 = %scan3A_307 to %scan3A_309 step %scan3A_310 iter_args(%scan3A_327 = %broadcast_in_dim3A_5, %scan3A_328 = %broadcast_in_dim3A_5) -> (vector<16xf32>, vector<16xf32>)  : i32 {
        %mul3A_329 = arith.constant 16 : i32
        %mul3A_330 = arith.muli %scan3A_326, %mul3A_329 : i32
        %get3A = arith.index_cast %scan3A_305 : i32 to index
        %get3A_331 = arith.index_cast %mul3A_330 : i32 to index
        %get3A_332 = tpu.vector_load %arg5[%get3A, %get3A_331] {strides = array<i32>} : memref<16x1024xf32, #tpu.memory_space<vmem>>, vector<16xf32>,
        %mul3A_333 = arith.constant 16 : i32
        %mul3A_334 = arith.muli %scan3A_326, %mul3A_333 : i32
        %get3A_335 = arith.index_cast %scan3A_305 : i32 to index
        %get3A_336 = arith.index_cast %mul3A_334 : i32 to index
        %get3A_337 = tpu.vector_load %arg7[%get3A_335, %get3A_336] {strides = array<i32>} : memref<16x1024xf32, #tpu.memory_space<vmem>>, vector<16xf32>,
        %add3A_338 = arith.addf %scan3A_327, %get3A_332 : vector<16xf32>
        %sub3A = arith.subf %get3A_337, %get3A_332 : vector<16xf32>
        %abs3A = math.absf %sub3A : vector<16xf32>
        %add3A_339 = arith.addf %scan3A_328, %abs3A : vector<16xf32>
        %scan3A_340 = arith.constant 1 : i32
        %scan3A_341 = arith.addi %scan3A_326, %scan3A_340 : i32
        %mul3A_342 = arith.constant 16 : i32
        %mul3A_343 = arith.muli %scan3A_341, %mul3A_342 : i32
        %get3A_344 = arith.index_cast %scan3A_305 : i32 to index
        %get3A_345 = arith.index_cast %mul3A_343 : i32 to index
        %get3A_346 = tpu.vector_load %arg5[%get3A_344, %get3A_345] {strides = array<i32>} : memref<16x1024xf32, #tpu.memory_space<vmem>>, vector<16xf32>,
        %mul3A_347 = arith.constant 16 : i32
        %mul3A_348 = arith.muli %scan3A_341, %mul3A_347 : i32
        %get3A_349 = arith.index_cast %scan3A_305 : i32 to index
        %get3A_350 = arith.index_cast %mul3A_348 : i32 to index
        %get3A_351 = tpu.vector_load %arg7[%get3A_349, %get3A_350] {strides = array<i32>} : memref<16x1024xf32, #tpu.memory_space<vmem>>, vector<16xf32>,
        %add3A_352 = arith.addf %add3A_338, %get3A_346 : vector<16xf32>
        %sub3A_353 = arith.subf %get3A_351, %get3A_346 : vector<16xf32>
        %abs3A_354 = math.absf %sub3A_353 : vector<16xf32>
        %add3A_355 = arith.addf %add3A_339, %abs3A_354 : vector<16xf32>
        %scan3A_356 = arith.constant 2 : i32
        %scan3A_357 = arith.addi %scan3A_326, %scan3A_356 : i32
        %mul3A_358 = arith.constant 16 : i32
        %mul3A_359 = arith.muli %scan3A_357, %mul3A_358 : i32
        %get3A_360 = arith.index_cast %scan3A_305 : i32 to index
        %get3A_361 = arith.index_cast %mul3A_359 : i32 to index
        %get3A_362 = tpu.vector_load %arg5[%get3A_360, %get3A_361] {strides = array<i32>} : memref<16x1024xf32, #tpu.memory_space<vmem>>, vector<16xf32>,
        %mul3A_363 = arith.constant 16 : i32
        %mul3A_364 = arith.muli %scan3A_357, %mul3A_363 : i32
        %get3A_365 = arith.index_cast %scan3A_305 : i32 to index
        %get3A_366 = arith.index_cast %mul3A_364 : i32 to index
        %get3A_367 = tpu.vector_load %arg7[%get3A_365, %get3A_366] {strides = array<i32>} : memref<16x1024xf32, #tpu.memory_space<vmem>>, vector<16xf32>,
        %add3A_368 = arith.addf %add3A_352, %get3A_362 : vector<16xf32>
        %sub3A_369 = arith.subf %get3A_367, %get3A_362 : vector<16xf32>
        %abs3A_370 = math.absf %sub3A_369 : vector<16xf32>
        %add3A_371 = arith.addf %add3A_355, %abs3A_370 : vector<16xf32>
        %scan3A_372 = arith.constant 3 : i32
        %scan3A_373 = arith.addi %scan3A_326, %scan3A_372 : i32
        %mul3A_374 = arith.constant 16 : i32
        %mul3A_375 = arith.muli %scan3A_373, %mul3A_374 : i32
        %get3A_376 = arith.index_cast %scan3A_305 : i32 to index
        %get3A_377 = arith.index_cast %mul3A_375 : i32 to index
        %get3A_378 = tpu.vector_load %arg5[%get3A_376, %get3A_377] {strides = array<i32>} : memref<16x1024xf32, #tpu.memory_space<vmem>>, vector<16xf32>,
        %mul3A_379 = arith.constant 16 : i32
        %mul3A_380 = arith.muli %scan3A_373, %mul3A_379 : i32
        %get3A_381 = arith.index_cast %scan3A_305 : i32 to index
        %get3A_382 = arith.index_cast %mul3A_380 : i32 to index
        %get3A_383 = tpu.vector_load %arg7[%get3A_381, %get3A_382] {strides = array<i32>} : memref<16x1024xf32, #tpu.memory_space<vmem>>, vector<16xf32>,
        %add3A_384 = arith.addf %add3A_368, %get3A_378 : vector<16xf32>
        %sub3A_385 = arith.subf %get3A_383, %get3A_378 : vector<16xf32>
        %abs3A_386 = math.absf %sub3A_385 : vector<16xf32>
        %add3A_387 = arith.addf %add3A_371, %abs3A_386 : vector<16xf32>
        %scan3A_388 = arith.constant 4 : i32
        %scan3A_389 = arith.addi %scan3A_326, %scan3A_388 : i32
        %mul3A_390 = arith.constant 16 : i32
        %mul3A_391 = arith.muli %scan3A_389, %mul3A_390 : i32
        %get3A_392 = arith.index_cast %scan3A_305 : i32 to index
        %get3A_393 = arith.index_cast %mul3A_391 : i32 to index
        %get3A_394 = tpu.vector_load %arg5[%get3A_392, %get3A_393] {strides = array<i32>} : memref<16x1024xf32, #tpu.memory_space<vmem>>, vector<16xf32>,
        %mul3A_395 = arith.constant 16 : i32
        %mul3A_396 = arith.muli %scan3A_389, %mul3A_395 : i32
        %get3A_397 = arith.index_cast %scan3A_305 : i32 to index
        %get3A_398 = arith.index_cast %mul3A_396 : i32 to index
        %get3A_399 = tpu.vector_load %arg7[%get3A_397, %get3A_398] {strides = array<i32>} : memref<16x1024xf32, #tpu.memory_space<vmem>>, vector<16xf32>,
        %add3A_400 = arith.addf %add3A_384, %get3A_394 : vector<16xf32>
        %sub3A_401 = arith.subf %get3A_399, %get3A_394 : vector<16xf32>
        %abs3A_402 = math.absf %sub3A_401 : vector<16xf32>
        %add3A_403 = arith.addf %add3A_387, %abs3A_402 : vector<16xf32>
        %scan3A_404 = arith.constant 5 : i32
        %scan3A_405 = arith.addi %scan3A_326, %scan3A_404 : i32
        %mul3A_406 = arith.constant 16 : i32
        %mul3A_407 = arith.muli %scan3A_405, %mul3A_406 : i32
        %get3A_408 = arith.index_cast %scan3A_305 : i32 to index
        %get3A_409 = arith.index_cast %mul3A_407 : i32 to index
        %get3A_410 = tpu.vector_load %arg5[%get3A_408, %get3A_409] {strides = array<i32>} : memref<16x1024xf32, #tpu.memory_space<vmem>>, vector<16xf32>,
        %mul3A_411 = arith.constant 16 : i32
        %mul3A_412 = arith.muli %scan3A_405, %mul3A_411 : i32
        %get3A_413 = arith.index_cast %scan3A_305 : i32 to index
        %get3A_414 = arith.index_cast %mul3A_412 : i32 to index
        %get3A_415 = tpu.vector_load %arg7[%get3A_413, %get3A_414] {strides = array<i32>} : memref<16x1024xf32, #tpu.memory_space<vmem>>, vector<16xf32>,
        %add3A_416 = arith.addf %add3A_400, %get3A_410 : vector<16xf32>
        %sub3A_417 = arith.subf %get3A_415, %get3A_410 : vector<16xf32>
        %abs3A_418 = math.absf %sub3A_417 : vector<16xf32>
        %add3A_419 = arith.addf %add3A_403, %abs3A_418 : vector<16xf32>
        %scan3A_420 = arith.constant 6 : i32
        %scan3A_421 = arith.addi %scan3A_326, %scan3A_420 : i32
        %mul3A_422 = arith.constant 16 : i32
        %mul3A_423 = arith.muli %scan3A_421, %mul3A_422 : i32
        %get3A_424 = arith.index_cast %scan3A_305 : i32 to index
        %get3A_425 = arith.index_cast %mul3A_423 : i32 to index
        %get3A_426 = tpu.vector_load %arg5[%get3A_424, %get3A_425] {strides = array<i32>} : memref<16x1024xf32, #tpu.memory_space<vmem>>, vector<16xf32>,
        %mul3A_427 = arith.constant 16 : i32
        %mul3A_428 = arith.muli %scan3A_421, %mul3A_427 : i32
        %get3A_429 = arith.index_cast %scan3A_305 : i32 to index
        %get3A_430 = arith.index_cast %mul3A_428 : i32 to index
        %get3A_431 = tpu.vector_load %arg7[%get3A_429, %get3A_430] {strides = array<i32>} : memref<16x1024xf32, #tpu.memory_space<vmem>>, vector<16xf32>,
        %add3A_432 = arith.addf %add3A_416, %get3A_426 : vector<16xf32>
        %sub3A_433 = arith.subf %get3A_431, %get3A_426 : vector<16xf32>
        %abs3A_434 = math.absf %sub3A_433 : vector<16xf32>
        %add3A_435 = arith.addf %add3A_419, %abs3A_434 : vector<16xf32>
        %scan3A_436 = arith.constant 7 : i32
        %scan3A_437 = arith.addi %scan3A_326, %scan3A_436 : i32
        %mul3A_438 = arith.constant 16 : i32
        %mul3A_439 = arith.muli %scan3A_437, %mul3A_438 : i32
        %get3A_440 = arith.index_cast %scan3A_305 : i32 to index
        %get3A_441 = arith.index_cast %mul3A_439 : i32 to index
        %get3A_442 = tpu.vector_load %arg5[%get3A_440, %get3A_441] {strides = array<i32>} : memref<16x1024xf32, #tpu.memory_space<vmem>>, vector<16xf32>,
        %mul3A_443 = arith.constant 16 : i32
        %mul3A_444 = arith.muli %scan3A_437, %mul3A_443 : i32
        %get3A_445 = arith.index_cast %scan3A_305 : i32 to index
        %get3A_446 = arith.index_cast %mul3A_444 : i32 to index
        %get3A_447 = tpu.vector_load %arg7[%get3A_445, %get3A_446] {strides = array<i32>} : memref<16x1024xf32, #tpu.memory_space<vmem>>, vector<16xf32>,
        %add3A_448 = arith.addf %add3A_432, %get3A_442 : vector<16xf32>
        %sub3A_449 = arith.subf %get3A_447, %get3A_442 : vector<16xf32>
        %abs3A_450 = math.absf %sub3A_449 : vector<16xf32>
        %add3A_451 = arith.addf %add3A_435, %abs3A_450 : vector<16xf32>
        scf.yield %add3A_448, %add3A_451 : vector<16xf32>, vector<16xf32>
      }
      %scan3A_312 = arith.constant 64 : i32
      %add3A_313 = arith.constant 32 : i32
      %add3A_314 = arith.addi %add3A_313, %scan3A_305 : i32
      %shift_right_logical3A = arith.constant 2 : i32
      %shift_right_logical3A_315 = arith.shrui %add3A_314, %shift_right_logical3A : i32
      %and3A = arith.constant 3 : i32
      %and3A_316 = arith.andi %add3A_314, %and3A : i32
      %shift_left3A = arith.constant 5 : i32
      %shift_left3A_317 = arith.shli %and3A_316, %shift_left3A : i32
      %swap3A = arith.index_cast %shift_right_logical3A_315 : i32 to index
      %swap3A_318 = arith.index_cast %shift_left3A_317 : i32 to index
      %swap3A_319 = tpu.vector_load %arg9[%swap3A, %swap3A_318] {strides = array<i32>} : memref<48x128xf32, #tpu.memory_space<vmem>>, vector<16xf32>,
      tpu.vector_store %arg9[%swap3A, %swap3A_318], %scan3A_311#0 {strides = array<i32>} : memref<48x128xf32, #tpu.memory_space<vmem>>, vector<16xf32>,
      %add3A_320 = arith.constant 16 : i32
      %add3A_321 = arith.addi %shift_left3A_317, %add3A_320 : i32
      %swap3A_322 = arith.index_cast %shift_right_logical3A_315 : i32 to index
      %swap3A_323 = arith.index_cast %add3A_321 : i32 to index
      %swap3A_324 = tpu.vector_load %arg9[%swap3A_322, %swap3A_323] {strides = array<i32>} : memref<48x128xf32, #tpu.memory_space<vmem>>, vector<16xf32>,
      tpu.vector_store %arg9[%swap3A_322, %swap3A_323], %scan3A_311#1 {strides = array<i32>} : memref<48x128xf32, #tpu.memory_space<vmem>>, vector<16xf32>,
      %scan3A_325 = arith.constant 0 : i32
      scf.yield %scan3A_325 : i32
    }
    %scan3A_87 = arith.constant 16 : i32
    %add3A_88 = arith.constant 64 : i32
    %add3A_89 = arith.addi %add3A_4, %add3A_88 : i32
    %dma_start3A_90 = arith.constant 0 : i32
    %dma_start3A_91 = tpu.memref_slice %arg2[%add3A_89, %dma_start3A_90] : memref<16384x1024xf32, #tpu.memory_space<hbm>> -> memref<16x1024xf32, #tpu.memory_space<hbm>>
    %dma_start3A_92 = arith.constant 0 : i32
    %dma_start3A_93 = tpu.memref_slice %arg2[%add3A_89, %dma_start3A_92] : memref<16384x1024xf32, #tpu.memory_space<hbm>> -> memref<16x1024xf32, #tpu.memory_space<hbm>>
    tpu.enqueue_dma source(%dma_start3A_93 : memref<16x1024xf32, #tpu.memory_space<hbm>>) target(%arg5 : memref<16x1024xf32, #tpu.memory_space<vmem>>) target_semaphore(%arg10 : memref<!tpu.dma_semaphore, #tpu.memory_space<semaphore_mem>>)
    %dma_start3A_94 = arith.constant 0 : i32
    %dma_start3A_95 = tpu.memref_slice %arg3[%add3A_89, %dma_start3A_94] : memref<16384x1024xf32, #tpu.memory_space<hbm>> -> memref<16x1024xf32, #tpu.memory_space<hbm>>
    %dma_start3A_96 = arith.constant 0 : i32
    %dma_start3A_97 = tpu.memref_slice %arg3[%add3A_89, %dma_start3A_96] : memref<16384x1024xf32, #tpu.memory_space<hbm>> -> memref<16x1024xf32, #tpu.memory_space<hbm>>
    tpu.enqueue_dma source(%dma_start3A_97 : memref<16x1024xf32, #tpu.memory_space<hbm>>) target(%arg7 : memref<16x1024xf32, #tpu.memory_space<vmem>>) target_semaphore(%arg12 : memref<!tpu.dma_semaphore, #tpu.memory_space<semaphore_mem>>)
    %dma_wait3A_98 = arith.constant 0 : i32
    %dma_wait3A_99 = tpu.memref_slice %arg2[%add3A_64, %dma_wait3A_98] : memref<16384x1024xf32, #tpu.memory_space<hbm>> -> memref<16x1024xf32, #tpu.memory_space<hbm>>
    %dma_wait3A_100 = arith.constant 0 : i32
    %dma_wait3A_101 = tpu.memref_slice %arg2[%add3A_64, %dma_wait3A_100] : memref<16384x1024xf32, #tpu.memory_space<hbm>> -> memref<16x1024xf32, #tpu.memory_space<hbm>>
    tpu.wait_dma2 semaphore(%arg11 : memref<!tpu.dma_semaphore, #tpu.memory_space<semaphore_mem>>) src(%dma_wait3A_101 : memref<16x1024xf32, #tpu.memory_space<hbm>>) dst(%arg6 : memref<16x1024xf32, #tpu.memory_space<vmem>>)
    %dma_wait3A_102 = arith.constant 0 : i32
    %dma_wait3A_103 = tpu.memref_slice %arg3[%add3A_64, %dma_wait3A_102] : memref<16384x1024xf32, #tpu.memory_space<hbm>> -> memref<16x1024xf32, #tpu.memory_space<hbm>>
    %dma_wait3A_104 = arith.constant 0 : i32
    %dma_wait3A_105 = tpu.memref_slice %arg3[%add3A_64, %dma_wait3A_104] : memref<16384x1024xf32, #tpu.memory_space<hbm>> -> memref<16x1024xf32, #tpu.memory_space<hbm>>
    tpu.wait_dma2 semaphore(%arg13 : memref<!tpu.dma_semaphore, #tpu.memory_space<semaphore_mem>>) src(%dma_wait3A_105 : memref<16x1024xf32, #tpu.memory_space<hbm>>) dst(%arg8 : memref<16x1024xf32, #tpu.memory_space<vmem>>)
    %scan3A_106 = arith.constant 0 : i32
    %scan3A_107 = arith.constant 0 : i32
    %scan3A_108 = arith.constant 16 : i32
    %scan3A_109 = arith.addi %scan3A_107, %scan3A_108 : i32
    %scan3A_110 = arith.constant 1 : i32
    %scan3A_111 = scf.for %scan3A_305 = %scan3A_107 to %scan3A_109 step %scan3A_110 iter_args(%scan3A_306 = %scan3A_106) -> (i32)  : i32 {
      %scan3A_307 = arith.constant 0 : i32
      %scan3A_308 = arith.constant 64 : i32
      %scan3A_309 = arith.addi %scan3A_307, %scan3A_308 : i32
      %scan3A_310 = arith.constant 8 : i32
      %scan3A_311:2 = scf.for %scan3A_326 = %scan3A_307 to %scan3A_309 step %scan3A_310 iter_args(%scan3A_327 = %broadcast_in_dim3A_5, %scan3A_328 = %broadcast_in_dim3A_5) -> (vector<16xf32>, vector<16xf32>)  : i32 {
        %mul3A_329 = arith.constant 16 : i32
        %mul3A_330 = arith.muli %scan3A_326, %mul3A_329 : i32
        %get3A = arith.index_cast %scan3A_305 : i32 to index
        %get3A_331 = arith.index_cast %mul3A_330 : i32 to index
        %get3A_332 = tpu.vector_load %arg6[%get3A, %get3A_331] {strides = array<i32>} : memref<16x1024xf32, #tpu.memory_space<vmem>>, vector<16xf32>,
        %mul3A_333 = arith.constant 16 : i32
        %mul3A_334 = arith.muli %scan3A_326, %mul3A_333 : i32
        %get3A_335 = arith.index_cast %scan3A_305 : i32 to index
        %get3A_336 = arith.index_cast %mul3A_334 : i32 to index
        %get3A_337 = tpu.vector_load %arg8[%get3A_335, %get3A_336] {strides = array<i32>} : memref<16x1024xf32, #tpu.memory_space<vmem>>, vector<16xf32>,
        %add3A_338 = arith.addf %scan3A_327, %get3A_332 : vector<16xf32>
        %sub3A = arith.subf %get3A_337, %get3A_332 : vector<16xf32>
        %abs3A = math.absf %sub3A : vector<16xf32>
        %add3A_339 = arith.addf %scan3A_328, %abs3A : vector<16xf32>
        %scan3A_340 = arith.constant 1 : i32
        %scan3A_341 = arith.addi %scan3A_326, %scan3A_340 : i32
        %mul3A_342 = arith.constant 16 : i32
        %mul3A_343 = arith.muli %scan3A_341, %mul3A_342 : i32
        %get3A_344 = arith.index_cast %scan3A_305 : i32 to index
        %get3A_345 = arith.index_cast %mul3A_343 : i32 to index
        %get3A_346 = tpu.vector_load %arg6[%get3A_344, %get3A_345] {strides = array<i32>} : memref<16x1024xf32, #tpu.memory_space<vmem>>, vector<16xf32>,
        %mul3A_347 = arith.constant 16 : i32
        %mul3A_348 = arith.muli %scan3A_341, %mul3A_347 : i32
        %get3A_349 = arith.index_cast %scan3A_305 : i32 to index
        %get3A_350 = arith.index_cast %mul3A_348 : i32 to index
        %get3A_351 = tpu.vector_load %arg8[%get3A_349, %get3A_350] {strides = array<i32>} : memref<16x1024xf32, #tpu.memory_space<vmem>>, vector<16xf32>,
        %add3A_352 = arith.addf %add3A_338, %get3A_346 : vector<16xf32>
        %sub3A_353 = arith.subf %get3A_351, %get3A_346 : vector<16xf32>
        %abs3A_354 = math.absf %sub3A_353 : vector<16xf32>
        %add3A_355 = arith.addf %add3A_339, %abs3A_354 : vector<16xf32>
        %scan3A_356 = arith.constant 2 : i32
        %scan3A_357 = arith.addi %scan3A_326, %scan3A_356 : i32
        %mul3A_358 = arith.constant 16 : i32
        %mul3A_359 = arith.muli %scan3A_357, %mul3A_358 : i32
        %get3A_360 = arith.index_cast %scan3A_305 : i32 to index
        %get3A_361 = arith.index_cast %mul3A_359 : i32 to index
        %get3A_362 = tpu.vector_load %arg6[%get3A_360, %get3A_361] {strides = array<i32>} : memref<16x1024xf32, #tpu.memory_space<vmem>>, vector<16xf32>,
        %mul3A_363 = arith.constant 16 : i32
        %mul3A_364 = arith.muli %scan3A_357, %mul3A_363 : i32
        %get3A_365 = arith.index_cast %scan3A_305 : i32 to index
        %get3A_366 = arith.index_cast %mul3A_364 : i32 to index
        %get3A_367 = tpu.vector_load %arg8[%get3A_365, %get3A_366] {strides = array<i32>} : memref<16x1024xf32, #tpu.memory_space<vmem>>, vector<16xf32>,
        %add3A_368 = arith.addf %add3A_352, %get3A_362 : vector<16xf32>
        %sub3A_369 = arith.subf %get3A_367, %get3A_362 : vector<16xf32>
        %abs3A_370 = math.absf %sub3A_369 : vector<16xf32>
        %add3A_371 = arith.addf %add3A_355, %abs3A_370 : vector<16xf32>
        %scan3A_372 = arith.constant 3 : i32
        %scan3A_373 = arith.addi %scan3A_326, %scan3A_372 : i32
        %mul3A_374 = arith.constant 16 : i32
        %mul3A_375 = arith.muli %scan3A_373, %mul3A_374 : i32
        %get3A_376 = arith.index_cast %scan3A_305 : i32 to index
        %get3A_377 = arith.index_cast %mul3A_375 : i32 to index
        %get3A_378 = tpu.vector_load %arg6[%get3A_376, %get3A_377] {strides = array<i32>} : memref<16x1024xf32, #tpu.memory_space<vmem>>, vector<16xf32>,
        %mul3A_379 = arith.constant 16 : i32
        %mul3A_380 = arith.muli %scan3A_373, %mul3A_379 : i32
        %get3A_381 = arith.index_cast %scan3A_305 : i32 to index
        %get3A_382 = arith.index_cast %mul3A_380 : i32 to index
        %get3A_383 = tpu.vector_load %arg8[%get3A_381, %get3A_382] {strides = array<i32>} : memref<16x1024xf32, #tpu.memory_space<vmem>>, vector<16xf32>,
        %add3A_384 = arith.addf %add3A_368, %get3A_378 : vector<16xf32>
        %sub3A_385 = arith.subf %get3A_383, %get3A_378 : vector<16xf32>
        %abs3A_386 = math.absf %sub3A_385 : vector<16xf32>
        %add3A_387 = arith.addf %add3A_371, %abs3A_386 : vector<16xf32>
        %scan3A_388 = arith.constant 4 : i32
        %scan3A_389 = arith.addi %scan3A_326, %scan3A_388 : i32
        %mul3A_390 = arith.constant 16 : i32
        %mul3A_391 = arith.muli %scan3A_389, %mul3A_390 : i32
        %get3A_392 = arith.index_cast %scan3A_305 : i32 to index
        %get3A_393 = arith.index_cast %mul3A_391 : i32 to index
        %get3A_394 = tpu.vector_load %arg6[%get3A_392, %get3A_393] {strides = array<i32>} : memref<16x1024xf32, #tpu.memory_space<vmem>>, vector<16xf32>,
        %mul3A_395 = arith.constant 16 : i32
        %mul3A_396 = arith.muli %scan3A_389, %mul3A_395 : i32
        %get3A_397 = arith.index_cast %scan3A_305 : i32 to index
        %get3A_398 = arith.index_cast %mul3A_396 : i32 to index
        %get3A_399 = tpu.vector_load %arg8[%get3A_397, %get3A_398] {strides = array<i32>} : memref<16x1024xf32, #tpu.memory_space<vmem>>, vector<16xf32>,
        %add3A_400 = arith.addf %add3A_384, %get3A_394 : vector<16xf32>
        %sub3A_401 = arith.subf %get3A_399, %get3A_394 : vector<16xf32>
        %abs3A_402 = math.absf %sub3A_401 : vector<16xf32>
        %add3A_403 = arith.addf %add3A_387, %abs3A_402 : vector<16xf32>
        %scan3A_404 = arith.constant 5 : i32
        %scan3A_405 = arith.addi %scan3A_326, %scan3A_404 : i32
        %mul3A_406 = arith.constant 16 : i32
        %mul3A_407 = arith.muli %scan3A_405, %mul3A_406 : i32
        %get3A_408 = arith.index_cast %scan3A_305 : i32 to index
        %get3A_409 = arith.index_cast %mul3A_407 : i32 to index
        %get3A_410 = tpu.vector_load %arg6[%get3A_408, %get3A_409] {strides = array<i32>} : memref<16x1024xf32, #tpu.memory_space<vmem>>, vector<16xf32>,
        %mul3A_411 = arith.constant 16 : i32
        %mul3A_412 = arith.muli %scan3A_405, %mul3A_411 : i32
        %get3A_413 = arith.index_cast %scan3A_305 : i32 to index
        %get3A_414 = arith.index_cast %mul3A_412 : i32 to index
        %get3A_415 = tpu.vector_load %arg8[%get3A_413, %get3A_414] {strides = array<i32>} : memref<16x1024xf32, #tpu.memory_space<vmem>>, vector<16xf32>,
        %add3A_416 = arith.addf %add3A_400, %get3A_410 : vector<16xf32>
        %sub3A_417 = arith.subf %get3A_415, %get3A_410 : vector<16xf32>
        %abs3A_418 = math.absf %sub3A_417 : vector<16xf32>
        %add3A_419 = arith.addf %add3A_403, %abs3A_418 : vector<16xf32>
        %scan3A_420 = arith.constant 6 : i32
        %scan3A_421 = arith.addi %scan3A_326, %scan3A_420 : i32
        %mul3A_422 = arith.constant 16 : i32
        %mul3A_423 = arith.muli %scan3A_421, %mul3A_422 : i32
        %get3A_424 = arith.index_cast %scan3A_305 : i32 to index
        %get3A_425 = arith.index_cast %mul3A_423 : i32 to index
        %get3A_426 = tpu.vector_load %arg6[%get3A_424, %get3A_425] {strides = array<i32>} : memref<16x1024xf32, #tpu.memory_space<vmem>>, vector<16xf32>,
        %mul3A_427 = arith.constant 16 : i32
        %mul3A_428 = arith.muli %scan3A_421, %mul3A_427 : i32
        %get3A_429 = arith.index_cast %scan3A_305 : i32 to index
        %get3A_430 = arith.index_cast %mul3A_428 : i32 to index
        %get3A_431 = tpu.vector_load %arg8[%get3A_429, %get3A_430] {strides = array<i32>} : memref<16x1024xf32, #tpu.memory_space<vmem>>, vector<16xf32>,
        %add3A_432 = arith.addf %add3A_416, %get3A_426 : vector<16xf32>
        %sub3A_433 = arith.subf %get3A_431, %get3A_426 : vector<16xf32>
        %abs3A_434 = math.absf %sub3A_433 : vector<16xf32>
        %add3A_435 = arith.addf %add3A_419, %abs3A_434 : vector<16xf32>
        %scan3A_436 = arith.constant 7 : i32
        %scan3A_437 = arith.addi %scan3A_326, %scan3A_436 : i32
        %mul3A_438 = arith.constant 16 : i32
        %mul3A_439 = arith.muli %scan3A_437, %mul3A_438 : i32
        %get3A_440 = arith.index_cast %scan3A_305 : i32 to index
        %get3A_441 = arith.index_cast %mul3A_439 : i32 to index
        %get3A_442 = tpu.vector_load %arg6[%get3A_440, %get3A_441] {strides = array<i32>} : memref<16x1024xf32, #tpu.memory_space<vmem>>, vector<16xf32>,
        %mul3A_443 = arith.constant 16 : i32
        %mul3A_444 = arith.muli %scan3A_437, %mul3A_443 : i32
        %get3A_445 = arith.index_cast %scan3A_305 : i32 to index
        %get3A_446 = arith.index_cast %mul3A_444 : i32 to index
        %get3A_447 = tpu.vector_load %arg8[%get3A_445, %get3A_446] {strides = array<i32>} : memref<16x1024xf32, #tpu.memory_space<vmem>>, vector<16xf32>,
        %add3A_448 = arith.addf %add3A_432, %get3A_442 : vector<16xf32>
        %sub3A_449 = arith.subf %get3A_447, %get3A_442 : vector<16xf32>
        %abs3A_450 = math.absf %sub3A_449 : vector<16xf32>
        %add3A_451 = arith.addf %add3A_435, %abs3A_450 : vector<16xf32>
        scf.yield %add3A_448, %add3A_451 : vector<16xf32>, vector<16xf32>
      }
      %scan3A_312 = arith.constant 64 : i32
      %add3A_313 = arith.constant 48 : i32
      %add3A_314 = arith.addi %add3A_313, %scan3A_305 : i32
      %shift_right_logical3A = arith.constant 2 : i32
      %shift_right_logical3A_315 = arith.shrui %add3A_314, %shift_right_logical3A : i32
      %and3A = arith.constant 3 : i32
      %and3A_316 = arith.andi %add3A_314, %and3A : i32
      %shift_left3A = arith.constant 5 : i32
      %shift_left3A_317 = arith.shli %and3A_316, %shift_left3A : i32
      %swap3A = arith.index_cast %shift_right_logical3A_315 : i32 to index
      %swap3A_318 = arith.index_cast %shift_left3A_317 : i32 to index
      %swap3A_319 = tpu.vector_load %arg9[%swap3A, %swap3A_318] {strides = array<i32>} : memref<48x128xf32, #tpu.memory_space<vmem>>, vector<16xf32>,
      tpu.vector_store %arg9[%swap3A, %swap3A_318], %scan3A_311#0 {strides = array<i32>} : memref<48x128xf32, #tpu.memory_space<vmem>>, vector<16xf32>,
      %add3A_320 = arith.constant 16 : i32
      %add3A_321 = arith.addi %shift_left3A_317, %add3A_320 : i32
      %swap3A_322 = arith.index_cast %shift_right_logical3A_315 : i32 to index
      %swap3A_323 = arith.index_cast %add3A_321 : i32 to index
      %swap3A_324 = tpu.vector_load %arg9[%swap3A_322, %swap3A_323] {strides = array<i32>} : memref<48x128xf32, #tpu.memory_space<vmem>>, vector<16xf32>,
      tpu.vector_store %arg9[%swap3A_322, %swap3A_323], %scan3A_311#1 {strides = array<i32>} : memref<48x128xf32, #tpu.memory_space<vmem>>, vector<16xf32>,
      %scan3A_325 = arith.constant 0 : i32
      scf.yield %scan3A_325 : i32
    }
    %scan3A_112 = arith.constant 16 : i32
    %add3A_113 = arith.constant 80 : i32
    %add3A_114 = arith.addi %add3A_4, %add3A_113 : i32
    %dma_start3A_115 = arith.constant 0 : i32
    %dma_start3A_116 = tpu.memref_slice %arg2[%add3A_114, %dma_start3A_115] : memref<16384x1024xf32, #tpu.memory_space<hbm>> -> memref<16x1024xf32, #tpu.memory_space<hbm>>
    %dma_start3A_117 = arith.constant 0 : i32
    %dma_start3A_118 = tpu.memref_slice %arg2[%add3A_114, %dma_start3A_117] : memref<16384x1024xf32, #tpu.memory_space<hbm>> -> memref<16x1024xf32, #tpu.memory_space<hbm>>
    tpu.enqueue_dma source(%dma_start3A_118 : memref<16x1024xf32, #tpu.memory_space<hbm>>) target(%arg6 : memref<16x1024xf32, #tpu.memory_space<vmem>>) target_semaphore(%arg11 : memref<!tpu.dma_semaphore, #tpu.memory_space<semaphore_mem>>)
    %dma_start3A_119 = arith.constant 0 : i32
    %dma_start3A_120 = tpu.memref_slice %arg3[%add3A_114, %dma_start3A_119] : memref<16384x1024xf32, #tpu.memory_space<hbm>> -> memref<16x1024xf32, #tpu.memory_space<hbm>>
    %dma_start3A_121 = arith.constant 0 : i32
    %dma_start3A_122 = tpu.memref_slice %arg3[%add3A_114, %dma_start3A_121] : memref<16384x1024xf32, #tpu.memory_space<hbm>> -> memref<16x1024xf32, #tpu.memory_space<hbm>>
    tpu.enqueue_dma source(%dma_start3A_122 : memref<16x1024xf32, #tpu.memory_space<hbm>>) target(%arg8 : memref<16x1024xf32, #tpu.memory_space<vmem>>) target_semaphore(%arg13 : memref<!tpu.dma_semaphore, #tpu.memory_space<semaphore_mem>>)
    %dma_wait3A_123 = arith.constant 0 : i32
    %dma_wait3A_124 = tpu.memref_slice %arg2[%add3A_89, %dma_wait3A_123] : memref<16384x1024xf32, #tpu.memory_space<hbm>> -> memref<16x1024xf32, #tpu.memory_space<hbm>>
    %dma_wait3A_125 = arith.constant 0 : i32
    %dma_wait3A_126 = tpu.memref_slice %arg2[%add3A_89, %dma_wait3A_125] : memref<16384x1024xf32, #tpu.memory_space<hbm>> -> memref<16x1024xf32, #tpu.memory_space<hbm>>
    tpu.wait_dma2 semaphore(%arg10 : memref<!tpu.dma_semaphore, #tpu.memory_space<semaphore_mem>>) src(%dma_wait3A_126 : memref<16x1024xf32, #tpu.memory_space<hbm>>) dst(%arg5 : memref<16x1024xf32, #tpu.memory_space<vmem>>)
    %dma_wait3A_127 = arith.constant 0 : i32
    %dma_wait3A_128 = tpu.memref_slice %arg3[%add3A_89, %dma_wait3A_127] : memref<16384x1024xf32, #tpu.memory_space<hbm>> -> memref<16x1024xf32, #tpu.memory_space<hbm>>
    %dma_wait3A_129 = arith.constant 0 : i32
    %dma_wait3A_130 = tpu.memref_slice %arg3[%add3A_89, %dma_wait3A_129] : memref<16384x1024xf32, #tpu.memory_space<hbm>> -> memref<16x1024xf32, #tpu.memory_space<hbm>>
    tpu.wait_dma2 semaphore(%arg12 : memref<!tpu.dma_semaphore, #tpu.memory_space<semaphore_mem>>) src(%dma_wait3A_130 : memref<16x1024xf32, #tpu.memory_space<hbm>>) dst(%arg7 : memref<16x1024xf32, #tpu.memory_space<vmem>>)
    %scan3A_131 = arith.constant 0 : i32
    %scan3A_132 = arith.constant 0 : i32
    %scan3A_133 = arith.constant 16 : i32
    %scan3A_134 = arith.addi %scan3A_132, %scan3A_133 : i32
    %scan3A_135 = arith.constant 1 : i32
    %scan3A_136 = scf.for %scan3A_305 = %scan3A_132 to %scan3A_134 step %scan3A_135 iter_args(%scan3A_306 = %scan3A_131) -> (i32)  : i32 {
      %scan3A_307 = arith.constant 0 : i32
      %scan3A_308 = arith.constant 64 : i32
      %scan3A_309 = arith.addi %scan3A_307, %scan3A_308 : i32
      %scan3A_310 = arith.constant 8 : i32
      %scan3A_311:2 = scf.for %scan3A_326 = %scan3A_307 to %scan3A_309 step %scan3A_310 iter_args(%scan3A_327 = %broadcast_in_dim3A_5, %scan3A_328 = %broadcast_in_dim3A_5) -> (vector<16xf32>, vector<16xf32>)  : i32 {
        %mul3A_329 = arith.constant 16 : i32
        %mul3A_330 = arith.muli %scan3A_326, %mul3A_329 : i32
        %get3A = arith.index_cast %scan3A_305 : i32 to index
        %get3A_331 = arith.index_cast %mul3A_330 : i32 to index
        %get3A_332 = tpu.vector_load %arg5[%get3A, %get3A_331] {strides = array<i32>} : memref<16x1024xf32, #tpu.memory_space<vmem>>, vector<16xf32>,
        %mul3A_333 = arith.constant 16 : i32
        %mul3A_334 = arith.muli %scan3A_326, %mul3A_333 : i32
        %get3A_335 = arith.index_cast %scan3A_305 : i32 to index
        %get3A_336 = arith.index_cast %mul3A_334 : i32 to index
        %get3A_337 = tpu.vector_load %arg7[%get3A_335, %get3A_336] {strides = array<i32>} : memref<16x1024xf32, #tpu.memory_space<vmem>>, vector<16xf32>,
        %add3A_338 = arith.addf %scan3A_327, %get3A_332 : vector<16xf32>
        %sub3A = arith.subf %get3A_337, %get3A_332 : vector<16xf32>
        %abs3A = math.absf %sub3A : vector<16xf32>
        %add3A_339 = arith.addf %scan3A_328, %abs3A : vector<16xf32>
        %scan3A_340 = arith.constant 1 : i32
        %scan3A_341 = arith.addi %scan3A_326, %scan3A_340 : i32
        %mul3A_342 = arith.constant 16 : i32
        %mul3A_343 = arith.muli %scan3A_341, %mul3A_342 : i32
        %get3A_344 = arith.index_cast %scan3A_305 : i32 to index
        %get3A_345 = arith.index_cast %mul3A_343 : i32 to index
        %get3A_346 = tpu.vector_load %arg5[%get3A_344, %get3A_345] {strides = array<i32>} : memref<16x1024xf32, #tpu.memory_space<vmem>>, vector<16xf32>,
        %mul3A_347 = arith.constant 16 : i32
        %mul3A_348 = arith.muli %scan3A_341, %mul3A_347 : i32
        %get3A_349 = arith.index_cast %scan3A_305 : i32 to index
        %get3A_350 = arith.index_cast %mul3A_348 : i32 to index
        %get3A_351 = tpu.vector_load %arg7[%get3A_349, %get3A_350] {strides = array<i32>} : memref<16x1024xf32, #tpu.memory_space<vmem>>, vector<16xf32>,
        %add3A_352 = arith.addf %add3A_338, %get3A_346 : vector<16xf32>
        %sub3A_353 = arith.subf %get3A_351, %get3A_346 : vector<16xf32>
        %abs3A_354 = math.absf %sub3A_353 : vector<16xf32>
        %add3A_355 = arith.addf %add3A_339, %abs3A_354 : vector<16xf32>
        %scan3A_356 = arith.constant 2 : i32
        %scan3A_357 = arith.addi %scan3A_326, %scan3A_356 : i32
        %mul3A_358 = arith.constant 16 : i32
        %mul3A_359 = arith.muli %scan3A_357, %mul3A_358 : i32
        %get3A_360 = arith.index_cast %scan3A_305 : i32 to index
        %get3A_361 = arith.index_cast %mul3A_359 : i32 to index
        %get3A_362 = tpu.vector_load %arg5[%get3A_360, %get3A_361] {strides = array<i32>} : memref<16x1024xf32, #tpu.memory_space<vmem>>, vector<16xf32>,
        %mul3A_363 = arith.constant 16 : i32
        %mul3A_364 = arith.muli %scan3A_357, %mul3A_363 : i32
        %get3A_365 = arith.index_cast %scan3A_305 : i32 to index
        %get3A_366 = arith.index_cast %mul3A_364 : i32 to index
        %get3A_367 = tpu.vector_load %arg7[%get3A_365, %get3A_366] {strides = array<i32>} : memref<16x1024xf32, #tpu.memory_space<vmem>>, vector<16xf32>,
        %add3A_368 = arith.addf %add3A_352, %get3A_362 : vector<16xf32>
        %sub3A_369 = arith.subf %get3A_367, %get3A_362 : vector<16xf32>
        %abs3A_370 = math.absf %sub3A_369 : vector<16xf32>
        %add3A_371 = arith.addf %add3A_355, %abs3A_370 : vector<16xf32>
        %scan3A_372 = arith.constant 3 : i32
        %scan3A_373 = arith.addi %scan3A_326, %scan3A_372 : i32
        %mul3A_374 = arith.constant 16 : i32
        %mul3A_375 = arith.muli %scan3A_373, %mul3A_374 : i32
        %get3A_376 = arith.index_cast %scan3A_305 : i32 to index
        %get3A_377 = arith.index_cast %mul3A_375 : i32 to index
        %get3A_378 = tpu.vector_load %arg5[%get3A_376, %get3A_377] {strides = array<i32>} : memref<16x1024xf32, #tpu.memory_space<vmem>>, vector<16xf32>,
        %mul3A_379 = arith.constant 16 : i32
        %mul3A_380 = arith.muli %scan3A_373, %mul3A_379 : i32
        %get3A_381 = arith.index_cast %scan3A_305 : i32 to index
        %get3A_382 = arith.index_cast %mul3A_380 : i32 to index
        %get3A_383 = tpu.vector_load %arg7[%get3A_381, %get3A_382] {strides = array<i32>} : memref<16x1024xf32, #tpu.memory_space<vmem>>, vector<16xf32>,
        %add3A_384 = arith.addf %add3A_368, %get3A_378 : vector<16xf32>
        %sub3A_385 = arith.subf %get3A_383, %get3A_378 : vector<16xf32>
        %abs3A_386 = math.absf %sub3A_385 : vector<16xf32>
        %add3A_387 = arith.addf %add3A_371, %abs3A_386 : vector<16xf32>
        %scan3A_388 = arith.constant 4 : i32
        %scan3A_389 = arith.addi %scan3A_326, %scan3A_388 : i32
        %mul3A_390 = arith.constant 16 : i32
        %mul3A_391 = arith.muli %scan3A_389, %mul3A_390 : i32
        %get3A_392 = arith.index_cast %scan3A_305 : i32 to index
        %get3A_393 = arith.index_cast %mul3A_391 : i32 to index
        %get3A_394 = tpu.vector_load %arg5[%get3A_392, %get3A_393] {strides = array<i32>} : memref<16x1024xf32, #tpu.memory_space<vmem>>, vector<16xf32>,
        %mul3A_395 = arith.constant 16 : i32
        %mul3A_396 = arith.muli %scan3A_389, %mul3A_395 : i32
        %get3A_397 = arith.index_cast %scan3A_305 : i32 to index
        %get3A_398 = arith.index_cast %mul3A_396 : i32 to index
        %get3A_399 = tpu.vector_load %arg7[%get3A_397, %get3A_398] {strides = array<i32>} : memref<16x1024xf32, #tpu.memory_space<vmem>>, vector<16xf32>,
        %add3A_400 = arith.addf %add3A_384, %get3A_394 : vector<16xf32>
        %sub3A_401 = arith.subf %get3A_399, %get3A_394 : vector<16xf32>
        %abs3A_402 = math.absf %sub3A_401 : vector<16xf32>
        %add3A_403 = arith.addf %add3A_387, %abs3A_402 : vector<16xf32>
        %scan3A_404 = arith.constant 5 : i32
        %scan3A_405 = arith.addi %scan3A_326, %scan3A_404 : i32
        %mul3A_406 = arith.constant 16 : i32
        %mul3A_407 = arith.muli %scan3A_405, %mul3A_406 : i32
        %get3A_408 = arith.index_cast %scan3A_305 : i32 to index
        %get3A_409 = arith.index_cast %mul3A_407 : i32 to index
        %get3A_410 = tpu.vector_load %arg5[%get3A_408, %get3A_409] {strides = array<i32>} : memref<16x1024xf32, #tpu.memory_space<vmem>>, vector<16xf32>,
        %mul3A_411 = arith.constant 16 : i32
        %mul3A_412 = arith.muli %scan3A_405, %mul3A_411 : i32
        %get3A_413 = arith.index_cast %scan3A_305 : i32 to index
        %get3A_414 = arith.index_cast %mul3A_412 : i32 to index
        %get3A_415 = tpu.vector_load %arg7[%get3A_413, %get3A_414] {strides = array<i32>} : memref<16x1024xf32, #tpu.memory_space<vmem>>, vector<16xf32>,
        %add3A_416 = arith.addf %add3A_400, %get3A_410 : vector<16xf32>
        %sub3A_417 = arith.subf %get3A_415, %get3A_410 : vector<16xf32>
        %abs3A_418 = math.absf %sub3A_417 : vector<16xf32>
        %add3A_419 = arith.addf %add3A_403, %abs3A_418 : vector<16xf32>
        %scan3A_420 = arith.constant 6 : i32
        %scan3A_421 = arith.addi %scan3A_326, %scan3A_420 : i32
        %mul3A_422 = arith.constant 16 : i32
        %mul3A_423 = arith.muli %scan3A_421, %mul3A_422 : i32
        %get3A_424 = arith.index_cast %scan3A_305 : i32 to index
        %get3A_425 = arith.index_cast %mul3A_423 : i32 to index
        %get3A_426 = tpu.vector_load %arg5[%get3A_424, %get3A_425] {strides = array<i32>} : memref<16x1024xf32, #tpu.memory_space<vmem>>, vector<16xf32>,
        %mul3A_427 = arith.constant 16 : i32
        %mul3A_428 = arith.muli %scan3A_421, %mul3A_427 : i32
        %get3A_429 = arith.index_cast %scan3A_305 : i32 to index
        %get3A_430 = arith.index_cast %mul3A_428 : i32 to index
        %get3A_431 = tpu.vector_load %arg7[%get3A_429, %get3A_430] {strides = array<i32>} : memref<16x1024xf32, #tpu.memory_space<vmem>>, vector<16xf32>,
        %add3A_432 = arith.addf %add3A_416, %get3A_426 : vector<16xf32>
        %sub3A_433 = arith.subf %get3A_431, %get3A_426 : vector<16xf32>
        %abs3A_434 = math.absf %sub3A_433 : vector<16xf32>
        %add3A_435 = arith.addf %add3A_419, %abs3A_434 : vector<16xf32>
        %scan3A_436 = arith.constant 7 : i32
        %scan3A_437 = arith.addi %scan3A_326, %scan3A_436 : i32
        %mul3A_438 = arith.constant 16 : i32
        %mul3A_439 = arith.muli %scan3A_437, %mul3A_438 : i32
        %get3A_440 = arith.index_cast %scan3A_305 : i32 to index
        %get3A_441 = arith.index_cast %mul3A_439 : i32 to index
        %get3A_442 = tpu.vector_load %arg5[%get3A_440, %get3A_441] {strides = array<i32>} : memref<16x1024xf32, #tpu.memory_space<vmem>>, vector<16xf32>,
        %mul3A_443 = arith.constant 16 : i32
        %mul3A_444 = arith.muli %scan3A_437, %mul3A_443 : i32
        %get3A_445 = arith.index_cast %scan3A_305 : i32 to index
        %get3A_446 = arith.index_cast %mul3A_444 : i32 to index
        %get3A_447 = tpu.vector_load %arg7[%get3A_445, %get3A_446] {strides = array<i32>} : memref<16x1024xf32, #tpu.memory_space<vmem>>, vector<16xf32>,
        %add3A_448 = arith.addf %add3A_432, %get3A_442 : vector<16xf32>
        %sub3A_449 = arith.subf %get3A_447, %get3A_442 : vector<16xf32>
        %abs3A_450 = math.absf %sub3A_449 : vector<16xf32>
        %add3A_451 = arith.addf %add3A_435, %abs3A_450 : vector<16xf32>
        scf.yield %add3A_448, %add3A_451 : vector<16xf32>, vector<16xf32>
      }
      %scan3A_312 = arith.constant 64 : i32
      %add3A_313 = arith.constant 64 : i32
      %add3A_314 = arith.addi %add3A_313, %scan3A_305 : i32
      %shift_right_logical3A = arith.constant 2 : i32
      %shift_right_logical3A_315 = arith.shrui %add3A_314, %shift_right_logical3A : i32
      %and3A = arith.constant 3 : i32
      %and3A_316 = arith.andi %add3A_314, %and3A : i32
      %shift_left3A = arith.constant 5 : i32
      %shift_left3A_317 = arith.shli %and3A_316, %shift_left3A : i32
      %swap3A = arith.index_cast %shift_right_logical3A_315 : i32 to index
      %swap3A_318 = arith.index_cast %shift_left3A_317 : i32 to index
      %swap3A_319 = tpu.vector_load %arg9[%swap3A, %swap3A_318] {strides = array<i32>} : memref<48x128xf32, #tpu.memory_space<vmem>>, vector<16xf32>,
      tpu.vector_store %arg9[%swap3A, %swap3A_318], %scan3A_311#0 {strides = array<i32>} : memref<48x128xf32, #tpu.memory_space<vmem>>, vector<16xf32>,
      %add3A_320 = arith.constant 16 : i32
      %add3A_321 = arith.addi %shift_left3A_317, %add3A_320 : i32
      %swap3A_322 = arith.index_cast %shift_right_logical3A_315 : i32 to index
      %swap3A_323 = arith.index_cast %add3A_321 : i32 to index
      %swap3A_324 = tpu.vector_load %arg9[%swap3A_322, %swap3A_323] {strides = array<i32>} : memref<48x128xf32, #tpu.memory_space<vmem>>, vector<16xf32>,
      tpu.vector_store %arg9[%swap3A_322, %swap3A_323], %scan3A_311#1 {strides = array<i32>} : memref<48x128xf32, #tpu.memory_space<vmem>>, vector<16xf32>,
      %scan3A_325 = arith.constant 0 : i32
      scf.yield %scan3A_325 : i32
    }
    %scan3A_137 = arith.constant 16 : i32
    %add3A_138 = arith.constant 96 : i32
    %add3A_139 = arith.addi %add3A_4, %add3A_138 : i32
    %dma_start3A_140 = arith.constant 0 : i32
    %dma_start3A_141 = tpu.memref_slice %arg2[%add3A_139, %dma_start3A_140] : memref<16384x1024xf32, #tpu.memory_space<hbm>> -> memref<16x1024xf32, #tpu.memory_space<hbm>>
    %dma_start3A_142 = arith.constant 0 : i32
    %dma_start3A_143 = tpu.memref_slice %arg2[%add3A_139, %dma_start3A_142] : memref<16384x1024xf32, #tpu.memory_space<hbm>> -> memref<16x1024xf32, #tpu.memory_space<hbm>>
    tpu.enqueue_dma source(%dma_start3A_143 : memref<16x1024xf32, #tpu.memory_space<hbm>>) target(%arg5 : memref<16x1024xf32, #tpu.memory_space<vmem>>) target_semaphore(%arg10 : memref<!tpu.dma_semaphore, #tpu.memory_space<semaphore_mem>>)
    %dma_start3A_144 = arith.constant 0 : i32
    %dma_start3A_145 = tpu.memref_slice %arg3[%add3A_139, %dma_start3A_144] : memref<16384x1024xf32, #tpu.memory_space<hbm>> -> memref<16x1024xf32, #tpu.memory_space<hbm>>
    %dma_start3A_146 = arith.constant 0 : i32
    %dma_start3A_147 = tpu.memref_slice %arg3[%add3A_139, %dma_start3A_146] : memref<16384x1024xf32, #tpu.memory_space<hbm>> -> memref<16x1024xf32, #tpu.memory_space<hbm>>
    tpu.enqueue_dma source(%dma_start3A_147 : memref<16x1024xf32, #tpu.memory_space<hbm>>) target(%arg7 : memref<16x1024xf32, #tpu.memory_space<vmem>>) target_semaphore(%arg12 : memref<!tpu.dma_semaphore, #tpu.memory_space<semaphore_mem>>)
    %dma_wait3A_148 = arith.constant 0 : i32
    %dma_wait3A_149 = tpu.memref_slice %arg2[%add3A_114, %dma_wait3A_148] : memref<16384x1024xf32, #tpu.memory_space<hbm>> -> memref<16x1024xf32, #tpu.memory_space<hbm>>
    %dma_wait3A_150 = arith.constant 0 : i32
    %dma_wait3A_151 = tpu.memref_slice %arg2[%add3A_114, %dma_wait3A_150] : memref<16384x1024xf32, #tpu.memory_space<hbm>> -> memref<16x1024xf32, #tpu.memory_space<hbm>>
    tpu.wait_dma2 semaphore(%arg11 : memref<!tpu.dma_semaphore, #tpu.memory_space<semaphore_mem>>) src(%dma_wait3A_151 : memref<16x1024xf32, #tpu.memory_space<hbm>>) dst(%arg6 : memref<16x1024xf32, #tpu.memory_space<vmem>>)
    %dma_wait3A_152 = arith.constant 0 : i32
    %dma_wait3A_153 = tpu.memref_slice %arg3[%add3A_114, %dma_wait3A_152] : memref<16384x1024xf32, #tpu.memory_space<hbm>> -> memref<16x1024xf32, #tpu.memory_space<hbm>>
    %dma_wait3A_154 = arith.constant 0 : i32
    %dma_wait3A_155 = tpu.memref_slice %arg3[%add3A_114, %dma_wait3A_154] : memref<16384x1024xf32, #tpu.memory_space<hbm>> -> memref<16x1024xf32, #tpu.memory_space<hbm>>
    tpu.wait_dma2 semaphore(%arg13 : memref<!tpu.dma_semaphore, #tpu.memory_space<semaphore_mem>>) src(%dma_wait3A_155 : memref<16x1024xf32, #tpu.memory_space<hbm>>) dst(%arg8 : memref<16x1024xf32, #tpu.memory_space<vmem>>)
    %scan3A_156 = arith.constant 0 : i32
    %scan3A_157 = arith.constant 0 : i32
    %scan3A_158 = arith.constant 16 : i32
    %scan3A_159 = arith.addi %scan3A_157, %scan3A_158 : i32
    %scan3A_160 = arith.constant 1 : i32
    %scan3A_161 = scf.for %scan3A_305 = %scan3A_157 to %scan3A_159 step %scan3A_160 iter_args(%scan3A_306 = %scan3A_156) -> (i32)  : i32 {
      %scan3A_307 = arith.constant 0 : i32
      %scan3A_308 = arith.constant 64 : i32
      %scan3A_309 = arith.addi %scan3A_307, %scan3A_308 : i32
      %scan3A_310 = arith.constant 8 : i32
      %scan3A_311:2 = scf.for %scan3A_326 = %scan3A_307 to %scan3A_309 step %scan3A_310 iter_args(%scan3A_327 = %broadcast_in_dim3A_5, %scan3A_328 = %broadcast_in_dim3A_5) -> (vector<16xf32>, vector<16xf32>)  : i32 {
        %mul3A_329 = arith.constant 16 : i32
        %mul3A_330 = arith.muli %scan3A_326, %mul3A_329 : i32
        %get3A = arith.index_cast %scan3A_305 : i32 to index
        %get3A_331 = arith.index_cast %mul3A_330 : i32 to index
        %get3A_332 = tpu.vector_load %arg6[%get3A, %get3A_331] {strides = array<i32>} : memref<16x1024xf32, #tpu.memory_space<vmem>>, vector<16xf32>,
        %mul3A_333 = arith.constant 16 : i32
        %mul3A_334 = arith.muli %scan3A_326, %mul3A_333 : i32
        %get3A_335 = arith.index_cast %scan3A_305 : i32 to index
        %get3A_336 = arith.index_cast %mul3A_334 : i32 to index
        %get3A_337 = tpu.vector_load %arg8[%get3A_335, %get3A_336] {strides = array<i32>} : memref<16x1024xf32, #tpu.memory_space<vmem>>, vector<16xf32>,
        %add3A_338 = arith.addf %scan3A_327, %get3A_332 : vector<16xf32>
        %sub3A = arith.subf %get3A_337, %get3A_332 : vector<16xf32>
        %abs3A = math.absf %sub3A : vector<16xf32>
        %add3A_339 = arith.addf %scan3A_328, %abs3A : vector<16xf32>
        %scan3A_340 = arith.constant 1 : i32
        %scan3A_341 = arith.addi %scan3A_326, %scan3A_340 : i32
        %mul3A_342 = arith.constant 16 : i32
        %mul3A_343 = arith.muli %scan3A_341, %mul3A_342 : i32
        %get3A_344 = arith.index_cast %scan3A_305 : i32 to index
        %get3A_345 = arith.index_cast %mul3A_343 : i32 to index
        %get3A_346 = tpu.vector_load %arg6[%get3A_344, %get3A_345] {strides = array<i32>} : memref<16x1024xf32, #tpu.memory_space<vmem>>, vector<16xf32>,
        %mul3A_347 = arith.constant 16 : i32
        %mul3A_348 = arith.muli %scan3A_341, %mul3A_347 : i32
        %get3A_349 = arith.index_cast %scan3A_305 : i32 to index
        %get3A_350 = arith.index_cast %mul3A_348 : i32 to index
        %get3A_351 = tpu.vector_load %arg8[%get3A_349, %get3A_350] {strides = array<i32>} : memref<16x1024xf32, #tpu.memory_space<vmem>>, vector<16xf32>,
        %add3A_352 = arith.addf %add3A_338, %get3A_346 : vector<16xf32>
        %sub3A_353 = arith.subf %get3A_351, %get3A_346 : vector<16xf32>
        %abs3A_354 = math.absf %sub3A_353 : vector<16xf32>
        %add3A_355 = arith.addf %add3A_339, %abs3A_354 : vector<16xf32>
        %scan3A_356 = arith.constant 2 : i32
        %scan3A_357 = arith.addi %scan3A_326, %scan3A_356 : i32
        %mul3A_358 = arith.constant 16 : i32
        %mul3A_359 = arith.muli %scan3A_357, %mul3A_358 : i32
        %get3A_360 = arith.index_cast %scan3A_305 : i32 to index
        %get3A_361 = arith.index_cast %mul3A_359 : i32 to index
        %get3A_362 = tpu.vector_load %arg6[%get3A_360, %get3A_361] {strides = array<i32>} : memref<16x1024xf32, #tpu.memory_space<vmem>>, vector<16xf32>,
        %mul3A_363 = arith.constant 16 : i32
        %mul3A_364 = arith.muli %scan3A_357, %mul3A_363 : i32
        %get3A_365 = arith.index_cast %scan3A_305 : i32 to index
        %get3A_366 = arith.index_cast %mul3A_364 : i32 to index
        %get3A_367 = tpu.vector_load %arg8[%get3A_365, %get3A_366] {strides = array<i32>} : memref<16x1024xf32, #tpu.memory_space<vmem>>, vector<16xf32>,
        %add3A_368 = arith.addf %add3A_352, %get3A_362 : vector<16xf32>
        %sub3A_369 = arith.subf %get3A_367, %get3A_362 : vector<16xf32>
        %abs3A_370 = math.absf %sub3A_369 : vector<16xf32>
        %add3A_371 = arith.addf %add3A_355, %abs3A_370 : vector<16xf32>
        %scan3A_372 = arith.constant 3 : i32
        %scan3A_373 = arith.addi %scan3A_326, %scan3A_372 : i32
        %mul3A_374 = arith.constant 16 : i32
        %mul3A_375 = arith.muli %scan3A_373, %mul3A_374 : i32
        %get3A_376 = arith.index_cast %scan3A_305 : i32 to index
        %get3A_377 = arith.index_cast %mul3A_375 : i32 to index
        %get3A_378 = tpu.vector_load %arg6[%get3A_376, %get3A_377] {strides = array<i32>} : memref<16x1024xf32, #tpu.memory_space<vmem>>, vector<16xf32>,
        %mul3A_379 = arith.constant 16 : i32
        %mul3A_380 = arith.muli %scan3A_373, %mul3A_379 : i32
        %get3A_381 = arith.index_cast %scan3A_305 : i32 to index
        %get3A_382 = arith.index_cast %mul3A_380 : i32 to index
        %get3A_383 = tpu.vector_load %arg8[%get3A_381, %get3A_382] {strides = array<i32>} : memref<16x1024xf32, #tpu.memory_space<vmem>>, vector<16xf32>,
        %add3A_384 = arith.addf %add3A_368, %get3A_378 : vector<16xf32>
        %sub3A_385 = arith.subf %get3A_383, %get3A_378 : vector<16xf32>
        %abs3A_386 = math.absf %sub3A_385 : vector<16xf32>
        %add3A_387 = arith.addf %add3A_371, %abs3A_386 : vector<16xf32>
        %scan3A_388 = arith.constant 4 : i32
        %scan3A_389 = arith.addi %scan3A_326, %scan3A_388 : i32
        %mul3A_390 = arith.constant 16 : i32
        %mul3A_391 = arith.muli %scan3A_389, %mul3A_390 : i32
        %get3A_392 = arith.index_cast %scan3A_305 : i32 to index
        %get3A_393 = arith.index_cast %mul3A_391 : i32 to index
        %get3A_394 = tpu.vector_load %arg6[%get3A_392, %get3A_393] {strides = array<i32>} : memref<16x1024xf32, #tpu.memory_space<vmem>>, vector<16xf32>,
        %mul3A_395 = arith.constant 16 : i32
        %mul3A_396 = arith.muli %scan3A_389, %mul3A_395 : i32
        %get3A_397 = arith.index_cast %scan3A_305 : i32 to index
        %get3A_398 = arith.index_cast %mul3A_396 : i32 to index
        %get3A_399 = tpu.vector_load %arg8[%get3A_397, %get3A_398] {strides = array<i32>} : memref<16x1024xf32, #tpu.memory_space<vmem>>, vector<16xf32>,
        %add3A_400 = arith.addf %add3A_384, %get3A_394 : vector<16xf32>
        %sub3A_401 = arith.subf %get3A_399, %get3A_394 : vector<16xf32>
        %abs3A_402 = math.absf %sub3A_401 : vector<16xf32>
        %add3A_403 = arith.addf %add3A_387, %abs3A_402 : vector<16xf32>
        %scan3A_404 = arith.constant 5 : i32
        %scan3A_405 = arith.addi %scan3A_326, %scan3A_404 : i32
        %mul3A_406 = arith.constant 16 : i32
        %mul3A_407 = arith.muli %scan3A_405, %mul3A_406 : i32
        %get3A_408 = arith.index_cast %scan3A_305 : i32 to index
        %get3A_409 = arith.index_cast %mul3A_407 : i32 to index
        %get3A_410 = tpu.vector_load %arg6[%get3A_408, %get3A_409] {strides = array<i32>} : memref<16x1024xf32, #tpu.memory_space<vmem>>, vector<16xf32>,
        %mul3A_411 = arith.constant 16 : i32
        %mul3A_412 = arith.muli %scan3A_405, %mul3A_411 : i32
        %get3A_413 = arith.index_cast %scan3A_305 : i32 to index
        %get3A_414 = arith.index_cast %mul3A_412 : i32 to index
        %get3A_415 = tpu.vector_load %arg8[%get3A_413, %get3A_414] {strides = array<i32>} : memref<16x1024xf32, #tpu.memory_space<vmem>>, vector<16xf32>,
        %add3A_416 = arith.addf %add3A_400, %get3A_410 : vector<16xf32>
        %sub3A_417 = arith.subf %get3A_415, %get3A_410 : vector<16xf32>
        %abs3A_418 = math.absf %sub3A_417 : vector<16xf32>
        %add3A_419 = arith.addf %add3A_403, %abs3A_418 : vector<16xf32>
        %scan3A_420 = arith.constant 6 : i32
        %scan3A_421 = arith.addi %scan3A_326, %scan3A_420 : i32
        %mul3A_422 = arith.constant 16 : i32
        %mul3A_423 = arith.muli %scan3A_421, %mul3A_422 : i32
        %get3A_424 = arith.index_cast %scan3A_305 : i32 to index
        %get3A_425 = arith.index_cast %mul3A_423 : i32 to index
        %get3A_426 = tpu.vector_load %arg6[%get3A_424, %get3A_425] {strides = array<i32>} : memref<16x1024xf32, #tpu.memory_space<vmem>>, vector<16xf32>,
        %mul3A_427 = arith.constant 16 : i32
        %mul3A_428 = arith.muli %scan3A_421, %mul3A_427 : i32
        %get3A_429 = arith.index_cast %scan3A_305 : i32 to index
        %get3A_430 = arith.index_cast %mul3A_428 : i32 to index
        %get3A_431 = tpu.vector_load %arg8[%get3A_429, %get3A_430] {strides = array<i32>} : memref<16x1024xf32, #tpu.memory_space<vmem>>, vector<16xf32>,
        %add3A_432 = arith.addf %add3A_416, %get3A_426 : vector<16xf32>
        %sub3A_433 = arith.subf %get3A_431, %get3A_426 : vector<16xf32>
        %abs3A_434 = math.absf %sub3A_433 : vector<16xf32>
        %add3A_435 = arith.addf %add3A_419, %abs3A_434 : vector<16xf32>
        %scan3A_436 = arith.constant 7 : i32
        %scan3A_437 = arith.addi %scan3A_326, %scan3A_436 : i32
        %mul3A_438 = arith.constant 16 : i32
        %mul3A_439 = arith.muli %scan3A_437, %mul3A_438 : i32
        %get3A_440 = arith.index_cast %scan3A_305 : i32 to index
        %get3A_441 = arith.index_cast %mul3A_439 : i32 to index
        %get3A_442 = tpu.vector_load %arg6[%get3A_440, %get3A_441] {strides = array<i32>} : memref<16x1024xf32, #tpu.memory_space<vmem>>, vector<16xf32>,
        %mul3A_443 = arith.constant 16 : i32
        %mul3A_444 = arith.muli %scan3A_437, %mul3A_443 : i32
        %get3A_445 = arith.index_cast %scan3A_305 : i32 to index
        %get3A_446 = arith.index_cast %mul3A_444 : i32 to index
        %get3A_447 = tpu.vector_load %arg8[%get3A_445, %get3A_446] {strides = array<i32>} : memref<16x1024xf32, #tpu.memory_space<vmem>>, vector<16xf32>,
        %add3A_448 = arith.addf %add3A_432, %get3A_442 : vector<16xf32>
        %sub3A_449 = arith.subf %get3A_447, %get3A_442 : vector<16xf32>
        %abs3A_450 = math.absf %sub3A_449 : vector<16xf32>
        %add3A_451 = arith.addf %add3A_435, %abs3A_450 : vector<16xf32>
        scf.yield %add3A_448, %add3A_451 : vector<16xf32>, vector<16xf32>
      }
      %scan3A_312 = arith.constant 64 : i32
      %add3A_313 = arith.constant 80 : i32
      %add3A_314 = arith.addi %add3A_313, %scan3A_305 : i32
      %shift_right_logical3A = arith.constant 2 : i32
      %shift_right_logical3A_315 = arith.shrui %add3A_314, %shift_right_logical3A : i32
      %and3A = arith.constant 3 : i32
      %and3A_316 = arith.andi %add3A_314, %and3A : i32
      %shift_left3A = arith.constant 5 : i32
      %shift_left3A_317 = arith.shli %and3A_316, %shift_left3A : i32
      %swap3A = arith.index_cast %shift_right_logical3A_315 : i32 to index
      %swap3A_318 = arith.index_cast %shift_left3A_317 : i32 to index
      %swap3A_319 = tpu.vector_load %arg9[%swap3A, %swap3A_318] {strides = array<i32>} : memref<48x128xf32, #tpu.memory_space<vmem>>, vector<16xf32>,
      tpu.vector_store %arg9[%swap3A, %swap3A_318], %scan3A_311#0 {strides = array<i32>} : memref<48x128xf32, #tpu.memory_space<vmem>>, vector<16xf32>,
      %add3A_320 = arith.constant 16 : i32
      %add3A_321 = arith.addi %shift_left3A_317, %add3A_320 : i32
      %swap3A_322 = arith.index_cast %shift_right_logical3A_315 : i32 to index
      %swap3A_323 = arith.index_cast %add3A_321 : i32 to index
      %swap3A_324 = tpu.vector_load %arg9[%swap3A_322, %swap3A_323] {strides = array<i32>} : memref<48x128xf32, #tpu.memory_space<vmem>>, vector<16xf32>,
      tpu.vector_store %arg9[%swap3A_322, %swap3A_323], %scan3A_311#1 {strides = array<i32>} : memref<48x128xf32, #tpu.memory_space<vmem>>, vector<16xf32>,
      %scan3A_325 = arith.constant 0 : i32
      scf.yield %scan3A_325 : i32
    }
    %scan3A_162 = arith.constant 16 : i32
    %add3A_163 = arith.constant 112 : i32
    %add3A_164 = arith.addi %add3A_4, %add3A_163 : i32
    %dma_start3A_165 = arith.constant 0 : i32
    %dma_start3A_166 = tpu.memref_slice %arg2[%add3A_164, %dma_start3A_165] : memref<16384x1024xf32, #tpu.memory_space<hbm>> -> memref<16x1024xf32, #tpu.memory_space<hbm>>
    %dma_start3A_167 = arith.constant 0 : i32
    %dma_start3A_168 = tpu.memref_slice %arg2[%add3A_164, %dma_start3A_167] : memref<16384x1024xf32, #tpu.memory_space<hbm>> -> memref<16x1024xf32, #tpu.memory_space<hbm>>
    tpu.enqueue_dma source(%dma_start3A_168 : memref<16x1024xf32, #tpu.memory_space<hbm>>) target(%arg6 : memref<16x1024xf32, #tpu.memory_space<vmem>>) target_semaphore(%arg11 : memref<!tpu.dma_semaphore, #tpu.memory_space<semaphore_mem>>)
    %dma_start3A_169 = arith.constant 0 : i32
    %dma_start3A_170 = tpu.memref_slice %arg3[%add3A_164, %dma_start3A_169] : memref<16384x1024xf32, #tpu.memory_space<hbm>> -> memref<16x1024xf32, #tpu.memory_space<hbm>>
    %dma_start3A_171 = arith.constant 0 : i32
    %dma_start3A_172 = tpu.memref_slice %arg3[%add3A_164, %dma_start3A_171] : memref<16384x1024xf32, #tpu.memory_space<hbm>> -> memref<16x1024xf32, #tpu.memory_space<hbm>>
    tpu.enqueue_dma source(%dma_start3A_172 : memref<16x1024xf32, #tpu.memory_space<hbm>>) target(%arg8 : memref<16x1024xf32, #tpu.memory_space<vmem>>) target_semaphore(%arg13 : memref<!tpu.dma_semaphore, #tpu.memory_space<semaphore_mem>>)
    %dma_wait3A_173 = arith.constant 0 : i32
    %dma_wait3A_174 = tpu.memref_slice %arg2[%add3A_139, %dma_wait3A_173] : memref<16384x1024xf32, #tpu.memory_space<hbm>> -> memref<16x1024xf32, #tpu.memory_space<hbm>>
    %dma_wait3A_175 = arith.constant 0 : i32
    %dma_wait3A_176 = tpu.memref_slice %arg2[%add3A_139, %dma_wait3A_175] : memref<16384x1024xf32, #tpu.memory_space<hbm>> -> memref<16x1024xf32, #tpu.memory_space<hbm>>
    tpu.wait_dma2 semaphore(%arg10 : memref<!tpu.dma_semaphore, #tpu.memory_space<semaphore_mem>>) src(%dma_wait3A_176 : memref<16x1024xf32, #tpu.memory_space<hbm>>) dst(%arg5 : memref<16x1024xf32, #tpu.memory_space<vmem>>)
    %dma_wait3A_177 = arith.constant 0 : i32
    %dma_wait3A_178 = tpu.memref_slice %arg3[%add3A_139, %dma_wait3A_177] : memref<16384x1024xf32, #tpu.memory_space<hbm>> -> memref<16x1024xf32, #tpu.memory_space<hbm>>
    %dma_wait3A_179 = arith.constant 0 : i32
    %dma_wait3A_180 = tpu.memref_slice %arg3[%add3A_139, %dma_wait3A_179] : memref<16384x1024xf32, #tpu.memory_space<hbm>> -> memref<16x1024xf32, #tpu.memory_space<hbm>>
    tpu.wait_dma2 semaphore(%arg12 : memref<!tpu.dma_semaphore, #tpu.memory_space<semaphore_mem>>) src(%dma_wait3A_180 : memref<16x1024xf32, #tpu.memory_space<hbm>>) dst(%arg7 : memref<16x1024xf32, #tpu.memory_space<vmem>>)
    %scan3A_181 = arith.constant 0 : i32
    %scan3A_182 = arith.constant 0 : i32
    %scan3A_183 = arith.constant 16 : i32
    %scan3A_184 = arith.addi %scan3A_182, %scan3A_183 : i32
    %scan3A_185 = arith.constant 1 : i32
    %scan3A_186 = scf.for %scan3A_305 = %scan3A_182 to %scan3A_184 step %scan3A_185 iter_args(%scan3A_306 = %scan3A_181) -> (i32)  : i32 {
      %scan3A_307 = arith.constant 0 : i32
      %scan3A_308 = arith.constant 64 : i32
      %scan3A_309 = arith.addi %scan3A_307, %scan3A_308 : i32
      %scan3A_310 = arith.constant 8 : i32
      %scan3A_311:2 = scf.for %scan3A_326 = %scan3A_307 to %scan3A_309 step %scan3A_310 iter_args(%scan3A_327 = %broadcast_in_dim3A_5, %scan3A_328 = %broadcast_in_dim3A_5) -> (vector<16xf32>, vector<16xf32>)  : i32 {
        %mul3A_329 = arith.constant 16 : i32
        %mul3A_330 = arith.muli %scan3A_326, %mul3A_329 : i32
        %get3A = arith.index_cast %scan3A_305 : i32 to index
        %get3A_331 = arith.index_cast %mul3A_330 : i32 to index
        %get3A_332 = tpu.vector_load %arg5[%get3A, %get3A_331] {strides = array<i32>} : memref<16x1024xf32, #tpu.memory_space<vmem>>, vector<16xf32>,
        %mul3A_333 = arith.constant 16 : i32
        %mul3A_334 = arith.muli %scan3A_326, %mul3A_333 : i32
        %get3A_335 = arith.index_cast %scan3A_305 : i32 to index
        %get3A_336 = arith.index_cast %mul3A_334 : i32 to index
        %get3A_337 = tpu.vector_load %arg7[%get3A_335, %get3A_336] {strides = array<i32>} : memref<16x1024xf32, #tpu.memory_space<vmem>>, vector<16xf32>,
        %add3A_338 = arith.addf %scan3A_327, %get3A_332 : vector<16xf32>
        %sub3A = arith.subf %get3A_337, %get3A_332 : vector<16xf32>
        %abs3A = math.absf %sub3A : vector<16xf32>
        %add3A_339 = arith.addf %scan3A_328, %abs3A : vector<16xf32>
        %scan3A_340 = arith.constant 1 : i32
        %scan3A_341 = arith.addi %scan3A_326, %scan3A_340 : i32
        %mul3A_342 = arith.constant 16 : i32
        %mul3A_343 = arith.muli %scan3A_341, %mul3A_342 : i32
        %get3A_344 = arith.index_cast %scan3A_305 : i32 to index
        %get3A_345 = arith.index_cast %mul3A_343 : i32 to index
        %get3A_346 = tpu.vector_load %arg5[%get3A_344, %get3A_345] {strides = array<i32>} : memref<16x1024xf32, #tpu.memory_space<vmem>>, vector<16xf32>,
        %mul3A_347 = arith.constant 16 : i32
        %mul3A_348 = arith.muli %scan3A_341, %mul3A_347 : i32
        %get3A_349 = arith.index_cast %scan3A_305 : i32 to index
        %get3A_350 = arith.index_cast %mul3A_348 : i32 to index
        %get3A_351 = tpu.vector_load %arg7[%get3A_349, %get3A_350] {strides = array<i32>} : memref<16x1024xf32, #tpu.memory_space<vmem>>, vector<16xf32>,
        %add3A_352 = arith.addf %add3A_338, %get3A_346 : vector<16xf32>
        %sub3A_353 = arith.subf %get3A_351, %get3A_346 : vector<16xf32>
        %abs3A_354 = math.absf %sub3A_353 : vector<16xf32>
        %add3A_355 = arith.addf %add3A_339, %abs3A_354 : vector<16xf32>
        %scan3A_356 = arith.constant 2 : i32
        %scan3A_357 = arith.addi %scan3A_326, %scan3A_356 : i32
        %mul3A_358 = arith.constant 16 : i32
        %mul3A_359 = arith.muli %scan3A_357, %mul3A_358 : i32
        %get3A_360 = arith.index_cast %scan3A_305 : i32 to index
        %get3A_361 = arith.index_cast %mul3A_359 : i32 to index
        %get3A_362 = tpu.vector_load %arg5[%get3A_360, %get3A_361] {strides = array<i32>} : memref<16x1024xf32, #tpu.memory_space<vmem>>, vector<16xf32>,
        %mul3A_363 = arith.constant 16 : i32
        %mul3A_364 = arith.muli %scan3A_357, %mul3A_363 : i32
        %get3A_365 = arith.index_cast %scan3A_305 : i32 to index
        %get3A_366 = arith.index_cast %mul3A_364 : i32 to index
        %get3A_367 = tpu.vector_load %arg7[%get3A_365, %get3A_366] {strides = array<i32>} : memref<16x1024xf32, #tpu.memory_space<vmem>>, vector<16xf32>,
        %add3A_368 = arith.addf %add3A_352, %get3A_362 : vector<16xf32>
        %sub3A_369 = arith.subf %get3A_367, %get3A_362 : vector<16xf32>
        %abs3A_370 = math.absf %sub3A_369 : vector<16xf32>
        %add3A_371 = arith.addf %add3A_355, %abs3A_370 : vector<16xf32>
        %scan3A_372 = arith.constant 3 : i32
        %scan3A_373 = arith.addi %scan3A_326, %scan3A_372 : i32
        %mul3A_374 = arith.constant 16 : i32
        %mul3A_375 = arith.muli %scan3A_373, %mul3A_374 : i32
        %get3A_376 = arith.index_cast %scan3A_305 : i32 to index
        %get3A_377 = arith.index_cast %mul3A_375 : i32 to index
        %get3A_378 = tpu.vector_load %arg5[%get3A_376, %get3A_377] {strides = array<i32>} : memref<16x1024xf32, #tpu.memory_space<vmem>>, vector<16xf32>,
        %mul3A_379 = arith.constant 16 : i32
        %mul3A_380 = arith.muli %scan3A_373, %mul3A_379 : i32
        %get3A_381 = arith.index_cast %scan3A_305 : i32 to index
        %get3A_382 = arith.index_cast %mul3A_380 : i32 to index
        %get3A_383 = tpu.vector_load %arg7[%get3A_381, %get3A_382] {strides = array<i32>} : memref<16x1024xf32, #tpu.memory_space<vmem>>, vector<16xf32>,
        %add3A_384 = arith.addf %add3A_368, %get3A_378 : vector<16xf32>
        %sub3A_385 = arith.subf %get3A_383, %get3A_378 : vector<16xf32>
        %abs3A_386 = math.absf %sub3A_385 : vector<16xf32>
        %add3A_387 = arith.addf %add3A_371, %abs3A_386 : vector<16xf32>
        %scan3A_388 = arith.constant 4 : i32
        %scan3A_389 = arith.addi %scan3A_326, %scan3A_388 : i32
        %mul3A_390 = arith.constant 16 : i32
        %mul3A_391 = arith.muli %scan3A_389, %mul3A_390 : i32
        %get3A_392 = arith.index_cast %scan3A_305 : i32 to index
        %get3A_393 = arith.index_cast %mul3A_391 : i32 to index
        %get3A_394 = tpu.vector_load %arg5[%get3A_392, %get3A_393] {strides = array<i32>} : memref<16x1024xf32, #tpu.memory_space<vmem>>, vector<16xf32>,
        %mul3A_395 = arith.constant 16 : i32
        %mul3A_396 = arith.muli %scan3A_389, %mul3A_395 : i32
        %get3A_397 = arith.index_cast %scan3A_305 : i32 to index
        %get3A_398 = arith.index_cast %mul3A_396 : i32 to index
        %get3A_399 = tpu.vector_load %arg7[%get3A_397, %get3A_398] {strides = array<i32>} : memref<16x1024xf32, #tpu.memory_space<vmem>>, vector<16xf32>,
        %add3A_400 = arith.addf %add3A_384, %get3A_394 : vector<16xf32>
        %sub3A_401 = arith.subf %get3A_399, %get3A_394 : vector<16xf32>
        %abs3A_402 = math.absf %sub3A_401 : vector<16xf32>
        %add3A_403 = arith.addf %add3A_387, %abs3A_402 : vector<16xf32>
        %scan3A_404 = arith.constant 5 : i32
        %scan3A_405 = arith.addi %scan3A_326, %scan3A_404 : i32
        %mul3A_406 = arith.constant 16 : i32
        %mul3A_407 = arith.muli %scan3A_405, %mul3A_406 : i32
        %get3A_408 = arith.index_cast %scan3A_305 : i32 to index
        %get3A_409 = arith.index_cast %mul3A_407 : i32 to index
        %get3A_410 = tpu.vector_load %arg5[%get3A_408, %get3A_409] {strides = array<i32>} : memref<16x1024xf32, #tpu.memory_space<vmem>>, vector<16xf32>,
        %mul3A_411 = arith.constant 16 : i32
        %mul3A_412 = arith.muli %scan3A_405, %mul3A_411 : i32
        %get3A_413 = arith.index_cast %scan3A_305 : i32 to index
        %get3A_414 = arith.index_cast %mul3A_412 : i32 to index
        %get3A_415 = tpu.vector_load %arg7[%get3A_413, %get3A_414] {strides = array<i32>} : memref<16x1024xf32, #tpu.memory_space<vmem>>, vector<16xf32>,
        %add3A_416 = arith.addf %add3A_400, %get3A_410 : vector<16xf32>
        %sub3A_417 = arith.subf %get3A_415, %get3A_410 : vector<16xf32>
        %abs3A_418 = math.absf %sub3A_417 : vector<16xf32>
        %add3A_419 = arith.addf %add3A_403, %abs3A_418 : vector<16xf32>
        %scan3A_420 = arith.constant 6 : i32
        %scan3A_421 = arith.addi %scan3A_326, %scan3A_420 : i32
        %mul3A_422 = arith.constant 16 : i32
        %mul3A_423 = arith.muli %scan3A_421, %mul3A_422 : i32
        %get3A_424 = arith.index_cast %scan3A_305 : i32 to index
        %get3A_425 = arith.index_cast %mul3A_423 : i32 to index
        %get3A_426 = tpu.vector_load %arg5[%get3A_424, %get3A_425] {strides = array<i32>} : memref<16x1024xf32, #tpu.memory_space<vmem>>, vector<16xf32>,
        %mul3A_427 = arith.constant 16 : i32
        %mul3A_428 = arith.muli %scan3A_421, %mul3A_427 : i32
        %get3A_429 = arith.index_cast %scan3A_305 : i32 to index
        %get3A_430 = arith.index_cast %mul3A_428 : i32 to index
        %get3A_431 = tpu.vector_load %arg7[%get3A_429, %get3A_430] {strides = array<i32>} : memref<16x1024xf32, #tpu.memory_space<vmem>>, vector<16xf32>,
        %add3A_432 = arith.addf %add3A_416, %get3A_426 : vector<16xf32>
        %sub3A_433 = arith.subf %get3A_431, %get3A_426 : vector<16xf32>
        %abs3A_434 = math.absf %sub3A_433 : vector<16xf32>
        %add3A_435 = arith.addf %add3A_419, %abs3A_434 : vector<16xf32>
        %scan3A_436 = arith.constant 7 : i32
        %scan3A_437 = arith.addi %scan3A_326, %scan3A_436 : i32
        %mul3A_438 = arith.constant 16 : i32
        %mul3A_439 = arith.muli %scan3A_437, %mul3A_438 : i32
        %get3A_440 = arith.index_cast %scan3A_305 : i32 to index
        %get3A_441 = arith.index_cast %mul3A_439 : i32 to index
        %get3A_442 = tpu.vector_load %arg5[%get3A_440, %get3A_441] {strides = array<i32>} : memref<16x1024xf32, #tpu.memory_space<vmem>>, vector<16xf32>,
        %mul3A_443 = arith.constant 16 : i32
        %mul3A_444 = arith.muli %scan3A_437, %mul3A_443 : i32
        %get3A_445 = arith.index_cast %scan3A_305 : i32 to index
        %get3A_446 = arith.index_cast %mul3A_444 : i32 to index
        %get3A_447 = tpu.vector_load %arg7[%get3A_445, %get3A_446] {strides = array<i32>} : memref<16x1024xf32, #tpu.memory_space<vmem>>, vector<16xf32>,
        %add3A_448 = arith.addf %add3A_432, %get3A_442 : vector<16xf32>
        %sub3A_449 = arith.subf %get3A_447, %get3A_442 : vector<16xf32>
        %abs3A_450 = math.absf %sub3A_449 : vector<16xf32>
        %add3A_451 = arith.addf %add3A_435, %abs3A_450 : vector<16xf32>
        scf.yield %add3A_448, %add3A_451 : vector<16xf32>, vector<16xf32>
      }
      %scan3A_312 = arith.constant 64 : i32
      %add3A_313 = arith.constant 96 : i32
      %add3A_314 = arith.addi %add3A_313, %scan3A_305 : i32
      %shift_right_logical3A = arith.constant 2 : i32
      %shift_right_logical3A_315 = arith.shrui %add3A_314, %shift_right_logical3A : i32
      %and3A = arith.constant 3 : i32
      %and3A_316 = arith.andi %add3A_314, %and3A : i32
      %shift_left3A = arith.constant 5 : i32
      %shift_left3A_317 = arith.shli %and3A_316, %shift_left3A : i32
      %swap3A = arith.index_cast %shift_right_logical3A_315 : i32 to index
      %swap3A_318 = arith.index_cast %shift_left3A_317 : i32 to index
      %swap3A_319 = tpu.vector_load %arg9[%swap3A, %swap3A_318] {strides = array<i32>} : memref<48x128xf32, #tpu.memory_space<vmem>>, vector<16xf32>,
      tpu.vector_store %arg9[%swap3A, %swap3A_318], %scan3A_311#0 {strides = array<i32>} : memref<48x128xf32, #tpu.memory_space<vmem>>, vector<16xf32>,
      %add3A_320 = arith.constant 16 : i32
      %add3A_321 = arith.addi %shift_left3A_317, %add3A_320 : i32
      %swap3A_322 = arith.index_cast %shift_right_logical3A_315 : i32 to index
      %swap3A_323 = arith.index_cast %add3A_321 : i32 to index
      %swap3A_324 = tpu.vector_load %arg9[%swap3A_322, %swap3A_323] {strides = array<i32>} : memref<48x128xf32, #tpu.memory_space<vmem>>, vector<16xf32>,
      tpu.vector_store %arg9[%swap3A_322, %swap3A_323], %scan3A_311#1 {strides = array<i32>} : memref<48x128xf32, #tpu.memory_space<vmem>>, vector<16xf32>,
      %scan3A_325 = arith.constant 0 : i32
      scf.yield %scan3A_325 : i32
    }
    %scan3A_187 = arith.constant 16 : i32
    %add3A_188 = arith.constant 128 : i32
    %add3A_189 = arith.addi %add3A_4, %add3A_188 : i32
    %dma_start3A_190 = arith.constant 0 : i32
    %dma_start3A_191 = tpu.memref_slice %arg2[%add3A_189, %dma_start3A_190] : memref<16384x1024xf32, #tpu.memory_space<hbm>> -> memref<16x1024xf32, #tpu.memory_space<hbm>>
    %dma_start3A_192 = arith.constant 0 : i32
    %dma_start3A_193 = tpu.memref_slice %arg2[%add3A_189, %dma_start3A_192] : memref<16384x1024xf32, #tpu.memory_space<hbm>> -> memref<16x1024xf32, #tpu.memory_space<hbm>>
    tpu.enqueue_dma source(%dma_start3A_193 : memref<16x1024xf32, #tpu.memory_space<hbm>>) target(%arg5 : memref<16x1024xf32, #tpu.memory_space<vmem>>) target_semaphore(%arg10 : memref<!tpu.dma_semaphore, #tpu.memory_space<semaphore_mem>>)
    %dma_start3A_194 = arith.constant 0 : i32
    %dma_start3A_195 = tpu.memref_slice %arg3[%add3A_189, %dma_start3A_194] : memref<16384x1024xf32, #tpu.memory_space<hbm>> -> memref<16x1024xf32, #tpu.memory_space<hbm>>
    %dma_start3A_196 = arith.constant 0 : i32
    %dma_start3A_197 = tpu.memref_slice %arg3[%add3A_189, %dma_start3A_196] : memref<16384x1024xf32, #tpu.memory_space<hbm>> -> memref<16x1024xf32, #tpu.memory_space<hbm>>
    tpu.enqueue_dma source(%dma_start3A_197 : memref<16x1024xf32, #tpu.memory_space<hbm>>) target(%arg7 : memref<16x1024xf32, #tpu.memory_space<vmem>>) target_semaphore(%arg12 : memref<!tpu.dma_semaphore, #tpu.memory_space<semaphore_mem>>)
    %dma_wait3A_198 = arith.constant 0 : i32
    %dma_wait3A_199 = tpu.memref_slice %arg2[%add3A_164, %dma_wait3A_198] : memref<16384x1024xf32, #tpu.memory_space<hbm>> -> memref<16x1024xf32, #tpu.memory_space<hbm>>
    %dma_wait3A_200 = arith.constant 0 : i32
    %dma_wait3A_201 = tpu.memref_slice %arg2[%add3A_164, %dma_wait3A_200] : memref<16384x1024xf32, #tpu.memory_space<hbm>> -> memref<16x1024xf32, #tpu.memory_space<hbm>>
    tpu.wait_dma2 semaphore(%arg11 : memref<!tpu.dma_semaphore, #tpu.memory_space<semaphore_mem>>) src(%dma_wait3A_201 : memref<16x1024xf32, #tpu.memory_space<hbm>>) dst(%arg6 : memref<16x1024xf32, #tpu.memory_space<vmem>>)
    %dma_wait3A_202 = arith.constant 0 : i32
    %dma_wait3A_203 = tpu.memref_slice %arg3[%add3A_164, %dma_wait3A_202] : memref<16384x1024xf32, #tpu.memory_space<hbm>> -> memref<16x1024xf32, #tpu.memory_space<hbm>>
    %dma_wait3A_204 = arith.constant 0 : i32
    %dma_wait3A_205 = tpu.memref_slice %arg3[%add3A_164, %dma_wait3A_204] : memref<16384x1024xf32, #tpu.memory_space<hbm>> -> memref<16x1024xf32, #tpu.memory_space<hbm>>
    tpu.wait_dma2 semaphore(%arg13 : memref<!tpu.dma_semaphore, #tpu.memory_space<semaphore_mem>>) src(%dma_wait3A_205 : memref<16x1024xf32, #tpu.memory_space<hbm>>) dst(%arg8 : memref<16x1024xf32, #tpu.memory_space<vmem>>)
    %scan3A_206 = arith.constant 0 : i32
    %scan3A_207 = arith.constant 0 : i32
    %scan3A_208 = arith.constant 16 : i32
    %scan3A_209 = arith.addi %scan3A_207, %scan3A_208 : i32
    %scan3A_210 = arith.constant 1 : i32
    %scan3A_211 = scf.for %scan3A_305 = %scan3A_207 to %scan3A_209 step %scan3A_210 iter_args(%scan3A_306 = %scan3A_206) -> (i32)  : i32 {
      %scan3A_307 = arith.constant 0 : i32
      %scan3A_308 = arith.constant 64 : i32
      %scan3A_309 = arith.addi %scan3A_307, %scan3A_308 : i32
      %scan3A_310 = arith.constant 8 : i32
      %scan3A_311:2 = scf.for %scan3A_326 = %scan3A_307 to %scan3A_309 step %scan3A_310 iter_args(%scan3A_327 = %broadcast_in_dim3A_5, %scan3A_328 = %broadcast_in_dim3A_5) -> (vector<16xf32>, vector<16xf32>)  : i32 {
        %mul3A_329 = arith.constant 16 : i32
        %mul3A_330 = arith.muli %scan3A_326, %mul3A_329 : i32
        %get3A = arith.index_cast %scan3A_305 : i32 to index
        %get3A_331 = arith.index_cast %mul3A_330 : i32 to index
        %get3A_332 = tpu.vector_load %arg6[%get3A, %get3A_331] {strides = array<i32>} : memref<16x1024xf32, #tpu.memory_space<vmem>>, vector<16xf32>,
        %mul3A_333 = arith.constant 16 : i32
        %mul3A_334 = arith.muli %scan3A_326, %mul3A_333 : i32
        %get3A_335 = arith.index_cast %scan3A_305 : i32 to index
        %get3A_336 = arith.index_cast %mul3A_334 : i32 to index
        %get3A_337 = tpu.vector_load %arg8[%get3A_335, %get3A_336] {strides = array<i32>} : memref<16x1024xf32, #tpu.memory_space<vmem>>, vector<16xf32>,
        %add3A_338 = arith.addf %scan3A_327, %get3A_332 : vector<16xf32>
        %sub3A = arith.subf %get3A_337, %get3A_332 : vector<16xf32>
        %abs3A = math.absf %sub3A : vector<16xf32>
        %add3A_339 = arith.addf %scan3A_328, %abs3A : vector<16xf32>
        %scan3A_340 = arith.constant 1 : i32
        %scan3A_341 = arith.addi %scan3A_326, %scan3A_340 : i32
        %mul3A_342 = arith.constant 16 : i32
        %mul3A_343 = arith.muli %scan3A_341, %mul3A_342 : i32
        %get3A_344 = arith.index_cast %scan3A_305 : i32 to index
        %get3A_345 = arith.index_cast %mul3A_343 : i32 to index
        %get3A_346 = tpu.vector_load %arg6[%get3A_344, %get3A_345] {strides = array<i32>} : memref<16x1024xf32, #tpu.memory_space<vmem>>, vector<16xf32>,
        %mul3A_347 = arith.constant 16 : i32
        %mul3A_348 = arith.muli %scan3A_341, %mul3A_347 : i32
        %get3A_349 = arith.index_cast %scan3A_305 : i32 to index
        %get3A_350 = arith.index_cast %mul3A_348 : i32 to index
        %get3A_351 = tpu.vector_load %arg8[%get3A_349, %get3A_350] {strides = array<i32>} : memref<16x1024xf32, #tpu.memory_space<vmem>>, vector<16xf32>,
        %add3A_352 = arith.addf %add3A_338, %get3A_346 : vector<16xf32>
        %sub3A_353 = arith.subf %get3A_351, %get3A_346 : vector<16xf32>
        %abs3A_354 = math.absf %sub3A_353 : vector<16xf32>
        %add3A_355 = arith.addf %add3A_339, %abs3A_354 : vector<16xf32>
        %scan3A_356 = arith.constant 2 : i32
        %scan3A_357 = arith.addi %scan3A_326, %scan3A_356 : i32
        %mul3A_358 = arith.constant 16 : i32
        %mul3A_359 = arith.muli %scan3A_357, %mul3A_358 : i32
        %get3A_360 = arith.index_cast %scan3A_305 : i32 to index
        %get3A_361 = arith.index_cast %mul3A_359 : i32 to index
        %get3A_362 = tpu.vector_load %arg6[%get3A_360, %get3A_361] {strides = array<i32>} : memref<16x1024xf32, #tpu.memory_space<vmem>>, vector<16xf32>,
        %mul3A_363 = arith.constant 16 : i32
        %mul3A_364 = arith.muli %scan3A_357, %mul3A_363 : i32
        %get3A_365 = arith.index_cast %scan3A_305 : i32 to index
        %get3A_366 = arith.index_cast %mul3A_364 : i32 to index
        %get3A_367 = tpu.vector_load %arg8[%get3A_365, %get3A_366] {strides = array<i32>} : memref<16x1024xf32, #tpu.memory_space<vmem>>, vector<16xf32>,
        %add3A_368 = arith.addf %add3A_352, %get3A_362 : vector<16xf32>
        %sub3A_369 = arith.subf %get3A_367, %get3A_362 : vector<16xf32>
        %abs3A_370 = math.absf %sub3A_369 : vector<16xf32>
        %add3A_371 = arith.addf %add3A_355, %abs3A_370 : vector<16xf32>
        %scan3A_372 = arith.constant 3 : i32
        %scan3A_373 = arith.addi %scan3A_326, %scan3A_372 : i32
        %mul3A_374 = arith.constant 16 : i32
        %mul3A_375 = arith.muli %scan3A_373, %mul3A_374 : i32
        %get3A_376 = arith.index_cast %scan3A_305 : i32 to index
        %get3A_377 = arith.index_cast %mul3A_375 : i32 to index
        %get3A_378 = tpu.vector_load %arg6[%get3A_376, %get3A_377] {strides = array<i32>} : memref<16x1024xf32, #tpu.memory_space<vmem>>, vector<16xf32>,
        %mul3A_379 = arith.constant 16 : i32
        %mul3A_380 = arith.muli %scan3A_373, %mul3A_379 : i32
        %get3A_381 = arith.index_cast %scan3A_305 : i32 to index
        %get3A_382 = arith.index_cast %mul3A_380 : i32 to index
        %get3A_383 = tpu.vector_load %arg8[%get3A_381, %get3A_382] {strides = array<i32>} : memref<16x1024xf32, #tpu.memory_space<vmem>>, vector<16xf32>,
        %add3A_384 = arith.addf %add3A_368, %get3A_378 : vector<16xf32>
        %sub3A_385 = arith.subf %get3A_383, %get3A_378 : vector<16xf32>
        %abs3A_386 = math.absf %sub3A_385 : vector<16xf32>
        %add3A_387 = arith.addf %add3A_371, %abs3A_386 : vector<16xf32>
        %scan3A_388 = arith.constant 4 : i32
        %scan3A_389 = arith.addi %scan3A_326, %scan3A_388 : i32
        %mul3A_390 = arith.constant 16 : i32
        %mul3A_391 = arith.muli %scan3A_389, %mul3A_390 : i32
        %get3A_392 = arith.index_cast %scan3A_305 : i32 to index
        %get3A_393 = arith.index_cast %mul3A_391 : i32 to index
        %get3A_394 = tpu.vector_load %arg6[%get3A_392, %get3A_393] {strides = array<i32>} : memref<16x1024xf32, #tpu.memory_space<vmem>>, vector<16xf32>,
        %mul3A_395 = arith.constant 16 : i32
        %mul3A_396 = arith.muli %scan3A_389, %mul3A_395 : i32
        %get3A_397 = arith.index_cast %scan3A_305 : i32 to index
        %get3A_398 = arith.index_cast %mul3A_396 : i32 to index
        %get3A_399 = tpu.vector_load %arg8[%get3A_397, %get3A_398] {strides = array<i32>} : memref<16x1024xf32, #tpu.memory_space<vmem>>, vector<16xf32>,
        %add3A_400 = arith.addf %add3A_384, %get3A_394 : vector<16xf32>
        %sub3A_401 = arith.subf %get3A_399, %get3A_394 : vector<16xf32>
        %abs3A_402 = math.absf %sub3A_401 : vector<16xf32>
        %add3A_403 = arith.addf %add3A_387, %abs3A_402 : vector<16xf32>
        %scan3A_404 = arith.constant 5 : i32
        %scan3A_405 = arith.addi %scan3A_326, %scan3A_404 : i32
        %mul3A_406 = arith.constant 16 : i32
        %mul3A_407 = arith.muli %scan3A_405, %mul3A_406 : i32
        %get3A_408 = arith.index_cast %scan3A_305 : i32 to index
        %get3A_409 = arith.index_cast %mul3A_407 : i32 to index
        %get3A_410 = tpu.vector_load %arg6[%get3A_408, %get3A_409] {strides = array<i32>} : memref<16x1024xf32, #tpu.memory_space<vmem>>, vector<16xf32>,
        %mul3A_411 = arith.constant 16 : i32
        %mul3A_412 = arith.muli %scan3A_405, %mul3A_411 : i32
        %get3A_413 = arith.index_cast %scan3A_305 : i32 to index
        %get3A_414 = arith.index_cast %mul3A_412 : i32 to index
        %get3A_415 = tpu.vector_load %arg8[%get3A_413, %get3A_414] {strides = array<i32>} : memref<16x1024xf32, #tpu.memory_space<vmem>>, vector<16xf32>,
        %add3A_416 = arith.addf %add3A_400, %get3A_410 : vector<16xf32>
        %sub3A_417 = arith.subf %get3A_415, %get3A_410 : vector<16xf32>
        %abs3A_418 = math.absf %sub3A_417 : vector<16xf32>
        %add3A_419 = arith.addf %add3A_403, %abs3A_418 : vector<16xf32>
        %scan3A_420 = arith.constant 6 : i32
        %scan3A_421 = arith.addi %scan3A_326, %scan3A_420 : i32
        %mul3A_422 = arith.constant 16 : i32
        %mul3A_423 = arith.muli %scan3A_421, %mul3A_422 : i32
        %get3A_424 = arith.index_cast %scan3A_305 : i32 to index
        %get3A_425 = arith.index_cast %mul3A_423 : i32 to index
        %get3A_426 = tpu.vector_load %arg6[%get3A_424, %get3A_425] {strides = array<i32>} : memref<16x1024xf32, #tpu.memory_space<vmem>>, vector<16xf32>,
        %mul3A_427 = arith.constant 16 : i32
        %mul3A_428 = arith.muli %scan3A_421, %mul3A_427 : i32
        %get3A_429 = arith.index_cast %scan3A_305 : i32 to index
        %get3A_430 = arith.index_cast %mul3A_428 : i32 to index
        %get3A_431 = tpu.vector_load %arg8[%get3A_429, %get3A_430] {strides = array<i32>} : memref<16x1024xf32, #tpu.memory_space<vmem>>, vector<16xf32>,
        %add3A_432 = arith.addf %add3A_416, %get3A_426 : vector<16xf32>
        %sub3A_433 = arith.subf %get3A_431, %get3A_426 : vector<16xf32>
        %abs3A_434 = math.absf %sub3A_433 : vector<16xf32>
        %add3A_435 = arith.addf %add3A_419, %abs3A_434 : vector<16xf32>
        %scan3A_436 = arith.constant 7 : i32
        %scan3A_437 = arith.addi %scan3A_326, %scan3A_436 : i32
        %mul3A_438 = arith.constant 16 : i32
        %mul3A_439 = arith.muli %scan3A_437, %mul3A_438 : i32
        %get3A_440 = arith.index_cast %scan3A_305 : i32 to index
        %get3A_441 = arith.index_cast %mul3A_439 : i32 to index
        %get3A_442 = tpu.vector_load %arg6[%get3A_440, %get3A_441] {strides = array<i32>} : memref<16x1024xf32, #tpu.memory_space<vmem>>, vector<16xf32>,
        %mul3A_443 = arith.constant 16 : i32
        %mul3A_444 = arith.muli %scan3A_437, %mul3A_443 : i32
        %get3A_445 = arith.index_cast %scan3A_305 : i32 to index
        %get3A_446 = arith.index_cast %mul3A_444 : i32 to index
        %get3A_447 = tpu.vector_load %arg8[%get3A_445, %get3A_446] {strides = array<i32>} : memref<16x1024xf32, #tpu.memory_space<vmem>>, vector<16xf32>,
        %add3A_448 = arith.addf %add3A_432, %get3A_442 : vector<16xf32>
        %sub3A_449 = arith.subf %get3A_447, %get3A_442 : vector<16xf32>
        %abs3A_450 = math.absf %sub3A_449 : vector<16xf32>
        %add3A_451 = arith.addf %add3A_435, %abs3A_450 : vector<16xf32>
        scf.yield %add3A_448, %add3A_451 : vector<16xf32>, vector<16xf32>
      }
      %scan3A_312 = arith.constant 64 : i32
      %add3A_313 = arith.constant 112 : i32
      %add3A_314 = arith.addi %add3A_313, %scan3A_305 : i32
      %shift_right_logical3A = arith.constant 2 : i32
      %shift_right_logical3A_315 = arith.shrui %add3A_314, %shift_right_logical3A : i32
      %and3A = arith.constant 3 : i32
      %and3A_316 = arith.andi %add3A_314, %and3A : i32
      %shift_left3A = arith.constant 5 : i32
      %shift_left3A_317 = arith.shli %and3A_316, %shift_left3A : i32
      %swap3A = arith.index_cast %shift_right_logical3A_315 : i32 to index
      %swap3A_318 = arith.index_cast %shift_left3A_317 : i32 to index
      %swap3A_319 = tpu.vector_load %arg9[%swap3A, %swap3A_318] {strides = array<i32>} : memref<48x128xf32, #tpu.memory_space<vmem>>, vector<16xf32>,
      tpu.vector_store %arg9[%swap3A, %swap3A_318], %scan3A_311#0 {strides = array<i32>} : memref<48x128xf32, #tpu.memory_space<vmem>>, vector<16xf32>,
      %add3A_320 = arith.constant 16 : i32
      %add3A_321 = arith.addi %shift_left3A_317, %add3A_320 : i32
      %swap3A_322 = arith.index_cast %shift_right_logical3A_315 : i32 to index
      %swap3A_323 = arith.index_cast %add3A_321 : i32 to index
      %swap3A_324 = tpu.vector_load %arg9[%swap3A_322, %swap3A_323] {strides = array<i32>} : memref<48x128xf32, #tpu.memory_space<vmem>>, vector<16xf32>,
      tpu.vector_store %arg9[%swap3A_322, %swap3A_323], %scan3A_311#1 {strides = array<i32>} : memref<48x128xf32, #tpu.memory_space<vmem>>, vector<16xf32>,
      %scan3A_325 = arith.constant 0 : i32
      scf.yield %scan3A_325 : i32
    }
    %scan3A_212 = arith.constant 16 : i32
    %add3A_213 = arith.constant 144 : i32
    %add3A_214 = arith.addi %add3A_4, %add3A_213 : i32
    %dma_start3A_215 = arith.constant 0 : i32
    %dma_start3A_216 = tpu.memref_slice %arg2[%add3A_214, %dma_start3A_215] : memref<16384x1024xf32, #tpu.memory_space<hbm>> -> memref<16x1024xf32, #tpu.memory_space<hbm>>
    %dma_start3A_217 = arith.constant 0 : i32
    %dma_start3A_218 = tpu.memref_slice %arg2[%add3A_214, %dma_start3A_217] : memref<16384x1024xf32, #tpu.memory_space<hbm>> -> memref<16x1024xf32, #tpu.memory_space<hbm>>
    tpu.enqueue_dma source(%dma_start3A_218 : memref<16x1024xf32, #tpu.memory_space<hbm>>) target(%arg6 : memref<16x1024xf32, #tpu.memory_space<vmem>>) target_semaphore(%arg11 : memref<!tpu.dma_semaphore, #tpu.memory_space<semaphore_mem>>)
    %dma_start3A_219 = arith.constant 0 : i32
    %dma_start3A_220 = tpu.memref_slice %arg3[%add3A_214, %dma_start3A_219] : memref<16384x1024xf32, #tpu.memory_space<hbm>> -> memref<16x1024xf32, #tpu.memory_space<hbm>>
    %dma_start3A_221 = arith.constant 0 : i32
    %dma_start3A_222 = tpu.memref_slice %arg3[%add3A_214, %dma_start3A_221] : memref<16384x1024xf32, #tpu.memory_space<hbm>> -> memref<16x1024xf32, #tpu.memory_space<hbm>>
    tpu.enqueue_dma source(%dma_start3A_222 : memref<16x1024xf32, #tpu.memory_space<hbm>>) target(%arg8 : memref<16x1024xf32, #tpu.memory_space<vmem>>) target_semaphore(%arg13 : memref<!tpu.dma_semaphore, #tpu.memory_space<semaphore_mem>>)
    %dma_wait3A_223 = arith.constant 0 : i32
    %dma_wait3A_224 = tpu.memref_slice %arg2[%add3A_189, %dma_wait3A_223] : memref<16384x1024xf32, #tpu.memory_space<hbm>> -> memref<16x1024xf32, #tpu.memory_space<hbm>>
    %dma_wait3A_225 = arith.constant 0 : i32
    %dma_wait3A_226 = tpu.memref_slice %arg2[%add3A_189, %dma_wait3A_225] : memref<16384x1024xf32, #tpu.memory_space<hbm>> -> memref<16x1024xf32, #tpu.memory_space<hbm>>
    tpu.wait_dma2 semaphore(%arg10 : memref<!tpu.dma_semaphore, #tpu.memory_space<semaphore_mem>>) src(%dma_wait3A_226 : memref<16x1024xf32, #tpu.memory_space<hbm>>) dst(%arg5 : memref<16x1024xf32, #tpu.memory_space<vmem>>)
    %dma_wait3A_227 = arith.constant 0 : i32
    %dma_wait3A_228 = tpu.memref_slice %arg3[%add3A_189, %dma_wait3A_227] : memref<16384x1024xf32, #tpu.memory_space<hbm>> -> memref<16x1024xf32, #tpu.memory_space<hbm>>
    %dma_wait3A_229 = arith.constant 0 : i32
    %dma_wait3A_230 = tpu.memref_slice %arg3[%add3A_189, %dma_wait3A_229] : memref<16384x1024xf32, #tpu.memory_space<hbm>> -> memref<16x1024xf32, #tpu.memory_space<hbm>>
    tpu.wait_dma2 semaphore(%arg12 : memref<!tpu.dma_semaphore, #tpu.memory_space<semaphore_mem>>) src(%dma_wait3A_230 : memref<16x1024xf32, #tpu.memory_space<hbm>>) dst(%arg7 : memref<16x1024xf32, #tpu.memory_space<vmem>>)
    %scan3A_231 = arith.constant 0 : i32
    %scan3A_232 = arith.constant 0 : i32
    %scan3A_233 = arith.constant 16 : i32
    %scan3A_234 = arith.addi %scan3A_232, %scan3A_233 : i32
    %scan3A_235 = arith.constant 1 : i32
    %scan3A_236 = scf.for %scan3A_305 = %scan3A_232 to %scan3A_234 step %scan3A_235 iter_args(%scan3A_306 = %scan3A_231) -> (i32)  : i32 {
      %scan3A_307 = arith.constant 0 : i32
      %scan3A_308 = arith.constant 64 : i32
      %scan3A_309 = arith.addi %scan3A_307, %scan3A_308 : i32
      %scan3A_310 = arith.constant 8 : i32
      %scan3A_311:2 = scf.for %scan3A_326 = %scan3A_307 to %scan3A_309 step %scan3A_310 iter_args(%scan3A_327 = %broadcast_in_dim3A_5, %scan3A_328 = %broadcast_in_dim3A_5) -> (vector<16xf32>, vector<16xf32>)  : i32 {
        %mul3A_329 = arith.constant 16 : i32
        %mul3A_330 = arith.muli %scan3A_326, %mul3A_329 : i32
        %get3A = arith.index_cast %scan3A_305 : i32 to index
        %get3A_331 = arith.index_cast %mul3A_330 : i32 to index
        %get3A_332 = tpu.vector_load %arg5[%get3A, %get3A_331] {strides = array<i32>} : memref<16x1024xf32, #tpu.memory_space<vmem>>, vector<16xf32>,
        %mul3A_333 = arith.constant 16 : i32
        %mul3A_334 = arith.muli %scan3A_326, %mul3A_333 : i32
        %get3A_335 = arith.index_cast %scan3A_305 : i32 to index
        %get3A_336 = arith.index_cast %mul3A_334 : i32 to index
        %get3A_337 = tpu.vector_load %arg7[%get3A_335, %get3A_336] {strides = array<i32>} : memref<16x1024xf32, #tpu.memory_space<vmem>>, vector<16xf32>,
        %add3A_338 = arith.addf %scan3A_327, %get3A_332 : vector<16xf32>
        %sub3A = arith.subf %get3A_337, %get3A_332 : vector<16xf32>
        %abs3A = math.absf %sub3A : vector<16xf32>
        %add3A_339 = arith.addf %scan3A_328, %abs3A : vector<16xf32>
        %scan3A_340 = arith.constant 1 : i32
        %scan3A_341 = arith.addi %scan3A_326, %scan3A_340 : i32
        %mul3A_342 = arith.constant 16 : i32
        %mul3A_343 = arith.muli %scan3A_341, %mul3A_342 : i32
        %get3A_344 = arith.index_cast %scan3A_305 : i32 to index
        %get3A_345 = arith.index_cast %mul3A_343 : i32 to index
        %get3A_346 = tpu.vector_load %arg5[%get3A_344, %get3A_345] {strides = array<i32>} : memref<16x1024xf32, #tpu.memory_space<vmem>>, vector<16xf32>,
        %mul3A_347 = arith.constant 16 : i32
        %mul3A_348 = arith.muli %scan3A_341, %mul3A_347 : i32
        %get3A_349 = arith.index_cast %scan3A_305 : i32 to index
        %get3A_350 = arith.index_cast %mul3A_348 : i32 to index
        %get3A_351 = tpu.vector_load %arg7[%get3A_349, %get3A_350] {strides = array<i32>} : memref<16x1024xf32, #tpu.memory_space<vmem>>, vector<16xf32>,
        %add3A_352 = arith.addf %add3A_338, %get3A_346 : vector<16xf32>
        %sub3A_353 = arith.subf %get3A_351, %get3A_346 : vector<16xf32>
        %abs3A_354 = math.absf %sub3A_353 : vector<16xf32>
        %add3A_355 = arith.addf %add3A_339, %abs3A_354 : vector<16xf32>
        %scan3A_356 = arith.constant 2 : i32
        %scan3A_357 = arith.addi %scan3A_326, %scan3A_356 : i32
        %mul3A_358 = arith.constant 16 : i32
        %mul3A_359 = arith.muli %scan3A_357, %mul3A_358 : i32
        %get3A_360 = arith.index_cast %scan3A_305 : i32 to index
        %get3A_361 = arith.index_cast %mul3A_359 : i32 to index
        %get3A_362 = tpu.vector_load %arg5[%get3A_360, %get3A_361] {strides = array<i32>} : memref<16x1024xf32, #tpu.memory_space<vmem>>, vector<16xf32>,
        %mul3A_363 = arith.constant 16 : i32
        %mul3A_364 = arith.muli %scan3A_357, %mul3A_363 : i32
        %get3A_365 = arith.index_cast %scan3A_305 : i32 to index
        %get3A_366 = arith.index_cast %mul3A_364 : i32 to index
        %get3A_367 = tpu.vector_load %arg7[%get3A_365, %get3A_366] {strides = array<i32>} : memref<16x1024xf32, #tpu.memory_space<vmem>>, vector<16xf32>,
        %add3A_368 = arith.addf %add3A_352, %get3A_362 : vector<16xf32>
        %sub3A_369 = arith.subf %get3A_367, %get3A_362 : vector<16xf32>
        %abs3A_370 = math.absf %sub3A_369 : vector<16xf32>
        %add3A_371 = arith.addf %add3A_355, %abs3A_370 : vector<16xf32>
        %scan3A_372 = arith.constant 3 : i32
        %scan3A_373 = arith.addi %scan3A_326, %scan3A_372 : i32
        %mul3A_374 = arith.constant 16 : i32
        %mul3A_375 = arith.muli %scan3A_373, %mul3A_374 : i32
        %get3A_376 = arith.index_cast %scan3A_305 : i32 to index
        %get3A_377 = arith.index_cast %mul3A_375 : i32 to index
        %get3A_378 = tpu.vector_load %arg5[%get3A_376, %get3A_377] {strides = array<i32>} : memref<16x1024xf32, #tpu.memory_space<vmem>>, vector<16xf32>,
        %mul3A_379 = arith.constant 16 : i32
        %mul3A_380 = arith.muli %scan3A_373, %mul3A_379 : i32
        %get3A_381 = arith.index_cast %scan3A_305 : i32 to index
        %get3A_382 = arith.index_cast %mul3A_380 : i32 to index
        %get3A_383 = tpu.vector_load %arg7[%get3A_381, %get3A_382] {strides = array<i32>} : memref<16x1024xf32, #tpu.memory_space<vmem>>, vector<16xf32>,
        %add3A_384 = arith.addf %add3A_368, %get3A_378 : vector<16xf32>
        %sub3A_385 = arith.subf %get3A_383, %get3A_378 : vector<16xf32>
        %abs3A_386 = math.absf %sub3A_385 : vector<16xf32>
        %add3A_387 = arith.addf %add3A_371, %abs3A_386 : vector<16xf32>
        %scan3A_388 = arith.constant 4 : i32
        %scan3A_389 = arith.addi %scan3A_326, %scan3A_388 : i32
        %mul3A_390 = arith.constant 16 : i32
        %mul3A_391 = arith.muli %scan3A_389, %mul3A_390 : i32
        %get3A_392 = arith.index_cast %scan3A_305 : i32 to index
        %get3A_393 = arith.index_cast %mul3A_391 : i32 to index
        %get3A_394 = tpu.vector_load %arg5[%get3A_392, %get3A_393] {strides = array<i32>} : memref<16x1024xf32, #tpu.memory_space<vmem>>, vector<16xf32>,
        %mul3A_395 = arith.constant 16 : i32
        %mul3A_396 = arith.muli %scan3A_389, %mul3A_395 : i32
        %get3A_397 = arith.index_cast %scan3A_305 : i32 to index
        %get3A_398 = arith.index_cast %mul3A_396 : i32 to index
        %get3A_399 = tpu.vector_load %arg7[%get3A_397, %get3A_398] {strides = array<i32>} : memref<16x1024xf32, #tpu.memory_space<vmem>>, vector<16xf32>,
        %add3A_400 = arith.addf %add3A_384, %get3A_394 : vector<16xf32>
        %sub3A_401 = arith.subf %get3A_399, %get3A_394 : vector<16xf32>
        %abs3A_402 = math.absf %sub3A_401 : vector<16xf32>
        %add3A_403 = arith.addf %add3A_387, %abs3A_402 : vector<16xf32>
        %scan3A_404 = arith.constant 5 : i32
        %scan3A_405 = arith.addi %scan3A_326, %scan3A_404 : i32
        %mul3A_406 = arith.constant 16 : i32
        %mul3A_407 = arith.muli %scan3A_405, %mul3A_406 : i32
        %get3A_408 = arith.index_cast %scan3A_305 : i32 to index
        %get3A_409 = arith.index_cast %mul3A_407 : i32 to index
        %get3A_410 = tpu.vector_load %arg5[%get3A_408, %get3A_409] {strides = array<i32>} : memref<16x1024xf32, #tpu.memory_space<vmem>>, vector<16xf32>,
        %mul3A_411 = arith.constant 16 : i32
        %mul3A_412 = arith.muli %scan3A_405, %mul3A_411 : i32
        %get3A_413 = arith.index_cast %scan3A_305 : i32 to index
        %get3A_414 = arith.index_cast %mul3A_412 : i32 to index
        %get3A_415 = tpu.vector_load %arg7[%get3A_413, %get3A_414] {strides = array<i32>} : memref<16x1024xf32, #tpu.memory_space<vmem>>, vector<16xf32>,
        %add3A_416 = arith.addf %add3A_400, %get3A_410 : vector<16xf32>
        %sub3A_417 = arith.subf %get3A_415, %get3A_410 : vector<16xf32>
        %abs3A_418 = math.absf %sub3A_417 : vector<16xf32>
        %add3A_419 = arith.addf %add3A_403, %abs3A_418 : vector<16xf32>
        %scan3A_420 = arith.constant 6 : i32
        %scan3A_421 = arith.addi %scan3A_326, %scan3A_420 : i32
        %mul3A_422 = arith.constant 16 : i32
        %mul3A_423 = arith.muli %scan3A_421, %mul3A_422 : i32
        %get3A_424 = arith.index_cast %scan3A_305 : i32 to index
        %get3A_425 = arith.index_cast %mul3A_423 : i32 to index
        %get3A_426 = tpu.vector_load %arg5[%get3A_424, %get3A_425] {strides = array<i32>} : memref<16x1024xf32, #tpu.memory_space<vmem>>, vector<16xf32>,
        %mul3A_427 = arith.constant 16 : i32
        %mul3A_428 = arith.muli %scan3A_421, %mul3A_427 : i32
        %get3A_429 = arith.index_cast %scan3A_305 : i32 to index
        %get3A_430 = arith.index_cast %mul3A_428 : i32 to index
        %get3A_431 = tpu.vector_load %arg7[%get3A_429, %get3A_430] {strides = array<i32>} : memref<16x1024xf32, #tpu.memory_space<vmem>>, vector<16xf32>,
        %add3A_432 = arith.addf %add3A_416, %get3A_426 : vector<16xf32>
        %sub3A_433 = arith.subf %get3A_431, %get3A_426 : vector<16xf32>
        %abs3A_434 = math.absf %sub3A_433 : vector<16xf32>
        %add3A_435 = arith.addf %add3A_419, %abs3A_434 : vector<16xf32>
        %scan3A_436 = arith.constant 7 : i32
        %scan3A_437 = arith.addi %scan3A_326, %scan3A_436 : i32
        %mul3A_438 = arith.constant 16 : i32
        %mul3A_439 = arith.muli %scan3A_437, %mul3A_438 : i32
        %get3A_440 = arith.index_cast %scan3A_305 : i32 to index
        %get3A_441 = arith.index_cast %mul3A_439 : i32 to index
        %get3A_442 = tpu.vector_load %arg5[%get3A_440, %get3A_441] {strides = array<i32>} : memref<16x1024xf32, #tpu.memory_space<vmem>>, vector<16xf32>,
        %mul3A_443 = arith.constant 16 : i32
        %mul3A_444 = arith.muli %scan3A_437, %mul3A_443 : i32
        %get3A_445 = arith.index_cast %scan3A_305 : i32 to index
        %get3A_446 = arith.index_cast %mul3A_444 : i32 to index
        %get3A_447 = tpu.vector_load %arg7[%get3A_445, %get3A_446] {strides = array<i32>} : memref<16x1024xf32, #tpu.memory_space<vmem>>, vector<16xf32>,
        %add3A_448 = arith.addf %add3A_432, %get3A_442 : vector<16xf32>
        %sub3A_449 = arith.subf %get3A_447, %get3A_442 : vector<16xf32>
        %abs3A_450 = math.absf %sub3A_449 : vector<16xf32>
        %add3A_451 = arith.addf %add3A_435, %abs3A_450 : vector<16xf32>
        scf.yield %add3A_448, %add3A_451 : vector<16xf32>, vector<16xf32>
      }
      %scan3A_312 = arith.constant 64 : i32
      %add3A_313 = arith.constant 128 : i32
      %add3A_314 = arith.addi %add3A_313, %scan3A_305 : i32
      %shift_right_logical3A = arith.constant 2 : i32
      %shift_right_logical3A_315 = arith.shrui %add3A_314, %shift_right_logical3A : i32
      %and3A = arith.constant 3 : i32
      %and3A_316 = arith.andi %add3A_314, %and3A : i32
      %shift_left3A = arith.constant 5 : i32
      %shift_left3A_317 = arith.shli %and3A_316, %shift_left3A : i32
      %swap3A = arith.index_cast %shift_right_logical3A_315 : i32 to index
      %swap3A_318 = arith.index_cast %shift_left3A_317 : i32 to index
      %swap3A_319 = tpu.vector_load %arg9[%swap3A, %swap3A_318] {strides = array<i32>} : memref<48x128xf32, #tpu.memory_space<vmem>>, vector<16xf32>,
      tpu.vector_store %arg9[%swap3A, %swap3A_318], %scan3A_311#0 {strides = array<i32>} : memref<48x128xf32, #tpu.memory_space<vmem>>, vector<16xf32>,
      %add3A_320 = arith.constant 16 : i32
      %add3A_321 = arith.addi %shift_left3A_317, %add3A_320 : i32
      %swap3A_322 = arith.index_cast %shift_right_logical3A_315 : i32 to index
      %swap3A_323 = arith.index_cast %add3A_321 : i32 to index
      %swap3A_324 = tpu.vector_load %arg9[%swap3A_322, %swap3A_323] {strides = array<i32>} : memref<48x128xf32, #tpu.memory_space<vmem>>, vector<16xf32>,
      tpu.vector_store %arg9[%swap3A_322, %swap3A_323], %scan3A_311#1 {strides = array<i32>} : memref<48x128xf32, #tpu.memory_space<vmem>>, vector<16xf32>,
      %scan3A_325 = arith.constant 0 : i32
      scf.yield %scan3A_325 : i32
    }
    %scan3A_237 = arith.constant 16 : i32
    %add3A_238 = arith.constant 160 : i32
    %add3A_239 = arith.addi %add3A_4, %add3A_238 : i32
    %dma_start3A_240 = arith.constant 0 : i32
    %dma_start3A_241 = tpu.memref_slice %arg2[%add3A_239, %dma_start3A_240] : memref<16384x1024xf32, #tpu.memory_space<hbm>> -> memref<16x1024xf32, #tpu.memory_space<hbm>>
    %dma_start3A_242 = arith.constant 0 : i32
    %dma_start3A_243 = tpu.memref_slice %arg2[%add3A_239, %dma_start3A_242] : memref<16384x1024xf32, #tpu.memory_space<hbm>> -> memref<16x1024xf32, #tpu.memory_space<hbm>>
    tpu.enqueue_dma source(%dma_start3A_243 : memref<16x1024xf32, #tpu.memory_space<hbm>>) target(%arg5 : memref<16x1024xf32, #tpu.memory_space<vmem>>) target_semaphore(%arg10 : memref<!tpu.dma_semaphore, #tpu.memory_space<semaphore_mem>>)
    %dma_start3A_244 = arith.constant 0 : i32
    %dma_start3A_245 = tpu.memref_slice %arg3[%add3A_239, %dma_start3A_244] : memref<16384x1024xf32, #tpu.memory_space<hbm>> -> memref<16x1024xf32, #tpu.memory_space<hbm>>
    %dma_start3A_246 = arith.constant 0 : i32
    %dma_start3A_247 = tpu.memref_slice %arg3[%add3A_239, %dma_start3A_246] : memref<16384x1024xf32, #tpu.memory_space<hbm>> -> memref<16x1024xf32, #tpu.memory_space<hbm>>
    tpu.enqueue_dma source(%dma_start3A_247 : memref<16x1024xf32, #tpu.memory_space<hbm>>) target(%arg7 : memref<16x1024xf32, #tpu.memory_space<vmem>>) target_semaphore(%arg12 : memref<!tpu.dma_semaphore, #tpu.memory_space<semaphore_mem>>)
    %dma_wait3A_248 = arith.constant 0 : i32
    %dma_wait3A_249 = tpu.memref_slice %arg2[%add3A_214, %dma_wait3A_248] : memref<16384x1024xf32, #tpu.memory_space<hbm>> -> memref<16x1024xf32, #tpu.memory_space<hbm>>
    %dma_wait3A_250 = arith.constant 0 : i32
    %dma_wait3A_251 = tpu.memref_slice %arg2[%add3A_214, %dma_wait3A_250] : memref<16384x1024xf32, #tpu.memory_space<hbm>> -> memref<16x1024xf32, #tpu.memory_space<hbm>>
    tpu.wait_dma2 semaphore(%arg11 : memref<!tpu.dma_semaphore, #tpu.memory_space<semaphore_mem>>) src(%dma_wait3A_251 : memref<16x1024xf32, #tpu.memory_space<hbm>>) dst(%arg6 : memref<16x1024xf32, #tpu.memory_space<vmem>>)
    %dma_wait3A_252 = arith.constant 0 : i32
    %dma_wait3A_253 = tpu.memref_slice %arg3[%add3A_214, %dma_wait3A_252] : memref<16384x1024xf32, #tpu.memory_space<hbm>> -> memref<16x1024xf32, #tpu.memory_space<hbm>>
    %dma_wait3A_254 = arith.constant 0 : i32
    %dma_wait3A_255 = tpu.memref_slice %arg3[%add3A_214, %dma_wait3A_254] : memref<16384x1024xf32, #tpu.memory_space<hbm>> -> memref<16x1024xf32, #tpu.memory_space<hbm>>
    tpu.wait_dma2 semaphore(%arg13 : memref<!tpu.dma_semaphore, #tpu.memory_space<semaphore_mem>>) src(%dma_wait3A_255 : memref<16x1024xf32, #tpu.memory_space<hbm>>) dst(%arg8 : memref<16x1024xf32, #tpu.memory_space<vmem>>)
    %scan3A_256 = arith.constant 0 : i32
    %scan3A_257 = arith.constant 0 : i32
    %scan3A_258 = arith.constant 16 : i32
    %scan3A_259 = arith.addi %scan3A_257, %scan3A_258 : i32
    %scan3A_260 = arith.constant 1 : i32
    %scan3A_261 = scf.for %scan3A_305 = %scan3A_257 to %scan3A_259 step %scan3A_260 iter_args(%scan3A_306 = %scan3A_256) -> (i32)  : i32 {
      %scan3A_307 = arith.constant 0 : i32
      %scan3A_308 = arith.constant 64 : i32
      %scan3A_309 = arith.addi %scan3A_307, %scan3A_308 : i32
      %scan3A_310 = arith.constant 8 : i32
      %scan3A_311:2 = scf.for %scan3A_326 = %scan3A_307 to %scan3A_309 step %scan3A_310 iter_args(%scan3A_327 = %broadcast_in_dim3A_5, %scan3A_328 = %broadcast_in_dim3A_5) -> (vector<16xf32>, vector<16xf32>)  : i32 {
        %mul3A_329 = arith.constant 16 : i32
        %mul3A_330 = arith.muli %scan3A_326, %mul3A_329 : i32
        %get3A = arith.index_cast %scan3A_305 : i32 to index
        %get3A_331 = arith.index_cast %mul3A_330 : i32 to index
        %get3A_332 = tpu.vector_load %arg6[%get3A, %get3A_331] {strides = array<i32>} : memref<16x1024xf32, #tpu.memory_space<vmem>>, vector<16xf32>,
        %mul3A_333 = arith.constant 16 : i32
        %mul3A_334 = arith.muli %scan3A_326, %mul3A_333 : i32
        %get3A_335 = arith.index_cast %scan3A_305 : i32 to index
        %get3A_336 = arith.index_cast %mul3A_334 : i32 to index
        %get3A_337 = tpu.vector_load %arg8[%get3A_335, %get3A_336] {strides = array<i32>} : memref<16x1024xf32, #tpu.memory_space<vmem>>, vector<16xf32>,
        %add3A_338 = arith.addf %scan3A_327, %get3A_332 : vector<16xf32>
        %sub3A = arith.subf %get3A_337, %get3A_332 : vector<16xf32>
        %abs3A = math.absf %sub3A : vector<16xf32>
        %add3A_339 = arith.addf %scan3A_328, %abs3A : vector<16xf32>
        %scan3A_340 = arith.constant 1 : i32
        %scan3A_341 = arith.addi %scan3A_326, %scan3A_340 : i32
        %mul3A_342 = arith.constant 16 : i32
        %mul3A_343 = arith.muli %scan3A_341, %mul3A_342 : i32
        %get3A_344 = arith.index_cast %scan3A_305 : i32 to index
        %get3A_345 = arith.index_cast %mul3A_343 : i32 to index
        %get3A_346 = tpu.vector_load %arg6[%get3A_344, %get3A_345] {strides = array<i32>} : memref<16x1024xf32, #tpu.memory_space<vmem>>, vector<16xf32>,
        %mul3A_347 = arith.constant 16 : i32
        %mul3A_348 = arith.muli %scan3A_341, %mul3A_347 : i32
        %get3A_349 = arith.index_cast %scan3A_305 : i32 to index
        %get3A_350 = arith.index_cast %mul3A_348 : i32 to index
        %get3A_351 = tpu.vector_load %arg8[%get3A_349, %get3A_350] {strides = array<i32>} : memref<16x1024xf32, #tpu.memory_space<vmem>>, vector<16xf32>,
        %add3A_352 = arith.addf %add3A_338, %get3A_346 : vector<16xf32>
        %sub3A_353 = arith.subf %get3A_351, %get3A_346 : vector<16xf32>
        %abs3A_354 = math.absf %sub3A_353 : vector<16xf32>
        %add3A_355 = arith.addf %add3A_339, %abs3A_354 : vector<16xf32>
        %scan3A_356 = arith.constant 2 : i32
        %scan3A_357 = arith.addi %scan3A_326, %scan3A_356 : i32
        %mul3A_358 = arith.constant 16 : i32
        %mul3A_359 = arith.muli %scan3A_357, %mul3A_358 : i32
        %get3A_360 = arith.index_cast %scan3A_305 : i32 to index
        %get3A_361 = arith.index_cast %mul3A_359 : i32 to index
        %get3A_362 = tpu.vector_load %arg6[%get3A_360, %get3A_361] {strides = array<i32>} : memref<16x1024xf32, #tpu.memory_space<vmem>>, vector<16xf32>,
        %mul3A_363 = arith.constant 16 : i32
        %mul3A_364 = arith.muli %scan3A_357, %mul3A_363 : i32
        %get3A_365 = arith.index_cast %scan3A_305 : i32 to index
        %get3A_366 = arith.index_cast %mul3A_364 : i32 to index
        %get3A_367 = tpu.vector_load %arg8[%get3A_365, %get3A_366] {strides = array<i32>} : memref<16x1024xf32, #tpu.memory_space<vmem>>, vector<16xf32>,
        %add3A_368 = arith.addf %add3A_352, %get3A_362 : vector<16xf32>
        %sub3A_369 = arith.subf %get3A_367, %get3A_362 : vector<16xf32>
        %abs3A_370 = math.absf %sub3A_369 : vector<16xf32>
        %add3A_371 = arith.addf %add3A_355, %abs3A_370 : vector<16xf32>
        %scan3A_372 = arith.constant 3 : i32
        %scan3A_373 = arith.addi %scan3A_326, %scan3A_372 : i32
        %mul3A_374 = arith.constant 16 : i32
        %mul3A_375 = arith.muli %scan3A_373, %mul3A_374 : i32
        %get3A_376 = arith.index_cast %scan3A_305 : i32 to index
        %get3A_377 = arith.index_cast %mul3A_375 : i32 to index
        %get3A_378 = tpu.vector_load %arg6[%get3A_376, %get3A_377] {strides = array<i32>} : memref<16x1024xf32, #tpu.memory_space<vmem>>, vector<16xf32>,
        %mul3A_379 = arith.constant 16 : i32
        %mul3A_380 = arith.muli %scan3A_373, %mul3A_379 : i32
        %get3A_381 = arith.index_cast %scan3A_305 : i32 to index
        %get3A_382 = arith.index_cast %mul3A_380 : i32 to index
        %get3A_383 = tpu.vector_load %arg8[%get3A_381, %get3A_382] {strides = array<i32>} : memref<16x1024xf32, #tpu.memory_space<vmem>>, vector<16xf32>,
        %add3A_384 = arith.addf %add3A_368, %get3A_378 : vector<16xf32>
        %sub3A_385 = arith.subf %get3A_383, %get3A_378 : vector<16xf32>
        %abs3A_386 = math.absf %sub3A_385 : vector<16xf32>
        %add3A_387 = arith.addf %add3A_371, %abs3A_386 : vector<16xf32>
        %scan3A_388 = arith.constant 4 : i32
        %scan3A_389 = arith.addi %scan3A_326, %scan3A_388 : i32
        %mul3A_390 = arith.constant 16 : i32
        %mul3A_391 = arith.muli %scan3A_389, %mul3A_390 : i32
        %get3A_392 = arith.index_cast %scan3A_305 : i32 to index
        %get3A_393 = arith.index_cast %mul3A_391 : i32 to index
        %get3A_394 = tpu.vector_load %arg6[%get3A_392, %get3A_393] {strides = array<i32>} : memref<16x1024xf32, #tpu.memory_space<vmem>>, vector<16xf32>,
        %mul3A_395 = arith.constant 16 : i32
        %mul3A_396 = arith.muli %scan3A_389, %mul3A_395 : i32
        %get3A_397 = arith.index_cast %scan3A_305 : i32 to index
        %get3A_398 = arith.index_cast %mul3A_396 : i32 to index
        %get3A_399 = tpu.vector_load %arg8[%get3A_397, %get3A_398] {strides = array<i32>} : memref<16x1024xf32, #tpu.memory_space<vmem>>, vector<16xf32>,
        %add3A_400 = arith.addf %add3A_384, %get3A_394 : vector<16xf32>
        %sub3A_401 = arith.subf %get3A_399, %get3A_394 : vector<16xf32>
        %abs3A_402 = math.absf %sub3A_401 : vector<16xf32>
        %add3A_403 = arith.addf %add3A_387, %abs3A_402 : vector<16xf32>
        %scan3A_404 = arith.constant 5 : i32
        %scan3A_405 = arith.addi %scan3A_326, %scan3A_404 : i32
        %mul3A_406 = arith.constant 16 : i32
        %mul3A_407 = arith.muli %scan3A_405, %mul3A_406 : i32
        %get3A_408 = arith.index_cast %scan3A_305 : i32 to index
        %get3A_409 = arith.index_cast %mul3A_407 : i32 to index
        %get3A_410 = tpu.vector_load %arg6[%get3A_408, %get3A_409] {strides = array<i32>} : memref<16x1024xf32, #tpu.memory_space<vmem>>, vector<16xf32>,
        %mul3A_411 = arith.constant 16 : i32
        %mul3A_412 = arith.muli %scan3A_405, %mul3A_411 : i32
        %get3A_413 = arith.index_cast %scan3A_305 : i32 to index
        %get3A_414 = arith.index_cast %mul3A_412 : i32 to index
        %get3A_415 = tpu.vector_load %arg8[%get3A_413, %get3A_414] {strides = array<i32>} : memref<16x1024xf32, #tpu.memory_space<vmem>>, vector<16xf32>,
        %add3A_416 = arith.addf %add3A_400, %get3A_410 : vector<16xf32>
        %sub3A_417 = arith.subf %get3A_415, %get3A_410 : vector<16xf32>
        %abs3A_418 = math.absf %sub3A_417 : vector<16xf32>
        %add3A_419 = arith.addf %add3A_403, %abs3A_418 : vector<16xf32>
        %scan3A_420 = arith.constant 6 : i32
        %scan3A_421 = arith.addi %scan3A_326, %scan3A_420 : i32
        %mul3A_422 = arith.constant 16 : i32
        %mul3A_423 = arith.muli %scan3A_421, %mul3A_422 : i32
        %get3A_424 = arith.index_cast %scan3A_305 : i32 to index
        %get3A_425 = arith.index_cast %mul3A_423 : i32 to index
        %get3A_426 = tpu.vector_load %arg6[%get3A_424, %get3A_425] {strides = array<i32>} : memref<16x1024xf32, #tpu.memory_space<vmem>>, vector<16xf32>,
        %mul3A_427 = arith.constant 16 : i32
        %mul3A_428 = arith.muli %scan3A_421, %mul3A_427 : i32
        %get3A_429 = arith.index_cast %scan3A_305 : i32 to index
        %get3A_430 = arith.index_cast %mul3A_428 : i32 to index
        %get3A_431 = tpu.vector_load %arg8[%get3A_429, %get3A_430] {strides = array<i32>} : memref<16x1024xf32, #tpu.memory_space<vmem>>, vector<16xf32>,
        %add3A_432 = arith.addf %add3A_416, %get3A_426 : vector<16xf32>
        %sub3A_433 = arith.subf %get3A_431, %get3A_426 : vector<16xf32>
        %abs3A_434 = math.absf %sub3A_433 : vector<16xf32>
        %add3A_435 = arith.addf %add3A_419, %abs3A_434 : vector<16xf32>
        %scan3A_436 = arith.constant 7 : i32
        %scan3A_437 = arith.addi %scan3A_326, %scan3A_436 : i32
        %mul3A_438 = arith.constant 16 : i32
        %mul3A_439 = arith.muli %scan3A_437, %mul3A_438 : i32
        %get3A_440 = arith.index_cast %scan3A_305 : i32 to index
        %get3A_441 = arith.index_cast %mul3A_439 : i32 to index
        %get3A_442 = tpu.vector_load %arg6[%get3A_440, %get3A_441] {strides = array<i32>} : memref<16x1024xf32, #tpu.memory_space<vmem>>, vector<16xf32>,
        %mul3A_443 = arith.constant 16 : i32
        %mul3A_444 = arith.muli %scan3A_437, %mul3A_443 : i32
        %get3A_445 = arith.index_cast %scan3A_305 : i32 to index
        %get3A_446 = arith.index_cast %mul3A_444 : i32 to index
        %get3A_447 = tpu.vector_load %arg8[%get3A_445, %get3A_446] {strides = array<i32>} : memref<16x1024xf32, #tpu.memory_space<vmem>>, vector<16xf32>,
        %add3A_448 = arith.addf %add3A_432, %get3A_442 : vector<16xf32>
        %sub3A_449 = arith.subf %get3A_447, %get3A_442 : vector<16xf32>
        %abs3A_450 = math.absf %sub3A_449 : vector<16xf32>
        %add3A_451 = arith.addf %add3A_435, %abs3A_450 : vector<16xf32>
        scf.yield %add3A_448, %add3A_451 : vector<16xf32>, vector<16xf32>
      }
      %scan3A_312 = arith.constant 64 : i32
      %add3A_313 = arith.constant 144 : i32
      %add3A_314 = arith.addi %add3A_313, %scan3A_305 : i32
      %shift_right_logical3A = arith.constant 2 : i32
      %shift_right_logical3A_315 = arith.shrui %add3A_314, %shift_right_logical3A : i32
      %and3A = arith.constant 3 : i32
      %and3A_316 = arith.andi %add3A_314, %and3A : i32
      %shift_left3A = arith.constant 5 : i32
      %shift_left3A_317 = arith.shli %and3A_316, %shift_left3A : i32
      %swap3A = arith.index_cast %shift_right_logical3A_315 : i32 to index
      %swap3A_318 = arith.index_cast %shift_left3A_317 : i32 to index
      %swap3A_319 = tpu.vector_load %arg9[%swap3A, %swap3A_318] {strides = array<i32>} : memref<48x128xf32, #tpu.memory_space<vmem>>, vector<16xf32>,
      tpu.vector_store %arg9[%swap3A, %swap3A_318], %scan3A_311#0 {strides = array<i32>} : memref<48x128xf32, #tpu.memory_space<vmem>>, vector<16xf32>,
      %add3A_320 = arith.constant 16 : i32
      %add3A_321 = arith.addi %shift_left3A_317, %add3A_320 : i32
      %swap3A_322 = arith.index_cast %shift_right_logical3A_315 : i32 to index
      %swap3A_323 = arith.index_cast %add3A_321 : i32 to index
      %swap3A_324 = tpu.vector_load %arg9[%swap3A_322, %swap3A_323] {strides = array<i32>} : memref<48x128xf32, #tpu.memory_space<vmem>>, vector<16xf32>,
      tpu.vector_store %arg9[%swap3A_322, %swap3A_323], %scan3A_311#1 {strides = array<i32>} : memref<48x128xf32, #tpu.memory_space<vmem>>, vector<16xf32>,
      %scan3A_325 = arith.constant 0 : i32
      scf.yield %scan3A_325 : i32
    }
    %scan3A_262 = arith.constant 16 : i32
    %add3A_263 = arith.constant 176 : i32
    %add3A_264 = arith.addi %add3A_4, %add3A_263 : i32
    %dma_start3A_265 = arith.constant 0 : i32
    %dma_start3A_266 = tpu.memref_slice %arg2[%add3A_264, %dma_start3A_265] : memref<16384x1024xf32, #tpu.memory_space<hbm>> -> memref<16x1024xf32, #tpu.memory_space<hbm>>
    %dma_start3A_267 = arith.constant 0 : i32
    %dma_start3A_268 = tpu.memref_slice %arg2[%add3A_264, %dma_start3A_267] : memref<16384x1024xf32, #tpu.memory_space<hbm>> -> memref<16x1024xf32, #tpu.memory_space<hbm>>
    tpu.enqueue_dma source(%dma_start3A_268 : memref<16x1024xf32, #tpu.memory_space<hbm>>) target(%arg6 : memref<16x1024xf32, #tpu.memory_space<vmem>>) target_semaphore(%arg11 : memref<!tpu.dma_semaphore, #tpu.memory_space<semaphore_mem>>)
    %dma_start3A_269 = arith.constant 0 : i32
    %dma_start3A_270 = tpu.memref_slice %arg3[%add3A_264, %dma_start3A_269] : memref<16384x1024xf32, #tpu.memory_space<hbm>> -> memref<16x1024xf32, #tpu.memory_space<hbm>>
    %dma_start3A_271 = arith.constant 0 : i32
    %dma_start3A_272 = tpu.memref_slice %arg3[%add3A_264, %dma_start3A_271] : memref<16384x1024xf32, #tpu.memory_space<hbm>> -> memref<16x1024xf32, #tpu.memory_space<hbm>>
    tpu.enqueue_dma source(%dma_start3A_272 : memref<16x1024xf32, #tpu.memory_space<hbm>>) target(%arg8 : memref<16x1024xf32, #tpu.memory_space<vmem>>) target_semaphore(%arg13 : memref<!tpu.dma_semaphore, #tpu.memory_space<semaphore_mem>>)
    %dma_wait3A_273 = arith.constant 0 : i32
    %dma_wait3A_274 = tpu.memref_slice %arg2[%add3A_239, %dma_wait3A_273] : memref<16384x1024xf32, #tpu.memory_space<hbm>> -> memref<16x1024xf32, #tpu.memory_space<hbm>>
    %dma_wait3A_275 = arith.constant 0 : i32
    %dma_wait3A_276 = tpu.memref_slice %arg2[%add3A_239, %dma_wait3A_275] : memref<16384x1024xf32, #tpu.memory_space<hbm>> -> memref<16x1024xf32, #tpu.memory_space<hbm>>
    tpu.wait_dma2 semaphore(%arg10 : memref<!tpu.dma_semaphore, #tpu.memory_space<semaphore_mem>>) src(%dma_wait3A_276 : memref<16x1024xf32, #tpu.memory_space<hbm>>) dst(%arg5 : memref<16x1024xf32, #tpu.memory_space<vmem>>)
    %dma_wait3A_277 = arith.constant 0 : i32
    %dma_wait3A_278 = tpu.memref_slice %arg3[%add3A_239, %dma_wait3A_277] : memref<16384x1024xf32, #tpu.memory_space<hbm>> -> memref<16x1024xf32, #tpu.memory_space<hbm>>
    %dma_wait3A_279 = arith.constant 0 : i32
    %dma_wait3A_280 = tpu.memref_slice %arg3[%add3A_239, %dma_wait3A_279] : memref<16384x1024xf32, #tpu.memory_space<hbm>> -> memref<16x1024xf32, #tpu.memory_space<hbm>>
    tpu.wait_dma2 semaphore(%arg12 : memref<!tpu.dma_semaphore, #tpu.memory_space<semaphore_mem>>) src(%dma_wait3A_280 : memref<16x1024xf32, #tpu.memory_space<hbm>>) dst(%arg7 : memref<16x1024xf32, #tpu.memory_space<vmem>>)
    %scan3A_281 = arith.constant 0 : i32
    %scan3A_282 = arith.constant 0 : i32
    %scan3A_283 = arith.constant 16 : i32
    %scan3A_284 = arith.addi %scan3A_282, %scan3A_283 : i32
    %scan3A_285 = arith.constant 1 : i32
    %scan3A_286 = scf.for %scan3A_305 = %scan3A_282 to %scan3A_284 step %scan3A_285 iter_args(%scan3A_306 = %scan3A_281) -> (i32)  : i32 {
      %scan3A_307 = arith.constant 0 : i32
      %scan3A_308 = arith.constant 64 : i32
      %scan3A_309 = arith.addi %scan3A_307, %scan3A_308 : i32
      %scan3A_310 = arith.constant 8 : i32
      %scan3A_311:2 = scf.for %scan3A_326 = %scan3A_307 to %scan3A_309 step %scan3A_310 iter_args(%scan3A_327 = %broadcast_in_dim3A_5, %scan3A_328 = %broadcast_in_dim3A_5) -> (vector<16xf32>, vector<16xf32>)  : i32 {
        %mul3A_329 = arith.constant 16 : i32
        %mul3A_330 = arith.muli %scan3A_326, %mul3A_329 : i32
        %get3A = arith.index_cast %scan3A_305 : i32 to index
        %get3A_331 = arith.index_cast %mul3A_330 : i32 to index
        %get3A_332 = tpu.vector_load %arg5[%get3A, %get3A_331] {strides = array<i32>} : memref<16x1024xf32, #tpu.memory_space<vmem>>, vector<16xf32>,
        %mul3A_333 = arith.constant 16 : i32
        %mul3A_334 = arith.muli %scan3A_326, %mul3A_333 : i32
        %get3A_335 = arith.index_cast %scan3A_305 : i32 to index
        %get3A_336 = arith.index_cast %mul3A_334 : i32 to index
        %get3A_337 = tpu.vector_load %arg7[%get3A_335, %get3A_336] {strides = array<i32>} : memref<16x1024xf32, #tpu.memory_space<vmem>>, vector<16xf32>,
        %add3A_338 = arith.addf %scan3A_327, %get3A_332 : vector<16xf32>
        %sub3A = arith.subf %get3A_337, %get3A_332 : vector<16xf32>
        %abs3A = math.absf %sub3A : vector<16xf32>
        %add3A_339 = arith.addf %scan3A_328, %abs3A : vector<16xf32>
        %scan3A_340 = arith.constant 1 : i32
        %scan3A_341 = arith.addi %scan3A_326, %scan3A_340 : i32
        %mul3A_342 = arith.constant 16 : i32
        %mul3A_343 = arith.muli %scan3A_341, %mul3A_342 : i32
        %get3A_344 = arith.index_cast %scan3A_305 : i32 to index
        %get3A_345 = arith.index_cast %mul3A_343 : i32 to index
        %get3A_346 = tpu.vector_load %arg5[%get3A_344, %get3A_345] {strides = array<i32>} : memref<16x1024xf32, #tpu.memory_space<vmem>>, vector<16xf32>,
        %mul3A_347 = arith.constant 16 : i32
        %mul3A_348 = arith.muli %scan3A_341, %mul3A_347 : i32
        %get3A_349 = arith.index_cast %scan3A_305 : i32 to index
        %get3A_350 = arith.index_cast %mul3A_348 : i32 to index
        %get3A_351 = tpu.vector_load %arg7[%get3A_349, %get3A_350] {strides = array<i32>} : memref<16x1024xf32, #tpu.memory_space<vmem>>, vector<16xf32>,
        %add3A_352 = arith.addf %add3A_338, %get3A_346 : vector<16xf32>
        %sub3A_353 = arith.subf %get3A_351, %get3A_346 : vector<16xf32>
        %abs3A_354 = math.absf %sub3A_353 : vector<16xf32>
        %add3A_355 = arith.addf %add3A_339, %abs3A_354 : vector<16xf32>
        %scan3A_356 = arith.constant 2 : i32
        %scan3A_357 = arith.addi %scan3A_326, %scan3A_356 : i32
        %mul3A_358 = arith.constant 16 : i32
        %mul3A_359 = arith.muli %scan3A_357, %mul3A_358 : i32
        %get3A_360 = arith.index_cast %scan3A_305 : i32 to index
        %get3A_361 = arith.index_cast %mul3A_359 : i32 to index
        %get3A_362 = tpu.vector_load %arg5[%get3A_360, %get3A_361] {strides = array<i32>} : memref<16x1024xf32, #tpu.memory_space<vmem>>, vector<16xf32>,
        %mul3A_363 = arith.constant 16 : i32
        %mul3A_364 = arith.muli %scan3A_357, %mul3A_363 : i32
        %get3A_365 = arith.index_cast %scan3A_305 : i32 to index
        %get3A_366 = arith.index_cast %mul3A_364 : i32 to index
        %get3A_367 = tpu.vector_load %arg7[%get3A_365, %get3A_366] {strides = array<i32>} : memref<16x1024xf32, #tpu.memory_space<vmem>>, vector<16xf32>,
        %add3A_368 = arith.addf %add3A_352, %get3A_362 : vector<16xf32>
        %sub3A_369 = arith.subf %get3A_367, %get3A_362 : vector<16xf32>
        %abs3A_370 = math.absf %sub3A_369 : vector<16xf32>
        %add3A_371 = arith.addf %add3A_355, %abs3A_370 : vector<16xf32>
        %scan3A_372 = arith.constant 3 : i32
        %scan3A_373 = arith.addi %scan3A_326, %scan3A_372 : i32
        %mul3A_374 = arith.constant 16 : i32
        %mul3A_375 = arith.muli %scan3A_373, %mul3A_374 : i32
        %get3A_376 = arith.index_cast %scan3A_305 : i32 to index
        %get3A_377 = arith.index_cast %mul3A_375 : i32 to index
        %get3A_378 = tpu.vector_load %arg5[%get3A_376, %get3A_377] {strides = array<i32>} : memref<16x1024xf32, #tpu.memory_space<vmem>>, vector<16xf32>,
        %mul3A_379 = arith.constant 16 : i32
        %mul3A_380 = arith.muli %scan3A_373, %mul3A_379 : i32
        %get3A_381 = arith.index_cast %scan3A_305 : i32 to index
        %get3A_382 = arith.index_cast %mul3A_380 : i32 to index
        %get3A_383 = tpu.vector_load %arg7[%get3A_381, %get3A_382] {strides = array<i32>} : memref<16x1024xf32, #tpu.memory_space<vmem>>, vector<16xf32>,
        %add3A_384 = arith.addf %add3A_368, %get3A_378 : vector<16xf32>
        %sub3A_385 = arith.subf %get3A_383, %get3A_378 : vector<16xf32>
        %abs3A_386 = math.absf %sub3A_385 : vector<16xf32>
        %add3A_387 = arith.addf %add3A_371, %abs3A_386 : vector<16xf32>
        %scan3A_388 = arith.constant 4 : i32
        %scan3A_389 = arith.addi %scan3A_326, %scan3A_388 : i32
        %mul3A_390 = arith.constant 16 : i32
        %mul3A_391 = arith.muli %scan3A_389, %mul3A_390 : i32
        %get3A_392 = arith.index_cast %scan3A_305 : i32 to index
        %get3A_393 = arith.index_cast %mul3A_391 : i32 to index
        %get3A_394 = tpu.vector_load %arg5[%get3A_392, %get3A_393] {strides = array<i32>} : memref<16x1024xf32, #tpu.memory_space<vmem>>, vector<16xf32>,
        %mul3A_395 = arith.constant 16 : i32
        %mul3A_396 = arith.muli %scan3A_389, %mul3A_395 : i32
        %get3A_397 = arith.index_cast %scan3A_305 : i32 to index
        %get3A_398 = arith.index_cast %mul3A_396 : i32 to index
        %get3A_399 = tpu.vector_load %arg7[%get3A_397, %get3A_398] {strides = array<i32>} : memref<16x1024xf32, #tpu.memory_space<vmem>>, vector<16xf32>,
        %add3A_400 = arith.addf %add3A_384, %get3A_394 : vector<16xf32>
        %sub3A_401 = arith.subf %get3A_399, %get3A_394 : vector<16xf32>
        %abs3A_402 = math.absf %sub3A_401 : vector<16xf32>
        %add3A_403 = arith.addf %add3A_387, %abs3A_402 : vector<16xf32>
        %scan3A_404 = arith.constant 5 : i32
        %scan3A_405 = arith.addi %scan3A_326, %scan3A_404 : i32
        %mul3A_406 = arith.constant 16 : i32
        %mul3A_407 = arith.muli %scan3A_405, %mul3A_406 : i32
        %get3A_408 = arith.index_cast %scan3A_305 : i32 to index
        %get3A_409 = arith.index_cast %mul3A_407 : i32 to index
        %get3A_410 = tpu.vector_load %arg5[%get3A_408, %get3A_409] {strides = array<i32>} : memref<16x1024xf32, #tpu.memory_space<vmem>>, vector<16xf32>,
        %mul3A_411 = arith.constant 16 : i32
        %mul3A_412 = arith.muli %scan3A_405, %mul3A_411 : i32
        %get3A_413 = arith.index_cast %scan3A_305 : i32 to index
        %get3A_414 = arith.index_cast %mul3A_412 : i32 to index
        %get3A_415 = tpu.vector_load %arg7[%get3A_413, %get3A_414] {strides = array<i32>} : memref<16x1024xf32, #tpu.memory_space<vmem>>, vector<16xf32>,
        %add3A_416 = arith.addf %add3A_400, %get3A_410 : vector<16xf32>
        %sub3A_417 = arith.subf %get3A_415, %get3A_410 : vector<16xf32>
        %abs3A_418 = math.absf %sub3A_417 : vector<16xf32>
        %add3A_419 = arith.addf %add3A_403, %abs3A_418 : vector<16xf32>
        %scan3A_420 = arith.constant 6 : i32
        %scan3A_421 = arith.addi %scan3A_326, %scan3A_420 : i32
        %mul3A_422 = arith.constant 16 : i32
        %mul3A_423 = arith.muli %scan3A_421, %mul3A_422 : i32
        %get3A_424 = arith.index_cast %scan3A_305 : i32 to index
        %get3A_425 = arith.index_cast %mul3A_423 : i32 to index
        %get3A_426 = tpu.vector_load %arg5[%get3A_424, %get3A_425] {strides = array<i32>} : memref<16x1024xf32, #tpu.memory_space<vmem>>, vector<16xf32>,
        %mul3A_427 = arith.constant 16 : i32
        %mul3A_428 = arith.muli %scan3A_421, %mul3A_427 : i32
        %get3A_429 = arith.index_cast %scan3A_305 : i32 to index
        %get3A_430 = arith.index_cast %mul3A_428 : i32 to index
        %get3A_431 = tpu.vector_load %arg7[%get3A_429, %get3A_430] {strides = array<i32>} : memref<16x1024xf32, #tpu.memory_space<vmem>>, vector<16xf32>,
        %add3A_432 = arith.addf %add3A_416, %get3A_426 : vector<16xf32>
        %sub3A_433 = arith.subf %get3A_431, %get3A_426 : vector<16xf32>
        %abs3A_434 = math.absf %sub3A_433 : vector<16xf32>
        %add3A_435 = arith.addf %add3A_419, %abs3A_434 : vector<16xf32>
        %scan3A_436 = arith.constant 7 : i32
        %scan3A_437 = arith.addi %scan3A_326, %scan3A_436 : i32
        %mul3A_438 = arith.constant 16 : i32
        %mul3A_439 = arith.muli %scan3A_437, %mul3A_438 : i32
        %get3A_440 = arith.index_cast %scan3A_305 : i32 to index
        %get3A_441 = arith.index_cast %mul3A_439 : i32 to index
        %get3A_442 = tpu.vector_load %arg5[%get3A_440, %get3A_441] {strides = array<i32>} : memref<16x1024xf32, #tpu.memory_space<vmem>>, vector<16xf32>,
        %mul3A_443 = arith.constant 16 : i32
        %mul3A_444 = arith.muli %scan3A_437, %mul3A_443 : i32
        %get3A_445 = arith.index_cast %scan3A_305 : i32 to index
        %get3A_446 = arith.index_cast %mul3A_444 : i32 to index
        %get3A_447 = tpu.vector_load %arg7[%get3A_445, %get3A_446] {strides = array<i32>} : memref<16x1024xf32, #tpu.memory_space<vmem>>, vector<16xf32>,
        %add3A_448 = arith.addf %add3A_432, %get3A_442 : vector<16xf32>
        %sub3A_449 = arith.subf %get3A_447, %get3A_442 : vector<16xf32>
        %abs3A_450 = math.absf %sub3A_449 : vector<16xf32>
        %add3A_451 = arith.addf %add3A_435, %abs3A_450 : vector<16xf32>
        scf.yield %add3A_448, %add3A_451 : vector<16xf32>, vector<16xf32>
      }
      %scan3A_312 = arith.constant 64 : i32
      %add3A_313 = arith.constant 160 : i32
      %add3A_314 = arith.addi %add3A_313, %scan3A_305 : i32
      %shift_right_logical3A = arith.constant 2 : i32
      %shift_right_logical3A_315 = arith.shrui %add3A_314, %shift_right_logical3A : i32
      %and3A = arith.constant 3 : i32
      %and3A_316 = arith.andi %add3A_314, %and3A : i32
      %shift_left3A = arith.constant 5 : i32
      %shift_left3A_317 = arith.shli %and3A_316, %shift_left3A : i32
      %swap3A = arith.index_cast %shift_right_logical3A_315 : i32 to index
      %swap3A_318 = arith.index_cast %shift_left3A_317 : i32 to index
      %swap3A_319 = tpu.vector_load %arg9[%swap3A, %swap3A_318] {strides = array<i32>} : memref<48x128xf32, #tpu.memory_space<vmem>>, vector<16xf32>,
      tpu.vector_store %arg9[%swap3A, %swap3A_318], %scan3A_311#0 {strides = array<i32>} : memref<48x128xf32, #tpu.memory_space<vmem>>, vector<16xf32>,
      %add3A_320 = arith.constant 16 : i32
      %add3A_321 = arith.addi %shift_left3A_317, %add3A_320 : i32
      %swap3A_322 = arith.index_cast %shift_right_logical3A_315 : i32 to index
      %swap3A_323 = arith.index_cast %add3A_321 : i32 to index
      %swap3A_324 = tpu.vector_load %arg9[%swap3A_322, %swap3A_323] {strides = array<i32>} : memref<48x128xf32, #tpu.memory_space<vmem>>, vector<16xf32>,
      tpu.vector_store %arg9[%swap3A_322, %swap3A_323], %scan3A_311#1 {strides = array<i32>} : memref<48x128xf32, #tpu.memory_space<vmem>>, vector<16xf32>,
      %scan3A_325 = arith.constant 0 : i32
      scf.yield %scan3A_325 : i32
    }
    %scan3A_287 = arith.constant 16 : i32
    %dma_wait3A_288 = arith.constant 0 : i32
    %dma_wait3A_289 = tpu.memref_slice %arg2[%add3A_264, %dma_wait3A_288] : memref<16384x1024xf32, #tpu.memory_space<hbm>> -> memref<16x1024xf32, #tpu.memory_space<hbm>>
    %dma_wait3A_290 = arith.constant 0 : i32
    %dma_wait3A_291 = tpu.memref_slice %arg2[%add3A_264, %dma_wait3A_290] : memref<16384x1024xf32, #tpu.memory_space<hbm>> -> memref<16x1024xf32, #tpu.memory_space<hbm>>
    tpu.wait_dma2 semaphore(%arg11 : memref<!tpu.dma_semaphore, #tpu.memory_space<semaphore_mem>>) src(%dma_wait3A_291 : memref<16x1024xf32, #tpu.memory_space<hbm>>) dst(%arg6 : memref<16x1024xf32, #tpu.memory_space<vmem>>)
    %dma_wait3A_292 = arith.constant 0 : i32
    %dma_wait3A_293 = tpu.memref_slice %arg3[%add3A_264, %dma_wait3A_292] : memref<16384x1024xf32, #tpu.memory_space<hbm>> -> memref<16x1024xf32, #tpu.memory_space<hbm>>
    %dma_wait3A_294 = arith.constant 0 : i32
    %dma_wait3A_295 = tpu.memref_slice %arg3[%add3A_264, %dma_wait3A_294] : memref<16384x1024xf32, #tpu.memory_space<hbm>> -> memref<16x1024xf32, #tpu.memory_space<hbm>>
    tpu.wait_dma2 semaphore(%arg13 : memref<!tpu.dma_semaphore, #tpu.memory_space<semaphore_mem>>) src(%dma_wait3A_295 : memref<16x1024xf32, #tpu.memory_space<hbm>>) dst(%arg8 : memref<16x1024xf32, #tpu.memory_space<vmem>>)
    %scan3A_296 = arith.constant 0 : i32
    %scan3A_297 = arith.constant 0 : i32
    %scan3A_298 = arith.constant 16 : i32
    %scan3A_299 = arith.addi %scan3A_297, %scan3A_298 : i32
    %scan3A_300 = arith.constant 1 : i32
    %scan3A_301 = scf.for %scan3A_305 = %scan3A_297 to %scan3A_299 step %scan3A_300 iter_args(%scan3A_306 = %scan3A_296) -> (i32)  : i32 {
      %scan3A_307 = arith.constant 0 : i32
      %scan3A_308 = arith.constant 64 : i32
      %scan3A_309 = arith.addi %scan3A_307, %scan3A_308 : i32
      %scan3A_310 = arith.constant 8 : i32
      %scan3A_311:2 = scf.for %scan3A_326 = %scan3A_307 to %scan3A_309 step %scan3A_310 iter_args(%scan3A_327 = %broadcast_in_dim3A_5, %scan3A_328 = %broadcast_in_dim3A_5) -> (vector<16xf32>, vector<16xf32>)  : i32 {
        %mul3A_329 = arith.constant 16 : i32
        %mul3A_330 = arith.muli %scan3A_326, %mul3A_329 : i32
        %get3A = arith.index_cast %scan3A_305 : i32 to index
        %get3A_331 = arith.index_cast %mul3A_330 : i32 to index
        %get3A_332 = tpu.vector_load %arg6[%get3A, %get3A_331] {strides = array<i32>} : memref<16x1024xf32, #tpu.memory_space<vmem>>, vector<16xf32>,
        %mul3A_333 = arith.constant 16 : i32
        %mul3A_334 = arith.muli %scan3A_326, %mul3A_333 : i32
        %get3A_335 = arith.index_cast %scan3A_305 : i32 to index
        %get3A_336 = arith.index_cast %mul3A_334 : i32 to index
        %get3A_337 = tpu.vector_load %arg8[%get3A_335, %get3A_336] {strides = array<i32>} : memref<16x1024xf32, #tpu.memory_space<vmem>>, vector<16xf32>,
        %add3A_338 = arith.addf %scan3A_327, %get3A_332 : vector<16xf32>
        %sub3A = arith.subf %get3A_337, %get3A_332 : vector<16xf32>
        %abs3A = math.absf %sub3A : vector<16xf32>
        %add3A_339 = arith.addf %scan3A_328, %abs3A : vector<16xf32>
        %scan3A_340 = arith.constant 1 : i32
        %scan3A_341 = arith.addi %scan3A_326, %scan3A_340 : i32
        %mul3A_342 = arith.constant 16 : i32
        %mul3A_343 = arith.muli %scan3A_341, %mul3A_342 : i32
        %get3A_344 = arith.index_cast %scan3A_305 : i32 to index
        %get3A_345 = arith.index_cast %mul3A_343 : i32 to index
        %get3A_346 = tpu.vector_load %arg6[%get3A_344, %get3A_345] {strides = array<i32>} : memref<16x1024xf32, #tpu.memory_space<vmem>>, vector<16xf32>,
        %mul3A_347 = arith.constant 16 : i32
        %mul3A_348 = arith.muli %scan3A_341, %mul3A_347 : i32
        %get3A_349 = arith.index_cast %scan3A_305 : i32 to index
        %get3A_350 = arith.index_cast %mul3A_348 : i32 to index
        %get3A_351 = tpu.vector_load %arg8[%get3A_349, %get3A_350] {strides = array<i32>} : memref<16x1024xf32, #tpu.memory_space<vmem>>, vector<16xf32>,
        %add3A_352 = arith.addf %add3A_338, %get3A_346 : vector<16xf32>
        %sub3A_353 = arith.subf %get3A_351, %get3A_346 : vector<16xf32>
        %abs3A_354 = math.absf %sub3A_353 : vector<16xf32>
        %add3A_355 = arith.addf %add3A_339, %abs3A_354 : vector<16xf32>
        %scan3A_356 = arith.constant 2 : i32
        %scan3A_357 = arith.addi %scan3A_326, %scan3A_356 : i32
        %mul3A_358 = arith.constant 16 : i32
        %mul3A_359 = arith.muli %scan3A_357, %mul3A_358 : i32
        %get3A_360 = arith.index_cast %scan3A_305 : i32 to index
        %get3A_361 = arith.index_cast %mul3A_359 : i32 to index
        %get3A_362 = tpu.vector_load %arg6[%get3A_360, %get3A_361] {strides = array<i32>} : memref<16x1024xf32, #tpu.memory_space<vmem>>, vector<16xf32>,
        %mul3A_363 = arith.constant 16 : i32
        %mul3A_364 = arith.muli %scan3A_357, %mul3A_363 : i32
        %get3A_365 = arith.index_cast %scan3A_305 : i32 to index
        %get3A_366 = arith.index_cast %mul3A_364 : i32 to index
        %get3A_367 = tpu.vector_load %arg8[%get3A_365, %get3A_366] {strides = array<i32>} : memref<16x1024xf32, #tpu.memory_space<vmem>>, vector<16xf32>,
        %add3A_368 = arith.addf %add3A_352, %get3A_362 : vector<16xf32>
        %sub3A_369 = arith.subf %get3A_367, %get3A_362 : vector<16xf32>
        %abs3A_370 = math.absf %sub3A_369 : vector<16xf32>
        %add3A_371 = arith.addf %add3A_355, %abs3A_370 : vector<16xf32>
        %scan3A_372 = arith.constant 3 : i32
        %scan3A_373 = arith.addi %scan3A_326, %scan3A_372 : i32
        %mul3A_374 = arith.constant 16 : i32
        %mul3A_375 = arith.muli %scan3A_373, %mul3A_374 : i32
        %get3A_376 = arith.index_cast %scan3A_305 : i32 to index
        %get3A_377 = arith.index_cast %mul3A_375 : i32 to index
        %get3A_378 = tpu.vector_load %arg6[%get3A_376, %get3A_377] {strides = array<i32>} : memref<16x1024xf32, #tpu.memory_space<vmem>>, vector<16xf32>,
        %mul3A_379 = arith.constant 16 : i32
        %mul3A_380 = arith.muli %scan3A_373, %mul3A_379 : i32
        %get3A_381 = arith.index_cast %scan3A_305 : i32 to index
        %get3A_382 = arith.index_cast %mul3A_380 : i32 to index
        %get3A_383 = tpu.vector_load %arg8[%get3A_381, %get3A_382] {strides = array<i32>} : memref<16x1024xf32, #tpu.memory_space<vmem>>, vector<16xf32>,
        %add3A_384 = arith.addf %add3A_368, %get3A_378 : vector<16xf32>
        %sub3A_385 = arith.subf %get3A_383, %get3A_378 : vector<16xf32>
        %abs3A_386 = math.absf %sub3A_385 : vector<16xf32>
        %add3A_387 = arith.addf %add3A_371, %abs3A_386 : vector<16xf32>
        %scan3A_388 = arith.constant 4 : i32
        %scan3A_389 = arith.addi %scan3A_326, %scan3A_388 : i32
        %mul3A_390 = arith.constant 16 : i32
        %mul3A_391 = arith.muli %scan3A_389, %mul3A_390 : i32
        %get3A_392 = arith.index_cast %scan3A_305 : i32 to index
        %get3A_393 = arith.index_cast %mul3A_391 : i32 to index
        %get3A_394 = tpu.vector_load %arg6[%get3A_392, %get3A_393] {strides = array<i32>} : memref<16x1024xf32, #tpu.memory_space<vmem>>, vector<16xf32>,
        %mul3A_395 = arith.constant 16 : i32
        %mul3A_396 = arith.muli %scan3A_389, %mul3A_395 : i32
        %get3A_397 = arith.index_cast %scan3A_305 : i32 to index
        %get3A_398 = arith.index_cast %mul3A_396 : i32 to index
        %get3A_399 = tpu.vector_load %arg8[%get3A_397, %get3A_398] {strides = array<i32>} : memref<16x1024xf32, #tpu.memory_space<vmem>>, vector<16xf32>,
        %add3A_400 = arith.addf %add3A_384, %get3A_394 : vector<16xf32>
        %sub3A_401 = arith.subf %get3A_399, %get3A_394 : vector<16xf32>
        %abs3A_402 = math.absf %sub3A_401 : vector<16xf32>
        %add3A_403 = arith.addf %add3A_387, %abs3A_402 : vector<16xf32>
        %scan3A_404 = arith.constant 5 : i32
        %scan3A_405 = arith.addi %scan3A_326, %scan3A_404 : i32
        %mul3A_406 = arith.constant 16 : i32
        %mul3A_407 = arith.muli %scan3A_405, %mul3A_406 : i32
        %get3A_408 = arith.index_cast %scan3A_305 : i32 to index
        %get3A_409 = arith.index_cast %mul3A_407 : i32 to index
        %get3A_410 = tpu.vector_load %arg6[%get3A_408, %get3A_409] {strides = array<i32>} : memref<16x1024xf32, #tpu.memory_space<vmem>>, vector<16xf32>,
        %mul3A_411 = arith.constant 16 : i32
        %mul3A_412 = arith.muli %scan3A_405, %mul3A_411 : i32
        %get3A_413 = arith.index_cast %scan3A_305 : i32 to index
        %get3A_414 = arith.index_cast %mul3A_412 : i32 to index
        %get3A_415 = tpu.vector_load %arg8[%get3A_413, %get3A_414] {strides = array<i32>} : memref<16x1024xf32, #tpu.memory_space<vmem>>, vector<16xf32>,
        %add3A_416 = arith.addf %add3A_400, %get3A_410 : vector<16xf32>
        %sub3A_417 = arith.subf %get3A_415, %get3A_410 : vector<16xf32>
        %abs3A_418 = math.absf %sub3A_417 : vector<16xf32>
        %add3A_419 = arith.addf %add3A_403, %abs3A_418 : vector<16xf32>
        %scan3A_420 = arith.constant 6 : i32
        %scan3A_421 = arith.addi %scan3A_326, %scan3A_420 : i32
        %mul3A_422 = arith.constant 16 : i32
        %mul3A_423 = arith.muli %scan3A_421, %mul3A_422 : i32
        %get3A_424 = arith.index_cast %scan3A_305 : i32 to index
        %get3A_425 = arith.index_cast %mul3A_423 : i32 to index
        %get3A_426 = tpu.vector_load %arg6[%get3A_424, %get3A_425] {strides = array<i32>} : memref<16x1024xf32, #tpu.memory_space<vmem>>, vector<16xf32>,
        %mul3A_427 = arith.constant 16 : i32
        %mul3A_428 = arith.muli %scan3A_421, %mul3A_427 : i32
        %get3A_429 = arith.index_cast %scan3A_305 : i32 to index
        %get3A_430 = arith.index_cast %mul3A_428 : i32 to index
        %get3A_431 = tpu.vector_load %arg8[%get3A_429, %get3A_430] {strides = array<i32>} : memref<16x1024xf32, #tpu.memory_space<vmem>>, vector<16xf32>,
        %add3A_432 = arith.addf %add3A_416, %get3A_426 : vector<16xf32>
        %sub3A_433 = arith.subf %get3A_431, %get3A_426 : vector<16xf32>
        %abs3A_434 = math.absf %sub3A_433 : vector<16xf32>
        %add3A_435 = arith.addf %add3A_419, %abs3A_434 : vector<16xf32>
        %scan3A_436 = arith.constant 7 : i32
        %scan3A_437 = arith.addi %scan3A_326, %scan3A_436 : i32
        %mul3A_438 = arith.constant 16 : i32
        %mul3A_439 = arith.muli %scan3A_437, %mul3A_438 : i32
        %get3A_440 = arith.index_cast %scan3A_305 : i32 to index
        %get3A_441 = arith.index_cast %mul3A_439 : i32 to index
        %get3A_442 = tpu.vector_load %arg6[%get3A_440, %get3A_441] {strides = array<i32>} : memref<16x1024xf32, #tpu.memory_space<vmem>>, vector<16xf32>,
        %mul3A_443 = arith.constant 16 : i32
        %mul3A_444 = arith.muli %scan3A_437, %mul3A_443 : i32
        %get3A_445 = arith.index_cast %scan3A_305 : i32 to index
        %get3A_446 = arith.index_cast %mul3A_444 : i32 to index
        %get3A_447 = tpu.vector_load %arg8[%get3A_445, %get3A_446] {strides = array<i32>} : memref<16x1024xf32, #tpu.memory_space<vmem>>, vector<16xf32>,
        %add3A_448 = arith.addf %add3A_432, %get3A_442 : vector<16xf32>
        %sub3A_449 = arith.subf %get3A_447, %get3A_442 : vector<16xf32>
        %abs3A_450 = math.absf %sub3A_449 : vector<16xf32>
        %add3A_451 = arith.addf %add3A_435, %abs3A_450 : vector<16xf32>
        scf.yield %add3A_448, %add3A_451 : vector<16xf32>, vector<16xf32>
      }
      %scan3A_312 = arith.constant 64 : i32
      %add3A_313 = arith.constant 176 : i32
      %add3A_314 = arith.addi %add3A_313, %scan3A_305 : i32
      %shift_right_logical3A = arith.constant 2 : i32
      %shift_right_logical3A_315 = arith.shrui %add3A_314, %shift_right_logical3A : i32
      %and3A = arith.constant 3 : i32
      %and3A_316 = arith.andi %add3A_314, %and3A : i32
      %shift_left3A = arith.constant 5 : i32
      %shift_left3A_317 = arith.shli %and3A_316, %shift_left3A : i32
      %swap3A = arith.index_cast %shift_right_logical3A_315 : i32 to index
      %swap3A_318 = arith.index_cast %shift_left3A_317 : i32 to index
      %swap3A_319 = tpu.vector_load %arg9[%swap3A, %swap3A_318] {strides = array<i32>} : memref<48x128xf32, #tpu.memory_space<vmem>>, vector<16xf32>,
      tpu.vector_store %arg9[%swap3A, %swap3A_318], %scan3A_311#0 {strides = array<i32>} : memref<48x128xf32, #tpu.memory_space<vmem>>, vector<16xf32>,
      %add3A_320 = arith.constant 16 : i32
      %add3A_321 = arith.addi %shift_left3A_317, %add3A_320 : i32
      %swap3A_322 = arith.index_cast %shift_right_logical3A_315 : i32 to index
      %swap3A_323 = arith.index_cast %add3A_321 : i32 to index
      %swap3A_324 = tpu.vector_load %arg9[%swap3A_322, %swap3A_323] {strides = array<i32>} : memref<48x128xf32, #tpu.memory_space<vmem>>, vector<16xf32>,
      tpu.vector_store %arg9[%swap3A_322, %swap3A_323], %scan3A_311#1 {strides = array<i32>} : memref<48x128xf32, #tpu.memory_space<vmem>>, vector<16xf32>,
      %scan3A_325 = arith.constant 0 : i32
      scf.yield %scan3A_325 : i32
    }
    %scan3A_302 = arith.constant 16 : i32
    %mul3A_303 = arith.constant 48 : i32
    %mul3A_304 = arith.muli %add3A, %mul3A_303 : i32
    "tpu.region"() ({
      %run_scoped3A = tpu.sem_alloc : memref<!tpu.dma_semaphore, #tpu.memory_space<semaphore_mem>>
      %dma_start3A_305 = arith.constant 0 : i32
      %dma_start3A_306 = tpu.memref_slice %arg4[%mul3A_304, %dma_start3A_305] : memref<1536x128xf32, #tpu.memory_space<hbm>> -> memref<48x128xf32, #tpu.memory_space<hbm>>
      %dma_start3A_307 = arith.constant 0 : i32
      %dma_start3A_308 = tpu.memref_slice %arg4[%mul3A_304, %dma_start3A_307] : memref<1536x128xf32, #tpu.memory_space<hbm>> -> memref<48x128xf32, #tpu.memory_space<hbm>>
      tpu.enqueue_dma source(%arg9 : memref<48x128xf32, #tpu.memory_space<vmem>>) target(%dma_start3A_308 : memref<48x128xf32, #tpu.memory_space<hbm>>) target_semaphore(%run_scoped3A : memref<!tpu.dma_semaphore, #tpu.memory_space<semaphore_mem>>)
      %dma_wait3A_309 = arith.constant 0 : i32
      %dma_wait3A_310 = tpu.memref_slice %arg4[%mul3A_304, %dma_wait3A_309] : memref<1536x128xf32, #tpu.memory_space<hbm>> -> memref<48x128xf32, #tpu.memory_space<hbm>>
      %dma_wait3A_311 = arith.constant 0 : i32
      %dma_wait3A_312 = tpu.memref_slice %arg4[%mul3A_304, %dma_wait3A_311] : memref<1536x128xf32, #tpu.memory_space<hbm>> -> memref<48x128xf32, #tpu.memory_space<hbm>>
      tpu.wait_dma2 semaphore(%run_scoped3A : memref<!tpu.dma_semaphore, #tpu.memory_space<semaphore_mem>>) src(%arg9 : memref<48x128xf32, #tpu.memory_space<vmem>>) dst(%dma_wait3A_312 : memref<48x128xf32, #tpu.memory_space<hbm>>)
      tpu.yield
    }) : () -> ()
    return
  }
}

module attributes {stable_mosaic.version = 14 : i64} {
  func.func @_tc_partials_kernel(%arg0: i32, %arg1: memref<1024x1024xf32, #tpu.memory_space<vmem>>, %arg2: memref<1024x1024xf32, #tpu.memory_space<vmem>>, %arg3: memref<100x512xf32, #tpu.memory_space<vmem>>, %arg4: memref<100x512xf32, #tpu.memory_space<vmem>>, %arg5: memref<1x1x512xi32, #tpu.memory_space<vmem>>, %arg6: memref<4xf32, #tpu.memory_space<smem>>, %arg7: memref<4xf32, #tpu.memory_space<smem>>) attributes {dimension_semantics = [#tpu.dimension_semantics<arbitrary>], iteration_bounds = array<i64: 10>, scalar_prefetch = 0 : i64, scratch_operands = 1 : i64, tpu.core_type = #tpu.core_type<tc>, window_params = [{transform_indices = @transform_0, window_bounds = array<i64: 1024, 1024>}, {transform_indices = @transform_1, window_bounds = array<i64: 1024, 1024>}, {transform_indices = @transform_2, window_bounds = array<i64: 100, 512>}, {transform_indices = @transform_3, window_bounds = array<i64: 100, 512>}, {transform_indices = @transform_4, window_bounds = array<i64: 1, 1, 512>}, {transform_indices = @transform_5, window_bounds = array<i64: 4>}]} {
    %eq3A = arith.constant 0 : i32
    %eq3A_0 = arith.cmpi eq, %arg0, %eq3A : i32
    %convert_element_type3A = arith.extui %eq3A_0 : i1 to i32
    %cond3A = arith.constant 0 : i32
    %cond3A_1 = arith.cmpi ne, %convert_element_type3A, %cond3A : i32
    scf.if %cond3A_1 {
      %swap3A_41 = arith.constant 0.000000e+00 : f32
      %swap3A_42 = arith.constant 0 : index
      %swap3A_43 = memref.load %arg7[%swap3A_42] : memref<4xf32, #tpu.memory_space<smem>>
      memref.store %swap3A_41, %arg7[%swap3A_42] : memref<4xf32, #tpu.memory_space<smem>>
      %swap3A_44 = arith.constant 0.000000e+00 : f32
      %swap3A_45 = arith.constant 1 : index
      %swap3A_46 = memref.load %arg7[%swap3A_45] : memref<4xf32, #tpu.memory_space<smem>>
      memref.store %swap3A_44, %arg7[%swap3A_45] : memref<4xf32, #tpu.memory_space<smem>>
      %swap3A_47 = arith.constant 0.000000e+00 : f32
      %swap3A_48 = arith.constant 2 : index
      %swap3A_49 = memref.load %arg7[%swap3A_48] : memref<4xf32, #tpu.memory_space<smem>>
      memref.store %swap3A_47, %arg7[%swap3A_48] : memref<4xf32, #tpu.memory_space<smem>>
      %swap3A_50 = arith.constant 0.000000e+00 : f32
      %swap3A_51 = arith.constant 3 : index
      %swap3A_52 = memref.load %arg7[%swap3A_51] : memref<4xf32, #tpu.memory_space<smem>>
      memref.store %swap3A_50, %arg7[%swap3A_51] : memref<4xf32, #tpu.memory_space<smem>>
    } else {
    }
    %get3A = arith.constant 0 : index
    %get3A_2 = arith.constant 0 : index
    %get3A_3 = vector.load %arg1[%get3A, %get3A_2] : memref<1024x1024xf32, #tpu.memory_space<vmem>>, vector<1024x1024xf32>
    %get3A_4 = arith.constant 0 : index
    %get3A_5 = arith.constant 0 : index
    %get3A_6 = vector.load %arg2[%get3A_4, %get3A_5] : memref<1024x1024xf32, #tpu.memory_space<vmem>>, vector<1024x1024xf32>
    %reduce_sum3A = arith.constant dense<0.000000e+00> : vector<1024xf32>
    %reduce_sum3A_7 = vector.multi_reduction <add>, %get3A_3, %reduce_sum3A [1] : vector<1024x1024xf32> to vector<1024xf32>
    %ne3A = arith.constant 0.000000e+00 : f32
    %ne3A_8 = vector.broadcast %ne3A : f32 to vector<1024xf32>
    %ne3A_9 = arith.cmpf one, %reduce_sum3A_7, %ne3A_8 : vector<1024xf32>
    %sub3A = arith.subf %get3A_6, %get3A_3 : vector<1024x1024xf32>
    %abs3A = math.absf %sub3A : vector<1024x1024xf32>
    %reduce_sum3A_10 = arith.constant dense<0.000000e+00> : vector<1024xf32>
    %reduce_sum3A_11 = vector.multi_reduction <add>, %abs3A, %reduce_sum3A_10 [1] : vector<1024x1024xf32> to vector<1024xf32>
    %get3A_12 = arith.constant 0 : index
    %get3A_13 = memref.load %arg7[%get3A_12] : memref<4xf32, #tpu.memory_space<smem>>
    %jit3A = arith.constant 0.000000e+00 : f32
    %broadcast_in_dim3A = vector.broadcast %jit3A : f32 to vector<1024xf32>
    %select_n3A = arith.select %ne3A_9, %reduce_sum3A_11, %broadcast_in_dim3A : vector<1024xi1>, vector<1024xf32>
    %reduce_sum3A_14 = vector.shape_cast %select_n3A : vector<1024xf32> to vector<1x1024xf32>
    %reduce_sum3A_15 = arith.constant dense<0.000000e+00> : vector<1xf32>
    %reduce_sum3A_16 = vector.multi_reduction <add>, %reduce_sum3A_14, %reduce_sum3A_15 [1] : vector<1x1024xf32> to vector<1xf32>
    %reduce_sum3A_17 = vector.shape_cast %reduce_sum3A_16 : vector<1xf32> to vector<1x1xf32>
    %reduce_sum3A_18 = vector.extract %reduce_sum3A_17[0, 0] : f32 from vector<1x1xf32>
    %add3A = arith.addf %get3A_13, %reduce_sum3A_18 : f32
    %swap3A = arith.constant 0 : index
    %swap3A_19 = memref.load %arg7[%swap3A] : memref<4xf32, #tpu.memory_space<smem>>
    memref.store %add3A, %arg7[%swap3A] : memref<4xf32, #tpu.memory_space<smem>>
    %get3A_20 = arith.constant 1 : index
    %get3A_21 = memref.load %arg7[%get3A_20] : memref<4xf32, #tpu.memory_space<smem>>
    %convert_element_type3A_22 = arith.extui %ne3A_9 : vector<1024xi1> to vector<1024xi32>
    %convert_element_type3A_23 = arith.sitofp %convert_element_type3A_22 : vector<1024xi32> to vector<1024xf32>
    %reduce_sum3A_24 = vector.shape_cast %convert_element_type3A_23 : vector<1024xf32> to vector<1x1024xf32>
    %reduce_sum3A_25 = arith.constant dense<0.000000e+00> : vector<1xf32>
    %reduce_sum3A_26 = vector.multi_reduction <add>, %reduce_sum3A_24, %reduce_sum3A_25 [1] : vector<1x1024xf32> to vector<1xf32>
    %reduce_sum3A_27 = vector.shape_cast %reduce_sum3A_26 : vector<1xf32> to vector<1x1xf32>
    %reduce_sum3A_28 = vector.extract %reduce_sum3A_27[0, 0] : f32 from vector<1x1xf32>
    %add3A_29 = arith.addf %get3A_21, %reduce_sum3A_28 : f32
    %swap3A_30 = arith.constant 1 : index
    %swap3A_31 = memref.load %arg7[%swap3A_30] : memref<4xf32, #tpu.memory_space<smem>>
    memref.store %add3A_29, %arg7[%swap3A_30] : memref<4xf32, #tpu.memory_space<smem>>
    %lt3A = arith.constant 8 : i32
    %lt3A_32 = arith.cmpi slt, %arg0, %lt3A : i32
    %convert_element_type3A_33 = arith.extui %lt3A_32 : i1 to i32
    %cond3A_34 = arith.constant 0 : i32
    %cond3A_35 = arith.cmpi ne, %convert_element_type3A_33, %cond3A_34 : i32
    scf.if %cond3A_35 {
      %get3A_41 = arith.constant 0 : index
      %get3A_42 = arith.constant 0 : index
      %get3A_43 = arith.constant 0 : index
      %get3A_44 = vector.load %arg5[%get3A_41, %get3A_42, %get3A_43] : memref<1x1x512xi32, #tpu.memory_space<vmem>>, vector<1x1x512xi32>
      %get3A_45 = vector.shape_cast %get3A_44 : vector<1x1x512xi32> to vector<512xi32>
      %iota3A = tpu.iota {dimensions = array<i32: 0>} : vector<100x512xi32>
      %broadcast_in_dim3A_46 = vector.shape_cast %get3A_45 : vector<512xi32> to vector<1x512xi32>
      %eq3A_47 = vector.broadcast %broadcast_in_dim3A_46 : vector<1x512xi32> to vector<100x512xi32>
      %eq3A_48 = arith.cmpi eq, %iota3A, %eq3A_47 : vector<100x512xi32>
      %get3A_49 = arith.constant 0 : index
      %get3A_50 = arith.constant 0 : index
      %get3A_51 = vector.load %arg3[%get3A_49, %get3A_50] : memref<100x512xf32, #tpu.memory_space<vmem>>, vector<100x512xf32>
      %reduce_max3A = arith.constant dense<0xFF800000> : vector<512xf32>
      %reduce_max3A_52 = vector.multi_reduction <maximumf>, %get3A_51, %reduce_max3A [0] : vector<100x512xf32> to vector<512xf32>
      %broadcast_in_dim3A_53 = vector.shape_cast %reduce_max3A_52 : vector<512xf32> to vector<1x512xf32>
      %sub3A_54 = vector.broadcast %broadcast_in_dim3A_53 : vector<1x512xf32> to vector<100x512xf32>
      %sub3A_55 = arith.subf %get3A_51, %sub3A_54 : vector<100x512xf32>
      %exp3A = math.exp %sub3A_55 : vector<100x512xf32>
      %reduce_sum3A_56 = arith.constant dense<0.000000e+00> : vector<512xf32>
      %reduce_sum3A_57 = vector.multi_reduction <add>, %exp3A, %reduce_sum3A_56 [0] : vector<100x512xf32> to vector<512xf32>
      %log3A = math.log %reduce_sum3A_57 : vector<512xf32>
      %squeeze3A = vector.shape_cast %broadcast_in_dim3A_53 : vector<1x512xf32> to vector<512xf32>
      %add3A_58 = arith.addf %log3A, %squeeze3A : vector<512xf32>
      %jit3A_59 = arith.constant 0.000000e+00 : f32
      %broadcast_in_dim3A_60 = vector.broadcast %jit3A_59 : f32 to vector<100x512xf32>
      %select_n3A_61 = arith.select %eq3A_48, %get3A_51, %broadcast_in_dim3A_60 : vector<100x512xi1>, vector<100x512xf32>
      %reduce_sum3A_62 = arith.constant dense<0.000000e+00> : vector<512xf32>
      %reduce_sum3A_63 = vector.multi_reduction <add>, %select_n3A_61, %reduce_sum3A_62 [0] : vector<100x512xf32> to vector<512xf32>
      %get3A_64 = arith.constant 2 : index
      %get3A_65 = memref.load %arg7[%get3A_64] : memref<4xf32, #tpu.memory_space<smem>>
      %sub3A_66 = arith.subf %add3A_58, %reduce_sum3A_63 : vector<512xf32>
      %reduce_sum3A_67 = vector.shape_cast %sub3A_66 : vector<512xf32> to vector<1x512xf32>
      %reduce_sum3A_68 = arith.constant dense<0.000000e+00> : vector<1xf32>
      %reduce_sum3A_69 = vector.multi_reduction <add>, %reduce_sum3A_67, %reduce_sum3A_68 [1] : vector<1x512xf32> to vector<1xf32>
      %reduce_sum3A_70 = vector.shape_cast %reduce_sum3A_69 : vector<1xf32> to vector<1x1xf32>
      %reduce_sum3A_71 = vector.extract %reduce_sum3A_70[0, 0] : f32 from vector<1x1xf32>
      %add3A_72 = arith.addf %get3A_65, %reduce_sum3A_71 : f32
      %swap3A_73 = arith.constant 2 : index
      %swap3A_74 = memref.load %arg7[%swap3A_73] : memref<4xf32, #tpu.memory_space<smem>>
      memref.store %add3A_72, %arg7[%swap3A_73] : memref<4xf32, #tpu.memory_space<smem>>
      %get3A_75 = arith.constant 0 : index
      %get3A_76 = arith.constant 0 : index
      %get3A_77 = vector.load %arg4[%get3A_75, %get3A_76] : memref<100x512xf32, #tpu.memory_space<vmem>>, vector<100x512xf32>
      %reduce_max3A_78 = arith.constant dense<0xFF800000> : vector<512xf32>
      %reduce_max3A_79 = vector.multi_reduction <maximumf>, %get3A_77, %reduce_max3A_78 [0] : vector<100x512xf32> to vector<512xf32>
      %broadcast_in_dim3A_80 = vector.shape_cast %reduce_max3A_79 : vector<512xf32> to vector<1x512xf32>
      %sub3A_81 = vector.broadcast %broadcast_in_dim3A_80 : vector<1x512xf32> to vector<100x512xf32>
      %sub3A_82 = arith.subf %get3A_77, %sub3A_81 : vector<100x512xf32>
      %exp3A_83 = math.exp %sub3A_82 : vector<100x512xf32>
      %reduce_sum3A_84 = arith.constant dense<0.000000e+00> : vector<512xf32>
      %reduce_sum3A_85 = vector.multi_reduction <add>, %exp3A_83, %reduce_sum3A_84 [0] : vector<100x512xf32> to vector<512xf32>
      %log3A_86 = math.log %reduce_sum3A_85 : vector<512xf32>
      %squeeze3A_87 = vector.shape_cast %broadcast_in_dim3A_80 : vector<1x512xf32> to vector<512xf32>
      %add3A_88 = arith.addf %log3A_86, %squeeze3A_87 : vector<512xf32>
      %jit3A_89 = arith.constant 0.000000e+00 : f32
      %broadcast_in_dim3A_90 = vector.broadcast %jit3A_89 : f32 to vector<100x512xf32>
      %select_n3A_91 = arith.select %eq3A_48, %get3A_77, %broadcast_in_dim3A_90 : vector<100x512xi1>, vector<100x512xf32>
      %reduce_sum3A_92 = arith.constant dense<0.000000e+00> : vector<512xf32>
      %reduce_sum3A_93 = vector.multi_reduction <add>, %select_n3A_91, %reduce_sum3A_92 [0] : vector<100x512xf32> to vector<512xf32>
      %get3A_94 = arith.constant 3 : index
      %get3A_95 = memref.load %arg7[%get3A_94] : memref<4xf32, #tpu.memory_space<smem>>
      %sub3A_96 = arith.subf %add3A_88, %reduce_sum3A_93 : vector<512xf32>
      %reduce_sum3A_97 = vector.shape_cast %sub3A_96 : vector<512xf32> to vector<1x512xf32>
      %reduce_sum3A_98 = arith.constant dense<0.000000e+00> : vector<1xf32>
      %reduce_sum3A_99 = vector.multi_reduction <add>, %reduce_sum3A_97, %reduce_sum3A_98 [1] : vector<1x512xf32> to vector<1xf32>
      %reduce_sum3A_100 = vector.shape_cast %reduce_sum3A_99 : vector<1xf32> to vector<1x1xf32>
      %reduce_sum3A_101 = vector.extract %reduce_sum3A_100[0, 0] : f32 from vector<1x1xf32>
      %add3A_102 = arith.addf %get3A_95, %reduce_sum3A_101 : f32
      %swap3A_103 = arith.constant 3 : index
      %swap3A_104 = memref.load %arg7[%swap3A_103] : memref<4xf32, #tpu.memory_space<smem>>
      memref.store %add3A_102, %arg7[%swap3A_103] : memref<4xf32, #tpu.memory_space<smem>>
    } else {
    }
    %eq3A_36 = arith.constant 9 : i32
    %eq3A_37 = arith.cmpi eq, %arg0, %eq3A_36 : i32
    %convert_element_type3A_38 = arith.extui %eq3A_37 : i1 to i32
    %cond3A_39 = arith.constant 0 : i32
    %cond3A_40 = arith.cmpi ne, %convert_element_type3A_38, %cond3A_39 : i32
    scf.if %cond3A_40 {
      %get3A_41 = arith.constant 0 : index
      %get3A_42 = memref.load %arg7[%get3A_41] : memref<4xf32, #tpu.memory_space<smem>>
      %swap3A_43 = arith.constant 0 : index
      %swap3A_44 = memref.load %arg6[%swap3A_43] : memref<4xf32, #tpu.memory_space<smem>>
      memref.store %get3A_42, %arg6[%swap3A_43] : memref<4xf32, #tpu.memory_space<smem>>
      %get3A_45 = arith.constant 1 : index
      %get3A_46 = memref.load %arg7[%get3A_45] : memref<4xf32, #tpu.memory_space<smem>>
      %swap3A_47 = arith.constant 1 : index
      %swap3A_48 = memref.load %arg6[%swap3A_47] : memref<4xf32, #tpu.memory_space<smem>>
      memref.store %get3A_46, %arg6[%swap3A_47] : memref<4xf32, #tpu.memory_space<smem>>
      %get3A_49 = arith.constant 2 : index
      %get3A_50 = memref.load %arg7[%get3A_49] : memref<4xf32, #tpu.memory_space<smem>>
      %swap3A_51 = arith.constant 2 : index
      %swap3A_52 = memref.load %arg6[%swap3A_51] : memref<4xf32, #tpu.memory_space<smem>>
      memref.store %get3A_50, %arg6[%swap3A_51] : memref<4xf32, #tpu.memory_space<smem>>
      %get3A_53 = arith.constant 3 : index
      %get3A_54 = memref.load %arg7[%get3A_53] : memref<4xf32, #tpu.memory_space<smem>>
      %swap3A_55 = arith.constant 3 : index
      %swap3A_56 = memref.load %arg6[%swap3A_55] : memref<4xf32, #tpu.memory_space<smem>>
      memref.store %get3A_54, %arg6[%swap3A_55] : memref<4xf32, #tpu.memory_space<smem>>
    } else {
    }
    return
  }
  func.func @transform_0(%arg0: i32) -> (i32, i32) {
    %c0_i32 = arith.constant 0 : i32
    %c0_i32_0 = arith.constant 0 : i32
    return %arg0, %c0_i32 : i32, i32
  }
  func.func @transform_1(%arg0: i32) -> (i32, i32) {
    %c0_i32 = arith.constant 0 : i32
    %c0_i32_0 = arith.constant 0 : i32
    return %arg0, %c0_i32 : i32, i32
  }
  func.func @transform_2(%arg0: i32) -> (i32, i32) {
    %jit3A = arith.constant 8 : i32
    %eq3A = arith.constant 0 : i32
    %eq3A_0 = arith.cmpi eq, %jit3A, %eq3A : i32
    %jit3A_1 = arith.constant 1 : i32
    %select_n3A = arith.select %eq3A_0, %jit3A_1, %jit3A : i32
    %rem3A = arith.remsi %arg0, %select_n3A : i32
    %ne3A = arith.constant 0 : i32
    %ne3A_2 = arith.cmpi ne, %rem3A, %ne3A : i32
    %lt3A = arith.constant 0 : i32
    %lt3A_3 = arith.cmpi slt, %rem3A, %lt3A : i32
    %lt3A_4 = arith.constant 0 : i32
    %lt3A_5 = arith.cmpi slt, %select_n3A, %lt3A_4 : i32
    %ne3A_6 = arith.xori %lt3A_3, %lt3A_5 : i1
    %and3A = arith.andi %ne3A_6, %ne3A_2 : i1
    %add3A = arith.addi %rem3A, %select_n3A : i32
    %select_n3A_7 = arith.select %and3A, %add3A, %rem3A : i32
    %c0_i32 = arith.constant 0 : i32
    %c0_i32_8 = arith.constant 0 : i32
    return %c0_i32, %select_n3A_7 : i32, i32
  }
  func.func @transform_3(%arg0: i32) -> (i32, i32) {
    %jit3A = arith.constant 8 : i32
    %eq3A = arith.constant 0 : i32
    %eq3A_0 = arith.cmpi eq, %jit3A, %eq3A : i32
    %jit3A_1 = arith.constant 1 : i32
    %select_n3A = arith.select %eq3A_0, %jit3A_1, %jit3A : i32
    %rem3A = arith.remsi %arg0, %select_n3A : i32
    %ne3A = arith.constant 0 : i32
    %ne3A_2 = arith.cmpi ne, %rem3A, %ne3A : i32
    %lt3A = arith.constant 0 : i32
    %lt3A_3 = arith.cmpi slt, %rem3A, %lt3A : i32
    %lt3A_4 = arith.constant 0 : i32
    %lt3A_5 = arith.cmpi slt, %select_n3A, %lt3A_4 : i32
    %ne3A_6 = arith.xori %lt3A_3, %lt3A_5 : i1
    %and3A = arith.andi %ne3A_6, %ne3A_2 : i1
    %add3A = arith.addi %rem3A, %select_n3A : i32
    %select_n3A_7 = arith.select %and3A, %add3A, %rem3A : i32
    %c0_i32 = arith.constant 0 : i32
    %c0_i32_8 = arith.constant 0 : i32
    return %c0_i32, %select_n3A_7 : i32, i32
  }
  func.func @transform_4(%arg0: i32) -> (i32, i32, i32) {
    %jit3A = arith.constant 8 : i32
    %eq3A = arith.constant 0 : i32
    %eq3A_0 = arith.cmpi eq, %jit3A, %eq3A : i32
    %jit3A_1 = arith.constant 1 : i32
    %select_n3A = arith.select %eq3A_0, %jit3A_1, %jit3A : i32
    %rem3A = arith.remsi %arg0, %select_n3A : i32
    %ne3A = arith.constant 0 : i32
    %ne3A_2 = arith.cmpi ne, %rem3A, %ne3A : i32
    %lt3A = arith.constant 0 : i32
    %lt3A_3 = arith.cmpi slt, %rem3A, %lt3A : i32
    %lt3A_4 = arith.constant 0 : i32
    %lt3A_5 = arith.cmpi slt, %select_n3A, %lt3A_4 : i32
    %ne3A_6 = arith.xori %lt3A_3, %lt3A_5 : i1
    %and3A = arith.andi %ne3A_6, %ne3A_2 : i1
    %add3A = arith.addi %rem3A, %select_n3A : i32
    %select_n3A_7 = arith.select %and3A, %add3A, %rem3A : i32
    %c0_i32 = arith.constant 0 : i32
    %c0_i32_8 = arith.constant 0 : i32
    %c0_i32_9 = arith.constant 0 : i32
    return %select_n3A_7, %c0_i32, %c0_i32_8 : i32, i32, i32
  }
  func.func @transform_5(%arg0: i32) -> i32 {
    %c0_i32 = arith.constant 0 : i32
    %c0_i32_0 = arith.constant 0 : i32
    return %c0_i32 : i32
  }
}

module attributes {stable_mosaic.version = 14 : i64} {
  func.func @_tail_kernel(%arg0: memref<1536x128xf32, #tpu.memory_space<vmem>>, %arg1: memref<4xf32, #tpu.memory_space<smem>>, %arg2: memref<6xf32, #tpu.memory_space<smem>>) attributes {dimension_semantics = [], scalar_prefetch = 0 : i64, scratch_operands = 0 : i64, tpu.core_type = #tpu.core_type<tc>} {
    %get3A = arith.constant 0 : index
    %get3A_0 = arith.constant 0 : index
    %get3A_1 = vector.load %arg0[%get3A, %get3A_0] : memref<1536x128xf32, #tpu.memory_space<vmem>>, vector<1536x128xf32>
    %get3A_2 = arith.constant 0 : index
    %get3A_3 = memref.load %arg1[%get3A_2] : memref<4xf32, #tpu.memory_space<smem>>
    %get3A_4 = arith.constant 1 : index
    %get3A_5 = memref.load %arg1[%get3A_4] : memref<4xf32, #tpu.memory_space<smem>>
    %slice3A = vector.extract_strided_slice %get3A_1 {offsets = [0, 0], sizes = [1536, 16], strides = [1, 1]} : vector<1536x128xf32> to vector<1536x16xf32>
    %reduce_sum3A = arith.constant dense<0.000000e+00> : vector<1536xf32>
    %reduce_sum3A_6 = vector.multi_reduction <add>, %slice3A, %reduce_sum3A [1] : vector<1536x16xf32> to vector<1536xf32>
    %slice3A_7 = vector.extract_strided_slice %get3A_1 {offsets = [0, 16], sizes = [1536, 16], strides = [1, 1]} : vector<1536x128xf32> to vector<1536x16xf32>
    %reduce_sum3A_8 = arith.constant dense<0.000000e+00> : vector<1536xf32>
    %reduce_sum3A_9 = vector.multi_reduction <add>, %slice3A_7, %reduce_sum3A_8 [1] : vector<1536x16xf32> to vector<1536xf32>
    %ne3A = arith.constant 0.000000e+00 : f32
    %ne3A_10 = vector.broadcast %ne3A : f32 to vector<1536xf32>
    %ne3A_11 = arith.cmpf one, %reduce_sum3A_6, %ne3A_10 : vector<1536xf32>
    %jit3A = arith.constant 0.000000e+00 : f32
    %broadcast_in_dim3A = vector.broadcast %jit3A : f32 to vector<1536xf32>
    %select_n3A = arith.select %ne3A_11, %reduce_sum3A_9, %broadcast_in_dim3A : vector<1536xi1>, vector<1536xf32>
    %reduce_sum3A_12 = vector.shape_cast %select_n3A : vector<1536xf32> to vector<1x1536xf32>
    %reduce_sum3A_13 = arith.constant dense<0.000000e+00> : vector<1xf32>
    %reduce_sum3A_14 = vector.multi_reduction <add>, %reduce_sum3A_12, %reduce_sum3A_13 [1] : vector<1x1536xf32> to vector<1xf32>
    %reduce_sum3A_15 = vector.shape_cast %reduce_sum3A_14 : vector<1xf32> to vector<1x1xf32>
    %reduce_sum3A_16 = vector.extract %reduce_sum3A_15[0, 0] : f32 from vector<1x1xf32>
    %add3A = arith.addf %get3A_3, %reduce_sum3A_16 : f32
    %convert_element_type3A = arith.extui %ne3A_11 : vector<1536xi1> to vector<1536xi32>
    %convert_element_type3A_17 = arith.sitofp %convert_element_type3A : vector<1536xi32> to vector<1536xf32>
    %reduce_sum3A_18 = vector.shape_cast %convert_element_type3A_17 : vector<1536xf32> to vector<1x1536xf32>
    %reduce_sum3A_19 = arith.constant dense<0.000000e+00> : vector<1xf32>
    %reduce_sum3A_20 = vector.multi_reduction <add>, %reduce_sum3A_18, %reduce_sum3A_19 [1] : vector<1x1536xf32> to vector<1xf32>
    %reduce_sum3A_21 = vector.shape_cast %reduce_sum3A_20 : vector<1xf32> to vector<1x1xf32>
    %reduce_sum3A_22 = vector.extract %reduce_sum3A_21[0, 0] : f32 from vector<1x1xf32>
    %add3A_23 = arith.addf %get3A_5, %reduce_sum3A_22 : f32
    %slice3A_24 = vector.extract_strided_slice %get3A_1 {offsets = [0, 32], sizes = [1536, 16], strides = [1, 1]} : vector<1536x128xf32> to vector<1536x16xf32>
    %reduce_sum3A_25 = arith.constant dense<0.000000e+00> : vector<1536xf32>
    %reduce_sum3A_26 = vector.multi_reduction <add>, %slice3A_24, %reduce_sum3A_25 [1] : vector<1536x16xf32> to vector<1536xf32>
    %slice3A_27 = vector.extract_strided_slice %get3A_1 {offsets = [0, 48], sizes = [1536, 16], strides = [1, 1]} : vector<1536x128xf32> to vector<1536x16xf32>
    %reduce_sum3A_28 = arith.constant dense<0.000000e+00> : vector<1536xf32>
    %reduce_sum3A_29 = vector.multi_reduction <add>, %slice3A_27, %reduce_sum3A_28 [1] : vector<1536x16xf32> to vector<1536xf32>
    %ne3A_30 = arith.constant 0.000000e+00 : f32
    %ne3A_31 = vector.broadcast %ne3A_30 : f32 to vector<1536xf32>
    %ne3A_32 = arith.cmpf one, %reduce_sum3A_26, %ne3A_31 : vector<1536xf32>
    %jit3A_33 = arith.constant 0.000000e+00 : f32
    %broadcast_in_dim3A_34 = vector.broadcast %jit3A_33 : f32 to vector<1536xf32>
    %select_n3A_35 = arith.select %ne3A_32, %reduce_sum3A_29, %broadcast_in_dim3A_34 : vector<1536xi1>, vector<1536xf32>
    %reduce_sum3A_36 = vector.shape_cast %select_n3A_35 : vector<1536xf32> to vector<1x1536xf32>
    %reduce_sum3A_37 = arith.constant dense<0.000000e+00> : vector<1xf32>
    %reduce_sum3A_38 = vector.multi_reduction <add>, %reduce_sum3A_36, %reduce_sum3A_37 [1] : vector<1x1536xf32> to vector<1xf32>
    %reduce_sum3A_39 = vector.shape_cast %reduce_sum3A_38 : vector<1xf32> to vector<1x1xf32>
    %reduce_sum3A_40 = vector.extract %reduce_sum3A_39[0, 0] : f32 from vector<1x1xf32>
    %add3A_41 = arith.addf %add3A, %reduce_sum3A_40 : f32
    %convert_element_type3A_42 = arith.extui %ne3A_32 : vector<1536xi1> to vector<1536xi32>
    %convert_element_type3A_43 = arith.sitofp %convert_element_type3A_42 : vector<1536xi32> to vector<1536xf32>
    %reduce_sum3A_44 = vector.shape_cast %convert_element_type3A_43 : vector<1536xf32> to vector<1x1536xf32>
    %reduce_sum3A_45 = arith.constant dense<0.000000e+00> : vector<1xf32>
    %reduce_sum3A_46 = vector.multi_reduction <add>, %reduce_sum3A_44, %reduce_sum3A_45 [1] : vector<1x1536xf32> to vector<1xf32>
    %reduce_sum3A_47 = vector.shape_cast %reduce_sum3A_46 : vector<1xf32> to vector<1x1xf32>
    %reduce_sum3A_48 = vector.extract %reduce_sum3A_47[0, 0] : f32 from vector<1x1xf32>
    %add3A_49 = arith.addf %add3A_23, %reduce_sum3A_48 : f32
    %slice3A_50 = vector.extract_strided_slice %get3A_1 {offsets = [0, 64], sizes = [1536, 16], strides = [1, 1]} : vector<1536x128xf32> to vector<1536x16xf32>
    %reduce_sum3A_51 = arith.constant dense<0.000000e+00> : vector<1536xf32>
    %reduce_sum3A_52 = vector.multi_reduction <add>, %slice3A_50, %reduce_sum3A_51 [1] : vector<1536x16xf32> to vector<1536xf32>
    %slice3A_53 = vector.extract_strided_slice %get3A_1 {offsets = [0, 80], sizes = [1536, 16], strides = [1, 1]} : vector<1536x128xf32> to vector<1536x16xf32>
    %reduce_sum3A_54 = arith.constant dense<0.000000e+00> : vector<1536xf32>
    %reduce_sum3A_55 = vector.multi_reduction <add>, %slice3A_53, %reduce_sum3A_54 [1] : vector<1536x16xf32> to vector<1536xf32>
    %ne3A_56 = arith.constant 0.000000e+00 : f32
    %ne3A_57 = vector.broadcast %ne3A_56 : f32 to vector<1536xf32>
    %ne3A_58 = arith.cmpf one, %reduce_sum3A_52, %ne3A_57 : vector<1536xf32>
    %jit3A_59 = arith.constant 0.000000e+00 : f32
    %broadcast_in_dim3A_60 = vector.broadcast %jit3A_59 : f32 to vector<1536xf32>
    %select_n3A_61 = arith.select %ne3A_58, %reduce_sum3A_55, %broadcast_in_dim3A_60 : vector<1536xi1>, vector<1536xf32>
    %reduce_sum3A_62 = vector.shape_cast %select_n3A_61 : vector<1536xf32> to vector<1x1536xf32>
    %reduce_sum3A_63 = arith.constant dense<0.000000e+00> : vector<1xf32>
    %reduce_sum3A_64 = vector.multi_reduction <add>, %reduce_sum3A_62, %reduce_sum3A_63 [1] : vector<1x1536xf32> to vector<1xf32>
    %reduce_sum3A_65 = vector.shape_cast %reduce_sum3A_64 : vector<1xf32> to vector<1x1xf32>
    %reduce_sum3A_66 = vector.extract %reduce_sum3A_65[0, 0] : f32 from vector<1x1xf32>
    %add3A_67 = arith.addf %add3A_41, %reduce_sum3A_66 : f32
    %convert_element_type3A_68 = arith.extui %ne3A_58 : vector<1536xi1> to vector<1536xi32>
    %convert_element_type3A_69 = arith.sitofp %convert_element_type3A_68 : vector<1536xi32> to vector<1536xf32>
    %reduce_sum3A_70 = vector.shape_cast %convert_element_type3A_69 : vector<1536xf32> to vector<1x1536xf32>
    %reduce_sum3A_71 = arith.constant dense<0.000000e+00> : vector<1xf32>
    %reduce_sum3A_72 = vector.multi_reduction <add>, %reduce_sum3A_70, %reduce_sum3A_71 [1] : vector<1x1536xf32> to vector<1xf32>
    %reduce_sum3A_73 = vector.shape_cast %reduce_sum3A_72 : vector<1xf32> to vector<1x1xf32>
    %reduce_sum3A_74 = vector.extract %reduce_sum3A_73[0, 0] : f32 from vector<1x1xf32>
    %add3A_75 = arith.addf %add3A_49, %reduce_sum3A_74 : f32
    %slice3A_76 = vector.extract_strided_slice %get3A_1 {offsets = [0, 96], sizes = [1536, 16], strides = [1, 1]} : vector<1536x128xf32> to vector<1536x16xf32>
    %reduce_sum3A_77 = arith.constant dense<0.000000e+00> : vector<1536xf32>
    %reduce_sum3A_78 = vector.multi_reduction <add>, %slice3A_76, %reduce_sum3A_77 [1] : vector<1536x16xf32> to vector<1536xf32>
    %slice3A_79 = vector.extract_strided_slice %get3A_1 {offsets = [0, 112], sizes = [1536, 16], strides = [1, 1]} : vector<1536x128xf32> to vector<1536x16xf32>
    %reduce_sum3A_80 = arith.constant dense<0.000000e+00> : vector<1536xf32>
    %reduce_sum3A_81 = vector.multi_reduction <add>, %slice3A_79, %reduce_sum3A_80 [1] : vector<1536x16xf32> to vector<1536xf32>
    %ne3A_82 = arith.constant 0.000000e+00 : f32
    %ne3A_83 = vector.broadcast %ne3A_82 : f32 to vector<1536xf32>
    %ne3A_84 = arith.cmpf one, %reduce_sum3A_78, %ne3A_83 : vector<1536xf32>
    %jit3A_85 = arith.constant 0.000000e+00 : f32
    %broadcast_in_dim3A_86 = vector.broadcast %jit3A_85 : f32 to vector<1536xf32>
    %select_n3A_87 = arith.select %ne3A_84, %reduce_sum3A_81, %broadcast_in_dim3A_86 : vector<1536xi1>, vector<1536xf32>
    %reduce_sum3A_88 = vector.shape_cast %select_n3A_87 : vector<1536xf32> to vector<1x1536xf32>
    %reduce_sum3A_89 = arith.constant dense<0.000000e+00> : vector<1xf32>
    %reduce_sum3A_90 = vector.multi_reduction <add>, %reduce_sum3A_88, %reduce_sum3A_89 [1] : vector<1x1536xf32> to vector<1xf32>
    %reduce_sum3A_91 = vector.shape_cast %reduce_sum3A_90 : vector<1xf32> to vector<1x1xf32>
    %reduce_sum3A_92 = vector.extract %reduce_sum3A_91[0, 0] : f32 from vector<1x1xf32>
    %add3A_93 = arith.addf %add3A_67, %reduce_sum3A_92 : f32
    %convert_element_type3A_94 = arith.extui %ne3A_84 : vector<1536xi1> to vector<1536xi32>
    %convert_element_type3A_95 = arith.sitofp %convert_element_type3A_94 : vector<1536xi32> to vector<1536xf32>
    %reduce_sum3A_96 = vector.shape_cast %convert_element_type3A_95 : vector<1536xf32> to vector<1x1536xf32>
    %reduce_sum3A_97 = arith.constant dense<0.000000e+00> : vector<1xf32>
    %reduce_sum3A_98 = vector.multi_reduction <add>, %reduce_sum3A_96, %reduce_sum3A_97 [1] : vector<1x1536xf32> to vector<1xf32>
    %reduce_sum3A_99 = vector.shape_cast %reduce_sum3A_98 : vector<1xf32> to vector<1x1xf32>
    %reduce_sum3A_100 = vector.extract %reduce_sum3A_99[0, 0] : f32 from vector<1x1xf32>
    %add3A_101 = arith.addf %add3A_75, %reduce_sum3A_100 : f32
    %div3A = arith.constant 1.000000e+00 : f32
    %div3A_102 = arith.constant 4.096000e+03 : f32
    %div3A_103 = arith.divf %div3A, %div3A_102 : f32
    %get3A_104 = arith.constant 2 : index
    %get3A_105 = memref.load %arg1[%get3A_104] : memref<4xf32, #tpu.memory_space<smem>>
    %mul3A = arith.mulf %get3A_105, %div3A_103 : f32
    %get3A_106 = arith.constant 3 : index
    %get3A_107 = memref.load %arg1[%get3A_106] : memref<4xf32, #tpu.memory_space<smem>>
    %mul3A_108 = arith.mulf %get3A_107, %div3A_103 : f32
    %mul3A_109 = arith.constant 1.024000e+03 : f32
    %mul3A_110 = arith.mulf %add3A_101, %mul3A_109 : f32
    %div3A_111 = arith.divf %add3A_93, %mul3A_110 : f32
    %add3A_112 = arith.constant 5.000000e-01 : f32
    %add3A_113 = arith.addf %div3A_111, %add3A_112 : f32
    %add3A_114 = arith.addf %mul3A_108, %mul3A : f32
    %mul3A_115 = arith.constant 5.000000e-01 : f32
    %mul3A_116 = arith.mulf %add3A_114, %mul3A_115 : f32
    %add3A_117 = arith.addf %mul3A_116, %add3A_113 : f32
    %swap3A = arith.constant 0 : index
    %swap3A_118 = memref.load %arg2[%swap3A] : memref<6xf32, #tpu.memory_space<smem>>
    memref.store %add3A_117, %arg2[%swap3A] : memref<6xf32, #tpu.memory_space<smem>>
    %swap3A_119 = arith.constant 0.000000e+00 : f32
    %swap3A_120 = arith.constant 1 : index
    %swap3A_121 = memref.load %arg2[%swap3A_120] : memref<6xf32, #tpu.memory_space<smem>>
    memref.store %swap3A_119, %arg2[%swap3A_120] : memref<6xf32, #tpu.memory_space<smem>>
    %swap3A_122 = arith.constant 0.000000e+00 : f32
    %swap3A_123 = arith.constant 2 : index
    %swap3A_124 = memref.load %arg2[%swap3A_123] : memref<6xf32, #tpu.memory_space<smem>>
    memref.store %swap3A_122, %arg2[%swap3A_123] : memref<6xf32, #tpu.memory_space<smem>>
    %swap3A_125 = arith.constant 3 : index
    %swap3A_126 = memref.load %arg2[%swap3A_125] : memref<6xf32, #tpu.memory_space<smem>>
    memref.store %mul3A, %arg2[%swap3A_125] : memref<6xf32, #tpu.memory_space<smem>>
    %swap3A_127 = arith.constant 4 : index
    %swap3A_128 = memref.load %arg2[%swap3A_127] : memref<6xf32, #tpu.memory_space<smem>>
    memref.store %mul3A_108, %arg2[%swap3A_127] : memref<6xf32, #tpu.memory_space<smem>>
    %swap3A_129 = arith.constant 5 : index
    %swap3A_130 = memref.load %arg2[%swap3A_129] : memref<6xf32, #tpu.memory_space<smem>>
    memref.store %add3A_113, %arg2[%swap3A_129] : memref<6xf32, #tpu.memory_space<smem>>
    return
  }
}

</mosaic_0001>

<sc_bundles>
// kernel: kernel.5.cloned.1.call-start
scs
__scs_entry_jumppad:
0x0: {  	(pc) =	sbr.rel $0x88, $3  }
0x1: {  	(tag) =	ssettag $0x0;
	lr =	simm.s32 $0x1  }
0x2: {  	[smem:$0x3F9C] =	sst lr;
	_ =	strace $0xD0000000  }
0x3: {  	_ = 	snop  }
0x4: {  	_ = 	snop  }
0x5: {  	_ = 	snop  }
0x6: {  	_ = 	snop  }
0x7: {  	_ = 	snop  }
__scs_overlays_trampoline_lowered:
0x8: {  	[smem:$0x3FAB] =	sst s0  }
0x9: {  	[smem:$0x3FAC] =	sst s1  }
0xa: {  	[smem:$0x3FAD] =	sst s2  }
0xb: {  	[smem:$0x3FAE] =	sst s3  }
0xc: {  	[smem:$0x3FAF] =	sst s4  }
0xd: {  	[smem:$0x3FB0] =	sst s5  }
0xe: {  	[smem:$0x3FB1] =	sst s6  }
0xf: {  	[smem:$0x3FB2] =	sst s7  }
0x10: {  	[smem:$0x3FB3] =	sst s8  }
0x11: {  	[smem:$0x3FB4] =	sst s9;
	s0 =	simm.s32 @!p0 $0x0  }
0x12: {  	s1 =	sld [smem:$0x3F9A];
	s0 =	simm.s32 @p0 $0x1  }
0x13: {  	[smem:$0x3FB5] =	sst s0;
	s0 =	simm.s32 @!p1 $0x0  }
0x14: {  	s2 =	sld [smem:$0x3F99];
	s0 =	simm.s32 @p1 $0x1  }
0x15: {  	[smem:$0x3FB6] =	sst s0;
	s0 =	simm.s32 @!p2 $0x0  }
0x16: {  	s3 =	sld [smem:$0x3FDB];
	s0 =	simm.s32 @p2 $0x1  }
0x17: {  	s4 =	simm.s32 $0x1BF5;
	[smem:$0x3FB8] =	sst s0  }
0x18: {  	s0 =	sld [smem:$0x3F9B];
	_ =	swait.ge [sflag:s4], $0x0  }
0x19: {  	s7 =	sld [smem:$0x3F9C]  }
0x1a: {  	s8 =	sadd.s32 $0xFFFFE003, lr  }
0x1b: {  	s9 =	sadd.s32 $0xFFFFFEF7, lr;
	s5 =	simm.s32 $0xFFFFFFFF;
	p2 =	slt.u32 s8, $0xFFFFF086  }
0x1c: {  	p1 =	slt.u32 s9, $0xF7A;
	s5 =	simm.s32 @!p2 $0x0  }
0x1d: {  	s5 =	simm.s32 @p1 $0x1;
	p0 =	seq.s32 s7, s2  }
0x1e: {  	s7 =	smul.u32 @!p0 $0xF7A, s2;
	p2 =	seq.s32 @!p0 s5, $0x0  }
0x1f: {  	s9 =	smul.u32 $0xF7A, s1;
	s8 =	simm.s32 @!p0 $0x1BF5;
	p2 =	por !p2, p0  }
0x20: {  	[sflag:s8] =	ssyncset.s32 @!p0 $0xFFFFF086;
	s6 =	sadd.s32 @!p0 s3, s7;
	s7 =	simm.s32 @!p0 $0x108  }
0x21: {  	s3 =	sadd.s32 s3, s9;
	s6 =	sadd.s32 @!p0 $0x88, s6;
	s7 =	simm.s32 @p2 $0x1082  }
0x22: {  	[simem:s7], [sflag:s8] =	dma.local @!p0 [hbm:s6], $0xF7A  }
0x23: {  	s9 =	sor.u32 $0xD0000000, s2;
	s6 =	simm.s32 $0x108;
	_ =	swait.ge @!p0 [sflag:s8], $0x0  }
0x24: {  	s3 =	sadd.s32 $0x88, s3;
	s6 =	simm.s32 @!p1 $0x1082;
	[sflag:s4] =	ssyncset.s32 $0xFFFFF086  }
0x25: {  	[simem:s6], [sflag:s4] =	dma.local [hbm:s3], $0xF7A  }
0x26: {  	[smem:$0x3F9C] =	sst s1;
	(tag) =	ssettag s2;
	_ =	strace s9  }
0x27: {  	s1 =	sld [smem:$0x3FAC]  }
0x28: {  	s2 =	sld [smem:$0x3FAD]  }
0x29: {  	s4 =	sld [smem:$0x3FAF]  }
0x2a: {  	p0 =	seq.s32 s5, $0x0;
	s5 =	sld [smem:$0x3FB0]  }
0x2b: {  	s6 =	sld [smem:$0x3FB1]  }
0x2c: {  	s7 =	sld [smem:$0x3FB2]  }
0x2d: {  	s3 =	simm.s32 $0x108;
	s8 =	sld [smem:$0x3FB3]  }
0x2e: {  	s3 =	simm.s32 @!p0 $0x1082;
	s9 =	sld [smem:$0x3FB4]  }
0x2f: {  	lr =	sadd.s32 s0, s3;
	s0 =	sld [smem:$0x3FAB]  }
0x30: {  	s3 =	sld [smem:$0x3FAE]  }
0x31: {  	[smem:$0x3FB7] =	sst s10  }
0x32: {  	s10 =	sld [smem:$0x3FB5];
	_ =	sdelay $0x3  }
0x33: {  	p0 =	seq.s32 s10, $0x1;
	s10 =	sld [smem:$0x3FB7];
	_ =	sdelay $0x3  }
0x34: {  	[smem:$0x3FB7] =	sst s10  }
0x35: {  	s10 =	sld [smem:$0x3FB6];
	_ =	sdelay $0x3  }
0x36: {  	p1 =	seq.s32 s10, $0x1;
	s10 =	sld [smem:$0x3FB7];
	_ =	sdelay $0x3  }
0x37: {  	[smem:$0x3FB7] =	sst s10  }
0x38: {  	s10 =	sld [smem:$0x3FB8]  }
0x39: {  	_ = 	snop;
	(pc) =	sbr.ind lr, $3  }
0x3a: {  	_ = 	snop  }
0x3b: {  	_ = 	snop  }
0x3c: {  	p2 =	seq.s32 s10, $0x1;
	s10 =	sld [smem:$0x3FB7]  }
0x3d: {  	_ =	shalt  }
0x3e: {  	_ =	shalt  }
0x3f: {  	_ =	shalt  }
0x40: {  	_ =	shalt  }
0x41: {  	_ =	shalt  }
0x42: {  	_ =	shalt  }
0x43: {  	_ =	shalt  }
0x44: {  	_ =	shalt  }
0x45: {  	_ =	shalt  }
0x46: {  	_ =	shalt  }
0x47: {  	_ =	shalt  }
0x48: {  	_ =	shalt  }
0x49: {  	_ =	shalt  }
0x4a: {  	_ =	shalt  }
0x4b: {  	_ =	shalt  }
0x4c: {  	_ =	shalt  }
0x4d: {  	_ =	shalt  }
0x4e: {  	_ =	shalt  }
0x4f: {  	_ =	shalt  }
0x50: {  	_ =	shalt  }
0x51: {  	_ =	shalt  }
0x52: {  	_ =	shalt  }
0x53: {  	_ =	shalt  }
0x54: {  	_ =	shalt  }
0x55: {  	_ =	shalt  }
0x56: {  	_ =	shalt  }
0x57: {  	_ =	shalt  }
0x58: {  	_ =	shalt  }
0x59: {  	_ =	shalt  }
0x5a: {  	_ =	shalt  }
0x5b: {  	_ =	shalt  }
0x5c: {  	_ =	shalt  }
0x5d: {  	_ =	shalt  }
0x5e: {  	_ =	shalt  }
0x5f: {  	_ =	shalt  }
0x60: {  	_ =	shalt  }
0x61: {  	_ =	shalt  }
0x62: {  	_ =	shalt  }
0x63: {  	_ =	shalt  }
0x64: {  	_ =	shalt  }
0x65: {  	_ =	shalt  }
0x66: {  	_ =	shalt  }
0x67: {  	_ =	shalt  }
0x68: {  	_ =	shalt  }
0x69: {  	_ =	shalt  }
0x6a: {  	_ =	shalt  }
0x6b: {  	_ =	shalt  }
0x6c: {  	_ =	shalt  }
0x6d: {  	_ =	shalt  }
0x6e: {  	_ =	shalt  }
0x6f: {  	_ =	shalt  }
0x70: {  	_ =	shalt  }
0x71: {  	_ =	shalt  }
0x72: {  	_ =	shalt  }
0x73: {  	_ =	shalt  }
0x74: {  	_ =	shalt  }
0x75: {  	_ =	shalt  }
0x76: {  	_ =	shalt  }
0x77: {  	_ =	shalt  }
0x78: {  	_ =	shalt  }
0x79: {  	_ =	shalt  }
0x7a: {  	_ =	shalt  }
0x7b: {  	_ =	shalt  }
0x7c: {  	_ =	shalt  }
0x7d: {  	_ =	shalt  }
0x7e: {  	_ =	shalt  }
0x7f: {  	_ =	shalt  }
0x80: {  	_ =	shalt  }
0x81: {  	_ =	shalt  }
0x82: {  	_ =	shalt  }
0x83: {  	_ =	shalt  }
0x84: {  	_ =	shalt  }
0x85: {  	_ =	shalt  }
0x86: {  	_ =	shalt  }
0x87: {  	_ =	shalt  }
.Lfunc_end0:
.L_simem_size_0:
called_computation_lowered:
.L_overlay_start_0:
0x88: {  	s2 =	sld [smem:$0x3FD9]  }
0x89: {  	s3 =	sld [smem:$0x3FFE];
	_ =	sdelay $0x1  }
0x8a: {  	s1 =	srdreg.scid  }
0x8b: {  	s0 =	sand.u32 $0x1, s1  }
0x8c: {  	s17 =	sshll.u32 s0, $0xA;
	s2 =	sadd.s32 s3, s2  }
0x8d: {  	s2 =	sadd.s32 s2, s17  }
0x8e: {  	[smem:$0x3FC3] =	sst s2  }
0x8f: {  	_ = 	snop  }
0x90: {  	s2 =	sld [smem:$0x3FC7]  }
0x91: {  	s18 =	sld [smem:$0x3FC5];
	(tm) =	ssettm $0x1  }
0x92: {  	s4 =	sld [smem:$0x3FFB];
	_ =	sdelay $0x3  }
0x93: {  	_ =	strace s4  }
0x94: {  	s4 =	sld [smem:$0x3FFC];
	_ =	sdelay $0x3  }
0x95: {  	_ =	strace s4  }
0x96: {  	s4 =	sld [smem:$0x3FFD];
	_ =	sdelay $0x3  }
0x97: {  	_ =	strace s4  }
0x98: {  	_ =	strace $0x8FFFFFFF  }
0x99: {  	s19 =	sld [smem:$0x3FDB];
	_ =	sdelay $0x1  }
0x9a: {  	s5 =	simm.s32 $_scs_section_size  }
0x9b: {  	s6 =	simm.s32 $_size__tile_overlayer_lowered;
	s7 =	simm.s32 $_tile_overlayer_lowered  }
0x9c: {  	s22 =	simm.s32 $0x1BFF;
	s21 =	sshll.u32 s7, $0x1;
	s4 =	sadd.s32 s5, s19  }
0x9d: {  	s8 =	simm.s32 $0x0;
	s20 =	sshll.u32 s6, $0x1;
	s6 =	sadd.s32 s21, s4  }
0x9e: {  	[timem:s8], [sflag:s22] =	dma.local [hbm:s6], s20  }
0x9f: {  	_ =	swait.ge [sflag:s22], s20  }
0xa0: {  	s5 =	ssub.s32 $0x0, s20;
	[sflag:s22] =	ssyncset.done $0x0  }
0xa1: {  	[sflag:s22] =	ssyncadd.s32 s5;
	_ =	sdelay $0x1  }
0xa2: {  	s23 =	simm.s32 $0x1B8B  }
0xa3: {  	_ =	swait.ge [sflag:s23], $0x1  }
0xa4: {  	[sflag:s23] =	ssyncset.done $0x0  }
0xa5: {  	s25 =	simm.s32 $0x1B8E;
	s24 =	sld [smem:$0x3FFE];
	[sflag:s23] =	ssyncadd.s32 $0xFFFFFFFF  }
0xa6: {  	s26 =	simm.s32 $execute0_lowered;
	[smem:$0x3FD2] =	sst s25  }
0xa7: {  	s6 =	sshll.u32 s26, $0x1;
	_ =	strace $0x80000046;
	[dreg:$0x1] =	wrdreg $0xFFFFFFFF  }
0xa8: {  	s28 =	simm.s32 $_size_execute0_lowered;
	s4 =	sadd.s32 s4, s6;
	[dreg:$0x0] =	wrdreg $0x0  }
0xa9: {  	s6 =	sshll.u32 s28, $0x1;
	[dreg:$0x2] =	wrdreg s4  }
0xaa: {  	[dreg:$0x3] =	wrdreg s6  }
0xab: {  	[dreg:$0x4] =	wrdreg $0xC0  }
0xac: {  	_ =	task [dreg:s8], $0x5FFFF  }
0xad: {  	[dreg:$0x1] =	wrdreg $0xFFFFFFFF  }
0xae: {  	[dreg:$0x0] =	wrdreg $0x60  }
0xaf: {  	[dreg:$0x2] =	wrdreg s18  }
0xb0: {  	[dreg:$0x3] =	wrdreg s2  }
0xb1: {  	[dreg:$0x4] =	wrdreg s24  }
0xb2: {  	[dreg:$0x5] =	wrdreg $0x9  }
0xb3: {  	_ =	task.clear_ibuf [dreg:s8], $0x6FFFF;
	_ =	strace $0x90000046  }
0xb4: {  	s29 =	simm.s32 $0x9;
	_ =	strace $0x80000048  }
0xb5: {  	_ =	swait.ge [sflag:s29], $0x1  }
0xb6: {  	[sflag:s29] =	ssyncadd.s32 $0xFFFFFFFF  }
0xb7: {  	_ =	strace $0x90000048  }
0xb8: {  	_ =	sfence  }
0xb9: {  	s30 =	sld [smem:$0x0];
	_ =	sdelay $0x2  }
0xba: {  	s31 =	sshll.u32 s1, $0xD;
	s1 =	sshrl.u32 s1, $0x2  }
0xbb: {  	s3 =	sand.u32 $0x4000, s31;
	s1 =	sadd.s32 s1, s30  }
0xbc: {  	s0 =	sor.u32 s3, s0;
	s1 =	sshll.u32 s1, $0x11  }
0xbd: {  	s0 =	sor.u32 s1, s0  }
0xbe: {  	s0 =	sadd.s32 $0x8F2B, s0  }
0xbf: {  	[sflag:s0] =	ssyncadd.remote.s32 $0x1  }
0xc0: {  	_ =	sfence.sel $0xFFFF  }
0xc1: {  	[dreg:$0x0] =	wrdreg $0xFFFFFFFF;
	(pc) =	sbr.abs _section_cstart, $3  }
0xc2: {  	[dreg:$0x1] =	wrdreg $0xFFFFFFFF  }
0xc3: {  	_ =	task.clear_ibuf [dreg:s8], $0x2FFFF;
	_ =	strace $0x9FFFFFFF  }
0xc4: {  	(tm) =	ssettm $0x7FFFFFFF  }
0xc5: {  	_ =	shalt  }
tec
execute0_lowered:
.L_overlay_start_1:
0x0: {  	(tag) =	ssettag $0x1  }
0x1: {  	s0 =	srdreg.scid;
	s1 =	stileid.u32  }
0x2: {  	s2 =	rddreg [dreg:$0x0];
	s0 =	sand.u32 $0x1, s0;
	s1 =	sshll.u32 s1, $0x1  }
0x3: {  	s4 =	rddreg [dreg:$0x1];
	s3 =	sor.u32 s0, s1  }
0x4: {  	s6 =	rddreg [dreg:$0x2];
	s30 =	simm.s32 $0x8000;
	s5 =	smul.u32 $0x30000, s3  }
0x5: {  	s1 =	simm.s32 $0x0;
	s0 =	ssub.s32 $0x2, s0;
	s3 =	smul.u32 $0x300, s3  }
0x6: {  	s31 =	simm.s32 $0x4000;
	[smem:$0x7FF] =	sst s1;
	s7 =	sshrl.u32 s0, $0x1  }
0x7: {  	s0 =	ssub.s32 s0, s7;
	s5 =	sshrl.u32 s5, $0x3;
	s3 =	sadd.s32 s3, s6  }
0x8: {  	s29 =	smax.u32 s0, $0x1;
	s0 =	simm.s32 $0x1;
	s10 =	sadd.s32 $0x140800, s5  }
0x9: {  	s8 =	sadd.s32 $0x140000, s5;
	s11 =	sadd.s32 $0x141000, s5;
	s15 =	sadd.s32 $0x141800, s5  }
0xa: {  	s16 =	sadd.s32 $0x142000, s5;
	s20 =	sadd.s32 $0x142800, s5;
	s7 =	sadd.s32 s2, s8  }
0xb: {  	s21 =	sadd.s32 $0x143000, s5;
	s9 =	sadd.s32 s4, s8;
	[dreg:$0x4] =	wrdreg s7  }
0xc: {  	s23 =	sadd.s32 $0x143800, s5;
	s12 =	sadd.s32 s2, s10;
	[dreg:$0x5] =	wrdreg s9  }
0xd: {  	s24 =	sadd.s32 $0x144000, s5;
	s6 =	sadd.s32 s4, s10;
	[dreg:$0x6] =	wrdreg s12  }
0xe: {  	s25 =	sadd.s32 $0x144800, s5;
	s13 =	sadd.s32 s2, s11;
	[dreg:$0x7] =	wrdreg s6  }
0xf: {  	s26 =	sadd.s32 $0x145000, s5;
	s14 =	sadd.s32 s4, s11;
	[dreg:$0x8] =	wrdreg s13  }
0x10: {  	s5 =	sadd.s32 $0x145800, s5;
	s17 =	sadd.s32 s2, s15;
	[dreg:$0x9] =	wrdreg s14  }
0x11: {  	s28 =	sadd.s32 $0xE00, s3;
	s18 =	sadd.s32 s2, s16;
	[dreg:$0xa] =	wrdreg s17  }
0x12: {  	s3 =	simm.s32 $0x2;
	s19 =	sadd.s32 s4, s16;
	[dreg:$0xc] =	wrdreg s18  }
0x13: {  	s22 =	sadd.s32 s2, s20;
	s16 =	sadd.s32 s2, s23;
	[dreg:$0xd] =	wrdreg s19  }
0x14: {  	s6 =	sadd.s32 s4, s15;
	[dreg:$0xe] =	wrdreg s22;
	s13 =	sadd.s32 s4, s20  }
0x15: {  	s14 =	sadd.s32 s2, s21;
	s15 =	sadd.s32 s4, s21;
	s17 =	sadd.s32 s4, s23  }
0x16: {  	s18 =	sadd.s32 s2, s24;
	s19 =	sadd.s32 s4, s24;
	s21 =	sadd.s32 s2, s25  }
0x17: {  	s22 =	sadd.s32 s4, s25;
	s23 =	sadd.s32 s2, s26;
	s24 =	sadd.s32 s4, s26  }
0x18: {  	s25 =	sadd.s32 s2, s5;
	s26 =	sadd.s32 s4, s5;
	s20 =	simm.s32 $0xC000  }
0x19: {  	s2 =	simm.s32 $0x3;
	s4 =	simm.s32 $0x4;
	[dreg:$0xb] =	wrdreg s6  }
0x1a: {  	s5 =	simm.s32 $0x5;
	s6 =	simm.s32 $0x0;
	_ =	strace $0x80000047  }
.LBB2_1:
0x1b: {  	s7 =	rddreg [dreg:$0x4]  }
0x1c: {  	[tilespmem:s1], [sflag:$0x1] =	stream.linear.gather [hbm4b:s7+s1], $0x4000, $0x38;
	[tilespmem:$0x11800] =	vst v63  }
0x1d: {  	s10 =	rddreg [dreg:$0x5]  }
0x1e: {  	[tilespmem:s30], [sflag:$0x3] =	stream.linear.gather [hbm4b:s10+s1], $0x4000, $0x38;
	[tilespmem:$0x11800] =	vst v63  }
0x1f: {  	s11 =	rddreg [dreg:$0x6]  }
0x20: {  	[tilespmem:s31], [sflag:$0x2] =	stream.linear.gather [hbm4b:s11+s1], $0x4000, $0x38;
	[tilespmem:$0x11800] =	vst v63  }
0x21: {  	s12 =	rddreg [dreg:$0x7]  }
0x22: {  	[tilespmem:s20], [sflag:$0x4] =	stream.linear.gather [hbm4b:s12+s1], $0x4000, $0x38;
	[tilespmem:$0x11800] =	vst v63  }
0x23: {  	_ =	swait.ge [sflag:s0], $0x4000  }
0x24: {  	[sflag:s0] =	ssyncset.done $0x0  }
0x25: {  	[sflag:s0] =	ssyncadd.s32 $0xFFFFC000  }
0x26: {  	_ =	swait.ge [sflag:s2], $0x4000  }
0x27: {  	s8 =	simm.s32 $0x0;
	[sflag:s2] =	ssyncset.done $0x0  }
0x28: {  	s9 =	simm.s32 $0x0;
	s7 =	simm.s32 $0x0;
	[sflag:s2] =	ssyncadd.s32 $0xFFFFC000  }
.LBB2_2:
0x29: {  	s10 =	sshll.u32 s8, $0x2;
	s11 =	sand.u32 $0x7, s7  }
0x2a: {  	s10 =	sand.u32 $0xFFFF8000, s10;
	s11 =	sshll.u32 s11, $0x9  }
0x2b: {  	s10 =	sor.u32 s11, s10  }
0x2c: {  	s10 =	sshrl.u32 s10, $0x2  }
0x2d: {  	s12 =	sor.u32 $0x40, s10  }
0x2e: {  	s10 =	sadd.s32 $0x8040, s10;
	v1 =	vld [tilespmem:s12+$0xFFFFFFC0]  }
0x2f: {  	v0 =	vld [tilespmem:s10+$0xFFFFFFC0]  }
0x30: {  	v2 =	vld [tilespmem:s12+$0xFFFFFFD0]  }
0x31: {  	v3 =	vld [tilespmem:s10+$0xFFFFFFD0]  }
0x32: {  	v4 =	vld [tilespmem:s12+$0xFFFFFFE0]  }
0x33: {  	v5 =	vld [tilespmem:s10+$0xFFFFFFE0]  }
0x34: {  	v6 =	vld [tilespmem:s12+$0xFFFFFFF0];
	v0 =	vsub.f32 v0, v1  }
0x35: {  	v8 =	vimm.f32 $0.0e+00;
	v7 =	vld [tilespmem:s10+$0xFFFFFFF0]  }
0x36: {  	v3 =	vsub.f32 v3, v2;
	v10 =	vadd.f32 v1, v8;
	v9 =	vand.u32 $0x7FFFFFFF, v0;
	v0 =	vld [tilespmem:s12+$0x0]  }
0x37: {  	v8 =	vadd.f32 v9, v8;
	v9 =	vld [tilespmem:s10+$0x0]  }
0x38: {  	v11 =	vsub.f32 v5, v4;
	v1 =	vld [tilespmem:s12+$0x10];
	v3 =	vand.u32 $0x7FFFFFFF, v3;
	v10 =	vadd.f32 v2, v10  }
0x39: {  	v5 =	vld [tilespmem:s10+$0x10];
	v3 =	vadd.f32 v3, v8  }
0x3a: {  	v7 =	vsub.f32 v7, v6;
	v2 =	vld [tilespmem:s12+$0x20];
	v10 =	vadd.f32 v4, v10;
	v8 =	vand.u32 $0x7FFFFFFF, v11  }
0x3b: {  	v4 =	vld [tilespmem:s10+$0x20];
	v8 =	vadd.f32 v8, v3  }
0x3c: {  	v11 =	vand.u32 $0x7FFFFFFF, v7;
	v7 =	vadd.f32 v6, v10;
	v6 =	vld [tilespmem:s10+$0x30];
	v9 =	vsub.f32 v9, v0  }
0x3d: {  	s11 =	simm.s32 $0x0;
	v3 =	vld [tilespmem:s12+$0x30];
	s12 =	sadd.s32 $0x400, s12;
	v8 =	vadd.f32 v11, v8  }
.LBB2_3:
0x3e: {  	v10 =	vld [tilespmem:s12+$0xFFFFFFC0];
	v9 =	vand.u32 $0x7FFFFFFF, v9;
	v5 =	vsub.f32 v5, v1;
	s10 =	sadd.s32 $0x400, s10  }
0x3f: {  	s11 =	sadd.s32 $0x8, s11;
	v11 =	vld [tilespmem:s10+$0xFFFFFFC0];
	v0 =	vadd.f32 v0, v7;
	v7 =	vadd.f32 v9, v8  }
0x40: {  	p0 =	slt.u32 s11, $0x38;
	v8 =	vld [tilespmem:s12+$0xFFFFFFD0];
	v5 =	vand.u32 $0x7FFFFFFF, v5;
	v4 =	vsub.f32 v4, v2  }
0x41: {  	v9 =	vld [tilespmem:s10+$0xFFFFFFD0];
	v0 =	vadd.f32 v1, v0;
	v1 =	vadd.f32 v5, v7  }
0x42: {  	v7 =	vld [tilespmem:s12+$0xFFFFFFE0];
	v4 =	vand.u32 $0x7FFFFFFF, v4;
	v5 =	vsub.f32 v6, v3  }
0x43: {  	v6 =	vld [tilespmem:s10+$0xFFFFFFE0];
	v0 =	vadd.f32 v2, v0;
	v1 =	vadd.f32 v4, v1  }
0x44: {  	v2 =	vsub.f32 v11, v10;
	v11 =	vld [tilespmem:s12+$0xFFFFFFF0];
	v4 =	vand.u32 $0x7FFFFFFF, v5  }
0x45: {  	v12 =	vld [tilespmem:s10+$0xFFFFFFF0];
	v3 =	vadd.f32 v3, v0;
	v1 =	vadd.f32 v4, v1  }
0x46: {  	v2 =	vand.u32 $0x7FFFFFFF, v2;
	v4 =	vsub.f32 v9, v8;
	v0 =	vld [tilespmem:s12+$0x0]  }
0x47: {  	v3 =	vadd.f32 v10, v3;
	v2 =	vadd.f32 v2, v1;
	v9 =	vld [tilespmem:s10+$0x0]  }
0x48: {  	v4 =	vand.u32 $0x7FFFFFFF, v4;
	v6 =	vsub.f32 v6, v7;
	v1 =	vld [tilespmem:s12+$0x10]  }
.Ltmp0:
0x49: {  	v3 =	vadd.f32 v8, v3;
	v4 =	vadd.f32 v4, v2;
	v5 =	vld [tilespmem:s10+$0x10];
	(pc) =	sbr.rel @p0 .LBB2_3-.Ltmp0, $4  }
0x4a: {  	v6 =	vand.u32 $0x7FFFFFFF, v6;
	v8 =	vsub.f32 v12, v11;
	v2 =	vld [tilespmem:s12+$0x20]  }
0x4b: {  	v7 =	vadd.f32 v7, v3;
	v6 =	vadd.f32 v6, v4;
	v4 =	vld [tilespmem:s10+$0x20]  }
0x4c: {  	v8 =	vand.u32 $0x7FFFFFFF, v8;
	v9 =	vsub.f32 v9, v0;
	v3 =	vld [tilespmem:s12+$0x30]  }
0x4d: {  	s12 =	sadd.s32 $0x400, s12;
	v7 =	vadd.f32 v11, v7;
	v8 =	vadd.f32 v8, v6;
	v6 =	vld [tilespmem:s10+$0x30]  }
0x4e: {  	_ = 	snop  }
0x4f: {  	v9 =	vand.u32 $0x7FFFFFFF, v9;
	v5 =	vsub.f32 v5, v1;
	v0 =	vadd.f32 v0, v7  }
0x50: {  	v60 =	vadd.f32 v9, v8  }
0x51: {  	v5 =	vand.u32 $0x7FFFFFFF, v5;
	v4 =	vsub.f32 v4, v2;
	v0 =	vadd.f32 v1, v0  }
0x52: {  	s10 =	sshll.u32 s9, $0x5;
	s9 =	sadd.s32 $0x1, s9;
	v61 =	vadd.f32 v5, v60  }
0x53: {  	p0 =	sne.s32 s9, $0x10;
	v4 =	vand.u32 $0x7FFFFFFF, v4;
	v62 =	vsub.f32 v6, v3;
	v0 =	vadd.f32 v2, v0  }
.Ltmp1:
0x54: {  	v1 =	vadd.f32 v4, v61;
	(pc) =	sbr.rel @p0 .LBB2_2-.Ltmp1, $4  }
0x55: {  	v63 =	vand.u32 $0x7FFFFFFF, v62;
	v0 =	vadd.f32 v3, v0  }
0x56: {  	s10 =	sand.u32 $0x1E0, s10;
	v1 =	vadd.f32 v63, v1  }
0x57: {  	[tilespmem:s10+$0x10000] =	vst v0  }
0x58: {  	s8 =	sadd.s32 $0x400, s8;
	s7 =	sadd.s32 $0x1, s7;
	[tilespmem:s10+$0x10010] =	vst v1  }
0x59: {  	s7 =	simm.s32 $0x0;
	s8 =	rddreg [dreg:$0x8]  }
0x5a: {  	[tilespmem:s7], [sflag:$0x1] =	stream.linear.gather [hbm4b:s8+s7], $0x4000, $0x38;
	[tilespmem:$0x11800] =	vst v63  }
0x5b: {  	s12 =	rddreg [dreg:$0x9]  }
0x5c: {  	[tilespmem:s30], [sflag:$0x3] =	stream.linear.gather [hbm4b:s12+s7], $0x4000, $0x38;
	[tilespmem:$0x11800] =	vst v63  }
0x5d: {  	_ =	swait.ge [sflag:s3], $0x4000  }
0x5e: {  	[sflag:s3] =	ssyncset.done $0x0  }
0x5f: {  	[sflag:s3] =	ssyncadd.s32 $0xFFFFC000  }
0x60: {  	_ =	swait.ge [sflag:s4], $0x4000  }
0x61: {  	[sflag:s4] =	ssyncset.done $0x0  }
0x62: {  	s9 =	simm.s32 $0x0;
	s8 =	simm.s32 $0x0;
	[sflag:s4] =	ssyncadd.s32 $0xFFFFC000  }
.LBB2_6:
0x63: {  	s10 =	sshll.u32 s8, $0x2;
	s11 =	sand.u32 $0x7, s7  }
0x64: {  	s10 =	sand.u32 $0xFFFF8000, s10;
	s11 =	sshll.u32 s11, $0x9  }
0x65: {  	s10 =	sor.u32 s11, s10  }
0x66: {  	s10 =	sshrl.u32 s10, $0x2  }
0x67: {  	s12 =	sadd.s32 $0x4040, s10  }
0x68: {  	s10 =	sadd.s32 $0xC040, s10;
	v1 =	vld [tilespmem:s12+$0xFFFFFFC0]  }
0x69: {  	v0 =	vld [tilespmem:s10+$0xFFFFFFC0]  }
0x6a: {  	v2 =	vld [tilespmem:s12+$0xFFFFFFD0]  }
0x6b: {  	v3 =	vld [tilespmem:s10+$0xFFFFFFD0]  }
0x6c: {  	v4 =	vld [tilespmem:s12+$0xFFFFFFE0]  }
0x6d: {  	v5 =	vld [tilespmem:s10+$0xFFFFFFE0]  }
0x6e: {  	v6 =	vld [tilespmem:s12+$0xFFFFFFF0];
	v0 =	vsub.f32 v0, v1  }
0x6f: {  	v8 =	vimm.f32 $0.0e+00;
	v7 =	vld [tilespmem:s10+$0xFFFFFFF0]  }
0x70: {  	v3 =	vsub.f32 v3, v2;
	v10 =	vadd.f32 v1, v8;
	v9 =	vand.u32 $0x7FFFFFFF, v0;
	v0 =	vld [tilespmem:s12+$0x0]  }
0x71: {  	v8 =	vadd.f32 v9, v8;
	v9 =	vld [tilespmem:s10+$0x0]  }
0x72: {  	v11 =	vsub.f32 v5, v4;
	v1 =	vld [tilespmem:s12+$0x10];
	v3 =	vand.u32 $0x7FFFFFFF, v3;
	v10 =	vadd.f32 v2, v10  }
0x73: {  	v5 =	vld [tilespmem:s10+$0x10];
	v3 =	vadd.f32 v3, v8  }
0x74: {  	v7 =	vsub.f32 v7, v6;
	v2 =	vld [tilespmem:s12+$0x20];
	v10 =	vadd.f32 v4, v10;
	v8 =	vand.u32 $0x7FFFFFFF, v11  }
0x75: {  	v4 =	vld [tilespmem:s10+$0x20];
	v8 =	vadd.f32 v8, v3  }
0x76: {  	v11 =	vand.u32 $0x7FFFFFFF, v7;
	v7 =	vadd.f32 v6, v10;
	v6 =	vld [tilespmem:s10+$0x30];
	v9 =	vsub.f32 v9, v0  }
0x77: {  	s11 =	simm.s32 $0x0;
	v3 =	vld [tilespmem:s12+$0x30];
	s12 =	sadd.s32 $0x400, s12;
	v8 =	vadd.f32 v11, v8  }
.LBB2_7:
0x78: {  	v10 =	vld [tilespmem:s12+$0xFFFFFFC0];
	v9 =	vand.u32 $0x7FFFFFFF, v9;
	v5 =	vsub.f32 v5, v1;
	s10 =	sadd.s32 $0x400, s10  }
0x79: {  	s11 =	sadd.s32 $0x8, s11;
	v11 =	vld [tilespmem:s10+$0xFFFFFFC0];
	v0 =	vadd.f32 v0, v7;
	v7 =	vadd.f32 v9, v8  }
0x7a: {  	p0 =	slt.u32 s11, $0x38;
	v8 =	vld [tilespmem:s12+$0xFFFFFFD0];
	v5 =	vand.u32 $0x7FFFFFFF, v5;
	v4 =	vsub.f32 v4, v2  }
0x7b: {  	v9 =	vld [tilespmem:s10+$0xFFFFFFD0];
	v0 =	vadd.f32 v1, v0;
	v1 =	vadd.f32 v5, v7  }
0x7c: {  	v7 =	vld [tilespmem:s12+$0xFFFFFFE0];
	v4 =	vand.u32 $0x7FFFFFFF, v4;
	v5 =	vsub.f32 v6, v3  }
0x7d: {  	v6 =	vld [tilespmem:s10+$0xFFFFFFE0];
	v0 =	vadd.f32 v2, v0;
	v1 =	vadd.f32 v4, v1  }
0x7e: {  	v2 =	vsub.f32 v11, v10;
	v11 =	vld [tilespmem:s12+$0xFFFFFFF0];
	v4 =	vand.u32 $0x7FFFFFFF, v5  }
0x7f: {  	v12 =	vld [tilespmem:s10+$0xFFFFFFF0];
	v3 =	vadd.f32 v3, v0;
	v1 =	vadd.f32 v4, v1  }
0x80: {  	v2 =	vand.u32 $0x7FFFFFFF, v2;
	v4 =	vsub.f32 v9, v8;
	v0 =	vld [tilespmem:s12+$0x0]  }
0x81: {  	v3 =	vadd.f32 v10, v3;
	v2 =	vadd.f32 v2, v1;
	v9 =	vld [tilespmem:s10+$0x0]  }
0x82: {  	v4 =	vand.u32 $0x7FFFFFFF, v4;
	v6 =	vsub.f32 v6, v7;
	v1 =	vld [tilespmem:s12+$0x10]  }
.Ltmp2:
0x83: {  	v3 =	vadd.f32 v8, v3;
	v4 =	vadd.f32 v4, v2;
	v5 =	vld [tilespmem:s10+$0x10];
	(pc) =	sbr.rel @p0 .LBB2_7-.Ltmp2, $4  }
0x84: {  	v6 =	vand.u32 $0x7FFFFFFF, v6;
	v8 =	vsub.f32 v12, v11;
	v2 =	vld [tilespmem:s12+$0x20]  }
0x85: {  	v7 =	vadd.f32 v7, v3;
	v6 =	vadd.f32 v6, v4;
	v4 =	vld [tilespmem:s10+$0x20]  }
0x86: {  	v8 =	vand.u32 $0x7FFFFFFF, v8;
	v9 =	vsub.f32 v9, v0;
	v3 =	vld [tilespmem:s12+$0x30]  }
0x87: {  	s12 =	sadd.s32 $0x400, s12;
	v7 =	vadd.f32 v11, v7;
	v8 =	vadd.f32 v8, v6;
	v6 =	vld [tilespmem:s10+$0x30]  }
0x88: {  	_ = 	snop  }
0x89: {  	v9 =	vand.u32 $0x7FFFFFFF, v9;
	v5 =	vsub.f32 v5, v1;
	v0 =	vadd.f32 v0, v7  }
0x8a: {  	v60 =	vadd.f32 v9, v8  }
0x8b: {  	v5 =	vand.u32 $0x7FFFFFFF, v5;
	v4 =	vsub.f32 v4, v2;
	v0 =	vadd.f32 v1, v0  }
0x8c: {  	s10 =	sshll.u32 s9, $0x5;
	s9 =	sadd.s32 $0x1, s9;
	v61 =	vadd.f32 v5, v60  }
0x8d: {  	p0 =	sne.s32 s9, $0x10;
	v4 =	vand.u32 $0x7FFFFFFF, v4;
	v62 =	vsub.f32 v6, v3;
	v0 =	vadd.f32 v2, v0  }
.Ltmp3:
0x8e: {  	v1 =	vadd.f32 v4, v61;
	(pc) =	sbr.rel @p0 .LBB2_6-.Ltmp3, $4  }
0x8f: {  	v63 =	vand.u32 $0x7FFFFFFF, v62;
	v0 =	vadd.f32 v3, v0  }
0x90: {  	s10 =	sand.u32 $0x1E0, s10;
	v1 =	vadd.f32 v63, v1  }
0x91: {  	[tilespmem:s10+$0x10200] =	vst v0  }
0x92: {  	s8 =	sadd.s32 $0x400, s8;
	s7 =	sadd.s32 $0x1, s7;
	[tilespmem:s10+$0x10210] =	vst v1  }
0x93: {  	s7 =	simm.s32 $0x0;
	s8 =	rddreg [dreg:$0xa]  }
0x94: {  	[tilespmem:s31], [sflag:$0x2] =	stream.linear.gather [hbm4b:s8+s7], $0x4000, $0x38;
	[tilespmem:$0x11800] =	vst v63  }
0x95: {  	s12 =	rddreg [dreg:$0xb]  }
0x96: {  	[tilespmem:s20], [sflag:$0x4] =	stream.linear.gather [hbm4b:s12+s7], $0x4000, $0x38;
	[tilespmem:$0x11800] =	vst v63  }
0x97: {  	_ =	swait.ge [sflag:s0], $0x4000  }
0x98: {  	[sflag:s0] =	ssyncset.done $0x0  }
0x99: {  	[sflag:s0] =	ssyncadd.s32 $0xFFFFC000  }
0x9a: {  	_ =	swait.ge [sflag:s2], $0x4000  }
0x9b: {  	[sflag:s2] =	ssyncset.done $0x0  }
0x9c: {  	s9 =	simm.s32 $0x0;
	s8 =	simm.s32 $0x0;
	[sflag:s2] =	ssyncadd.s32 $0xFFFFC000  }
.LBB2_10:
0x9d: {  	s10 =	sshll.u32 s8, $0x2;
	s11 =	sand.u32 $0x7, s7  }
0x9e: {  	s10 =	sand.u32 $0xFFFF8000, s10;
	s11 =	sshll.u32 s11, $0x9  }
0x9f: {  	s10 =	sor.u32 s11, s10  }
0xa0: {  	s10 =	sshrl.u32 s10, $0x2  }
0xa1: {  	s12 =	sor.u32 $0x40, s10  }
0xa2: {  	s10 =	sadd.s32 $0x8040, s10;
	v1 =	vld [tilespmem:s12+$0xFFFFFFC0]  }
0xa3: {  	v0 =	vld [tilespmem:s10+$0xFFFFFFC0]  }
0xa4: {  	v2 =	vld [tilespmem:s12+$0xFFFFFFD0]  }
0xa5: {  	v3 =	vld [tilespmem:s10+$0xFFFFFFD0]  }
0xa6: {  	v4 =	vld [tilespmem:s12+$0xFFFFFFE0]  }
0xa7: {  	v5 =	vld [tilespmem:s10+$0xFFFFFFE0]  }
0xa8: {  	v6 =	vld [tilespmem:s12+$0xFFFFFFF0];
	v0 =	vsub.f32 v0, v1  }
0xa9: {  	v8 =	vimm.f32 $0.0e+00;
	v7 =	vld [tilespmem:s10+$0xFFFFFFF0]  }
0xaa: {  	v3 =	vsub.f32 v3, v2;
	v10 =	vadd.f32 v1, v8;
	v9 =	vand.u32 $0x7FFFFFFF, v0;
	v0 =	vld [tilespmem:s12+$0x0]  }
0xab: {  	v8 =	vadd.f32 v9, v8;
	v9 =	vld [tilespmem:s10+$0x0]  }
0xac: {  	v11 =	vsub.f32 v5, v4;
	v1 =	vld [tilespmem:s12+$0x10];
	v3 =	vand.u32 $0x7FFFFFFF, v3;
	v10 =	vadd.f32 v2, v10  }
0xad: {  	v5 =	vld [tilespmem:s10+$0x10];
	v3 =	vadd.f32 v3, v8  }
0xae: {  	v7 =	vsub.f32 v7, v6;
	v2 =	vld [tilespmem:s12+$0x20];
	v10 =	vadd.f32 v4, v10;
	v8 =	vand.u32 $0x7FFFFFFF, v11  }
0xaf: {  	v4 =	vld [tilespmem:s10+$0x20];
	v8 =	vadd.f32 v8, v3  }
0xb0: {  	v11 =	vand.u32 $0x7FFFFFFF, v7;
	v7 =	vadd.f32 v6, v10;
	v6 =	vld [tilespmem:s10+$0x30];
	v9 =	vsub.f32 v9, v0  }
0xb1: {  	s11 =	simm.s32 $0x0;
	v3 =	vld [tilespmem:s12+$0x30];
	s12 =	sadd.s32 $0x400, s12;
	v8 =	vadd.f32 v11, v8  }
.LBB2_11:
0xb2: {  	v10 =	vld [tilespmem:s12+$0xFFFFFFC0];
	v9 =	vand.u32 $0x7FFFFFFF, v9;
	v5 =	vsub.f32 v5, v1;
	s10 =	sadd.s32 $0x400, s10  }
0xb3: {  	s11 =	sadd.s32 $0x8, s11;
	v11 =	vld [tilespmem:s10+$0xFFFFFFC0];
	v0 =	vadd.f32 v0, v7;
	v7 =	vadd.f32 v9, v8  }
0xb4: {  	p0 =	slt.u32 s11, $0x38;
	v8 =	vld [tilespmem:s12+$0xFFFFFFD0];
	v5 =	vand.u32 $0x7FFFFFFF, v5;
	v4 =	vsub.f32 v4, v2  }
0xb5: {  	v9 =	vld [tilespmem:s10+$0xFFFFFFD0];
	v0 =	vadd.f32 v1, v0;
	v1 =	vadd.f32 v5, v7  }
0xb6: {  	v7 =	vld [tilespmem:s12+$0xFFFFFFE0];
	v4 =	vand.u32 $0x7FFFFFFF, v4;
	v5 =	vsub.f32 v6, v3  }
0xb7: {  	v6 =	vld [tilespmem:s10+$0xFFFFFFE0];
	v0 =	vadd.f32 v2, v0;
	v1 =	vadd.f32 v4, v1  }
0xb8: {  	v2 =	vsub.f32 v11, v10;
	v11 =	vld [tilespmem:s12+$0xFFFFFFF0];
	v4 =	vand.u32 $0x7FFFFFFF, v5  }
0xb9: {  	v12 =	vld [tilespmem:s10+$0xFFFFFFF0];
	v3 =	vadd.f32 v3, v0;
	v1 =	vadd.f32 v4, v1  }
0xba: {  	v2 =	vand.u32 $0x7FFFFFFF, v2;
	v4 =	vsub.f32 v9, v8;
	v0 =	vld [tilespmem:s12+$0x0]  }
0xbb: {  	v3 =	vadd.f32 v10, v3;
	v2 =	vadd.f32 v2, v1;
	v9 =	vld [tilespmem:s10+$0x0]  }
0xbc: {  	v4 =	vand.u32 $0x7FFFFFFF, v4;
	v6 =	vsub.f32 v6, v7;
	v1 =	vld [tilespmem:s12+$0x10]  }
.Ltmp4:
0xbd: {  	v3 =	vadd.f32 v8, v3;
	v4 =	vadd.f32 v4, v2;
	v5 =	vld [tilespmem:s10+$0x10];
	(pc) =	sbr.rel @p0 .LBB2_11-.Ltmp4, $4  }
0xbe: {  	v6 =	vand.u32 $0x7FFFFFFF, v6;
	v8 =	vsub.f32 v12, v11;
	v2 =	vld [tilespmem:s12+$0x20]  }
0xbf: {  	v7 =	vadd.f32 v7, v3;
	v6 =	vadd.f32 v6, v4;
	v4 =	vld [tilespmem:s10+$0x20]  }
0xc0: {  	v8 =	vand.u32 $0x7FFFFFFF, v8;
	v9 =	vsub.f32 v9, v0;
	v3 =	vld [tilespmem:s12+$0x30]  }
0xc1: {  	s12 =	sadd.s32 $0x400, s12;
	v7 =	vadd.f32 v11, v7;
	v8 =	vadd.f32 v8, v6;
	v6 =	vld [tilespmem:s10+$0x30]  }
0xc2: {  	_ = 	snop  }
0xc3: {  	v9 =	vand.u32 $0x7FFFFFFF, v9;
	v5 =	vsub.f32 v5, v1;
	v0 =	vadd.f32 v0, v7  }
0xc4: {  	v60 =	vadd.f32 v9, v8  }
0xc5: {  	v5 =	vand.u32 $0x7FFFFFFF, v5;
	v4 =	vsub.f32 v4, v2;
	v0 =	vadd.f32 v1, v0  }
0xc6: {  	s10 =	sshll.u32 s9, $0x5;
	s9 =	sadd.s32 $0x1, s9;
	v61 =	vadd.f32 v5, v60  }
0xc7: {  	p0 =	sne.s32 s9, $0x10;
	v4 =	vand.u32 $0x7FFFFFFF, v4;
	v62 =	vsub.f32 v6, v3;
	v0 =	vadd.f32 v2, v0  }
.Ltmp5:
0xc8: {  	v1 =	vadd.f32 v4, v61;
	(pc) =	sbr.rel @p0 .LBB2_10-.Ltmp5, $4  }
0xc9: {  	v63 =	vand.u32 $0x7FFFFFFF, v62;
	v0 =	vadd.f32 v3, v0  }
0xca: {  	s10 =	sand.u32 $0x1E0, s10;
	v1 =	vadd.f32 v63, v1  }
0xcb: {  	[tilespmem:s10+$0x10400] =	vst v0  }
0xcc: {  	s8 =	sadd.s32 $0x400, s8;
	s7 =	sadd.s32 $0x1, s7;
	[tilespmem:s10+$0x10410] =	vst v1  }
0xcd: {  	s7 =	simm.s32 $0x0;
	s8 =	rddreg [dreg:$0xc]  }
0xce: {  	[tilespmem:s7], [sflag:$0x1] =	stream.linear.gather [hbm4b:s8+s7], $0x4000, $0x38;
	[tilespmem:$0x11800] =	vst v63  }
0xcf: {  	s12 =	rddreg [dreg:$0xd]  }
0xd0: {  	[tilespmem:s30], [sflag:$0x3] =	stream.linear.gather [hbm4b:s12+s7], $0x4000, $0x38;
	[tilespmem:$0x11800] =	vst v63  }
0xd1: {  	_ =	swait.ge [sflag:s3], $0x4000  }
0xd2: {  	[sflag:s3] =	ssyncset.done $0x0  }
0xd3: {  	[sflag:s3] =	ssyncadd.s32 $0xFFFFC000  }
0xd4: {  	_ =	swait.ge [sflag:s4], $0x4000  }
0xd5: {  	[sflag:s4] =	ssyncset.done $0x0  }
0xd6: {  	s9 =	simm.s32 $0x0;
	s8 =	simm.s32 $0x0;
	[sflag:s4] =	ssyncadd.s32 $0xFFFFC000  }
.LBB2_14:
0xd7: {  	s10 =	sshll.u32 s8, $0x2;
	s11 =	sand.u32 $0x7, s7  }
0xd8: {  	s10 =	sand.u32 $0xFFFF8000, s10;
	s11 =	sshll.u32 s11, $0x9  }
0xd9: {  	s10 =	sor.u32 s11, s10  }
0xda: {  	s10 =	sshrl.u32 s10, $0x2  }
0xdb: {  	s12 =	sadd.s32 $0x4040, s10  }
0xdc: {  	s10 =	sadd.s32 $0xC040, s10;
	v1 =	vld [tilespmem:s12+$0xFFFFFFC0]  }
0xdd: {  	v0 =	vld [tilespmem:s10+$0xFFFFFFC0]  }
0xde: {  	v2 =	vld [tilespmem:s12+$0xFFFFFFD0]  }
0xdf: {  	v3 =	vld [tilespmem:s10+$0xFFFFFFD0]  }
0xe0: {  	v4 =	vld [tilespmem:s12+$0xFFFFFFE0]  }
0xe1: {  	v5 =	vld [tilespmem:s10+$0xFFFFFFE0]  }
0xe2: {  	v6 =	vld [tilespmem:s12+$0xFFFFFFF0];
	v0 =	vsub.f32 v0, v1  }
0xe3: {  	v8 =	vimm.f32 $0.0e+00;
	v7 =	vld [tilespmem:s10+$0xFFFFFFF0]  }
0xe4: {  	v3 =	vsub.f32 v3, v2;
	v10 =	vadd.f32 v1, v8;
	v9 =	vand.u32 $0x7FFFFFFF, v0;
	v0 =	vld [tilespmem:s12+$0x0]  }
0xe5: {  	v8 =	vadd.f32 v9, v8;
	v9 =	vld [tilespmem:s10+$0x0]  }
0xe6: {  	v11 =	vsub.f32 v5, v4;
	v1 =	vld [tilespmem:s12+$0x10];
	v3 =	vand.u32 $0x7FFFFFFF, v3;
	v10 =	vadd.f32 v2, v10  }
0xe7: {  	v5 =	vld [tilespmem:s10+$0x10];
	v3 =	vadd.f32 v3, v8  }
0xe8: {  	v7 =	vsub.f32 v7, v6;
	v2 =	vld [tilespmem:s12+$0x20];
	v10 =	vadd.f32 v4, v10;
	v8 =	vand.u32 $0x7FFFFFFF, v11  }
0xe9: {  	v4 =	vld [tilespmem:s10+$0x20];
	v8 =	vadd.f32 v8, v3  }
0xea: {  	v11 =	vand.u32 $0x7FFFFFFF, v7;
	v7 =	vadd.f32 v6, v10;
	v6 =	vld [tilespmem:s10+$0x30];
	v9 =	vsub.f32 v9, v0  }
0xeb: {  	s11 =	simm.s32 $0x0;
	v3 =	vld [tilespmem:s12+$0x30];
	s12 =	sadd.s32 $0x400, s12;
	v8 =	vadd.f32 v11, v8  }
.LBB2_15:
0xec: {  	v10 =	vld [tilespmem:s12+$0xFFFFFFC0];
	v9 =	vand.u32 $0x7FFFFFFF, v9;
	v5 =	vsub.f32 v5, v1;
	s10 =	sadd.s32 $0x400, s10  }
0xed: {  	s11 =	sadd.s32 $0x8, s11;
	v11 =	vld [tilespmem:s10+$0xFFFFFFC0];
	v0 =	vadd.f32 v0, v7;
	v7 =	vadd.f32 v9, v8  }
0xee: {  	p0 =	slt.u32 s11, $0x38;
	v8 =	vld [tilespmem:s12+$0xFFFFFFD0];
	v5 =	vand.u32 $0x7FFFFFFF, v5;
	v4 =	vsub.f32 v4, v2  }
0xef: {  	v9 =	vld [tilespmem:s10+$0xFFFFFFD0];
	v0 =	vadd.f32 v1, v0;
	v1 =	vadd.f32 v5, v7  }
0xf0: {  	v7 =	vld [tilespmem:s12+$0xFFFFFFE0];
	v4 =	vand.u32 $0x7FFFFFFF, v4;
	v5 =	vsub.f32 v6, v3  }
0xf1: {  	v6 =	vld [tilespmem:s10+$0xFFFFFFE0];
	v0 =	vadd.f32 v2, v0;
	v1 =	vadd.f32 v4, v1  }
0xf2: {  	v2 =	vsub.f32 v11, v10;
	v11 =	vld [tilespmem:s12+$0xFFFFFFF0];
	v4 =	vand.u32 $0x7FFFFFFF, v5  }
0xf3: {  	v12 =	vld [tilespmem:s10+$0xFFFFFFF0];
	v3 =	vadd.f32 v3, v0;
	v1 =	vadd.f32 v4, v1  }
0xf4: {  	v2 =	vand.u32 $0x7FFFFFFF, v2;
	v4 =	vsub.f32 v9, v8;
	v0 =	vld [tilespmem:s12+$0x0]  }
0xf5: {  	v3 =	vadd.f32 v10, v3;
	v2 =	vadd.f32 v2, v1;
	v9 =	vld [tilespmem:s10+$0x0]  }
0xf6: {  	v4 =	vand.u32 $0x7FFFFFFF, v4;
	v6 =	vsub.f32 v6, v7;
	v1 =	vld [tilespmem:s12+$0x10]  }
.Ltmp6:
0xf7: {  	v3 =	vadd.f32 v8, v3;
	v4 =	vadd.f32 v4, v2;
	v5 =	vld [tilespmem:s10+$0x10];
	(pc) =	sbr.rel @p0 .LBB2_15-.Ltmp6, $4  }
0xf8: {  	v6 =	vand.u32 $0x7FFFFFFF, v6;
	v8 =	vsub.f32 v12, v11;
	v2 =	vld [tilespmem:s12+$0x20]  }
0xf9: {  	v7 =	vadd.f32 v7, v3;
	v6 =	vadd.f32 v6, v4;
	v4 =	vld [tilespmem:s10+$0x20]  }
0xfa: {  	v8 =	vand.u32 $0x7FFFFFFF, v8;
	v9 =	vsub.f32 v9, v0;
	v3 =	vld [tilespmem:s12+$0x30]  }
0xfb: {  	s12 =	sadd.s32 $0x400, s12;
	v7 =	vadd.f32 v11, v7;
	v8 =	vadd.f32 v8, v6;
	v6 =	vld [tilespmem:s10+$0x30]  }
0xfc: {  	_ = 	snop  }
0xfd: {  	v9 =	vand.u32 $0x7FFFFFFF, v9;
	v5 =	vsub.f32 v5, v1;
	v0 =	vadd.f32 v0, v7  }
0xfe: {  	v60 =	vadd.f32 v9, v8  }
0xff: {  	v5 =	vand.u32 $0x7FFFFFFF, v5;
	v4 =	vsub.f32 v4, v2;
	v0 =	vadd.f32 v1, v0  }
0x100: {  	s10 =	sshll.u32 s9, $0x5;
	s9 =	sadd.s32 $0x1, s9;
	v61 =	vadd.f32 v5, v60  }
0x101: {  	p0 =	sne.s32 s9, $0x10;
	v4 =	vand.u32 $0x7FFFFFFF, v4;
	v62 =	vsub.f32 v6, v3;
	v0 =	vadd.f32 v2, v0  }
.Ltmp7:
0x102: {  	v1 =	vadd.f32 v4, v61;
	(pc) =	sbr.rel @p0 .LBB2_14-.Ltmp7, $4  }
0x103: {  	v63 =	vand.u32 $0x7FFFFFFF, v62;
	v0 =	vadd.f32 v3, v0  }
0x104: {  	s10 =	sand.u32 $0x1E0, s10;
	v1 =	vadd.f32 v63, v1  }
0x105: {  	[tilespmem:s10+$0x10600] =	vst v0  }
0x106: {  	s8 =	sadd.s32 $0x400, s8;
	s7 =	sadd.s32 $0x1, s7;
	[tilespmem:s10+$0x10610] =	vst v1  }
0x107: {  	s7 =	simm.s32 $0x0;
	s8 =	rddreg [dreg:$0xe]  }
0x108: {  	[tilespmem:s31], [sflag:$0x2] =	stream.linear.gather [hbm4b:s8+s7], $0x4000, $0x38;
	[tilespmem:$0x11800] =	vst v63  }
0x109: {  	_ = 	snop  }
0x10a: {  	[tilespmem:s20], [sflag:$0x4] =	stream.linear.gather [hbm4b:s13+s7], $0x4000, $0x38;
	[tilespmem:$0x11800] =	vst v63  }
0x10b: {  	_ =	swait.ge [sflag:s0], $0x4000  }
0x10c: {  	[sflag:s0] =	ssyncset.done $0x0  }
0x10d: {  	[sflag:s0] =	ssyncadd.s32 $0xFFFFC000  }
0x10e: {  	_ =	swait.ge [sflag:s2], $0x4000  }
0x10f: {  	[sflag:s2] =	ssyncset.done $0x0  }
0x110: {  	s9 =	simm.s32 $0x0;
	s8 =	simm.s32 $0x0;
	[sflag:s2] =	ssyncadd.s32 $0xFFFFC000  }
.LBB2_18:
0x111: {  	s10 =	sshll.u32 s8, $0x2;
	s11 =	sand.u32 $0x7, s7  }
0x112: {  	s10 =	sand.u32 $0xFFFF8000, s10;
	s11 =	sshll.u32 s11, $0x9  }
0x113: {  	s10 =	sor.u32 s11, s10  }
0x114: {  	s10 =	sshrl.u32 s10, $0x2  }
0x115: {  	s12 =	sor.u32 $0x40, s10  }
0x116: {  	s10 =	sadd.s32 $0x8040, s10;
	v1 =	vld [tilespmem:s12+$0xFFFFFFC0]  }
0x117: {  	v0 =	vld [tilespmem:s10+$0xFFFFFFC0]  }
0x118: {  	v2 =	vld [tilespmem:s12+$0xFFFFFFD0]  }
0x119: {  	v3 =	vld [tilespmem:s10+$0xFFFFFFD0]  }
0x11a: {  	v4 =	vld [tilespmem:s12+$0xFFFFFFE0]  }
0x11b: {  	v5 =	vld [tilespmem:s10+$0xFFFFFFE0]  }
0x11c: {  	v6 =	vld [tilespmem:s12+$0xFFFFFFF0];
	v0 =	vsub.f32 v0, v1  }
0x11d: {  	v8 =	vimm.f32 $0.0e+00;
	v7 =	vld [tilespmem:s10+$0xFFFFFFF0]  }
0x11e: {  	v3 =	vsub.f32 v3, v2;
	v10 =	vadd.f32 v1, v8;
	v9 =	vand.u32 $0x7FFFFFFF, v0;
	v0 =	vld [tilespmem:s12+$0x0]  }
0x11f: {  	v8 =	vadd.f32 v9, v8;
	v9 =	vld [tilespmem:s10+$0x0]  }
0x120: {  	v11 =	vsub.f32 v5, v4;
	v1 =	vld [tilespmem:s12+$0x10];
	v3 =	vand.u32 $0x7FFFFFFF, v3;
	v10 =	vadd.f32 v2, v10  }
0x121: {  	v5 =	vld [tilespmem:s10+$0x10];
	v3 =	vadd.f32 v3, v8  }
0x122: {  	v7 =	vsub.f32 v7, v6;
	v2 =	vld [tilespmem:s12+$0x20];
	v10 =	vadd.f32 v4, v10;
	v8 =	vand.u32 $0x7FFFFFFF, v11  }
0x123: {  	v4 =	vld [tilespmem:s10+$0x20];
	v8 =	vadd.f32 v8, v3  }
0x124: {  	v11 =	vand.u32 $0x7FFFFFFF, v7;
	v7 =	vadd.f32 v6, v10;
	v6 =	vld [tilespmem:s10+$0x30];
	v9 =	vsub.f32 v9, v0  }
0x125: {  	s11 =	simm.s32 $0x0;
	v3 =	vld [tilespmem:s12+$0x30];
	s12 =	sadd.s32 $0x400, s12;
	v8 =	vadd.f32 v11, v8  }
.LBB2_19:
0x126: {  	v10 =	vld [tilespmem:s12+$0xFFFFFFC0];
	v9 =	vand.u32 $0x7FFFFFFF, v9;
	v5 =	vsub.f32 v5, v1;
	s10 =	sadd.s32 $0x400, s10  }
0x127: {  	s11 =	sadd.s32 $0x8, s11;
	v11 =	vld [tilespmem:s10+$0xFFFFFFC0];
	v0 =	vadd.f32 v0, v7;
	v7 =	vadd.f32 v9, v8  }
0x128: {  	p0 =	slt.u32 s11, $0x38;
	v8 =	vld [tilespmem:s12+$0xFFFFFFD0];
	v5 =	vand.u32 $0x7FFFFFFF, v5;
	v4 =	vsub.f32 v4, v2  }
0x129: {  	v9 =	vld [tilespmem:s10+$0xFFFFFFD0];
	v0 =	vadd.f32 v1, v0;
	v1 =	vadd.f32 v5, v7  }
0x12a: {  	v7 =	vld [tilespmem:s12+$0xFFFFFFE0];
	v4 =	vand.u32 $0x7FFFFFFF, v4;
	v5 =	vsub.f32 v6, v3  }
0x12b: {  	v6 =	vld [tilespmem:s10+$0xFFFFFFE0];
	v0 =	vadd.f32 v2, v0;
	v1 =	vadd.f32 v4, v1  }
0x12c: {  	v2 =	vsub.f32 v11, v10;
	v11 =	vld [tilespmem:s12+$0xFFFFFFF0];
	v4 =	vand.u32 $0x7FFFFFFF, v5  }
0x12d: {  	v12 =	vld [tilespmem:s10+$0xFFFFFFF0];
	v3 =	vadd.f32 v3, v0;
	v1 =	vadd.f32 v4, v1  }
0x12e: {  	v2 =	vand.u32 $0x7FFFFFFF, v2;
	v4 =	vsub.f32 v9, v8;
	v0 =	vld [tilespmem:s12+$0x0]  }
0x12f: {  	v3 =	vadd.f32 v10, v3;
	v2 =	vadd.f32 v2, v1;
	v9 =	vld [tilespmem:s10+$0x0]  }
0x130: {  	v4 =	vand.u32 $0x7FFFFFFF, v4;
	v6 =	vsub.f32 v6, v7;
	v1 =	vld [tilespmem:s12+$0x10]  }
.Ltmp8:
0x131: {  	v3 =	vadd.f32 v8, v3;
	v4 =	vadd.f32 v4, v2;
	v5 =	vld [tilespmem:s10+$0x10];
	(pc) =	sbr.rel @p0 .LBB2_19-.Ltmp8, $4  }
0x132: {  	v6 =	vand.u32 $0x7FFFFFFF, v6;
	v8 =	vsub.f32 v12, v11;
	v2 =	vld [tilespmem:s12+$0x20]  }
0x133: {  	v7 =	vadd.f32 v7, v3;
	v6 =	vadd.f32 v6, v4;
	v4 =	vld [tilespmem:s10+$0x20]  }
0x134: {  	v8 =	vand.u32 $0x7FFFFFFF, v8;
	v9 =	vsub.f32 v9, v0;
	v3 =	vld [tilespmem:s12+$0x30]  }
0x135: {  	s12 =	sadd.s32 $0x400, s12;
	v7 =	vadd.f32 v11, v7;
	v8 =	vadd.f32 v8, v6;
	v6 =	vld [tilespmem:s10+$0x30]  }
0x136: {  	_ = 	snop  }
0x137: {  	v9 =	vand.u32 $0x7FFFFFFF, v9;
	v5 =	vsub.f32 v5, v1;
	v0 =	vadd.f32 v0, v7  }
0x138: {  	v60 =	vadd.f32 v9, v8  }
0x139: {  	v5 =	vand.u32 $0x7FFFFFFF, v5;
	v4 =	vsub.f32 v4, v2;
	v0 =	vadd.f32 v1, v0  }
0x13a: {  	s10 =	sshll.u32 s9, $0x5;
	s9 =	sadd.s32 $0x1, s9;
	v61 =	vadd.f32 v5, v60  }
0x13b: {  	p0 =	sne.s32 s9, $0x10;
	v4 =	vand.u32 $0x7FFFFFFF, v4;
	v62 =	vsub.f32 v6, v3;
	v0 =	vadd.f32 v2, v0  }
.Ltmp9:
0x13c: {  	v1 =	vadd.f32 v4, v61;
	(pc) =	sbr.rel @p0 .LBB2_18-.Ltmp9, $4  }
0x13d: {  	v63 =	vand.u32 $0x7FFFFFFF, v62;
	v0 =	vadd.f32 v3, v0  }
0x13e: {  	s10 =	sand.u32 $0x1E0, s10;
	v1 =	vadd.f32 v63, v1  }
0x13f: {  	[tilespmem:s10+$0x10800] =	vst v0  }
0x140: {  	s8 =	sadd.s32 $0x400, s8;
	s7 =	sadd.s32 $0x1, s7;
	[tilespmem:s10+$0x10810] =	vst v1  }
0x141: {  	s7 =	simm.s32 $0x0  }
0x142: {  	[tilespmem:s7], [sflag:$0x1] =	stream.linear.gather [hbm4b:s14+s7], $0x4000, $0x38;
	[tilespmem:$0x11800] =	vst v63  }
0x143: {  	_ = 	snop  }
0x144: {  	[tilespmem:s30], [sflag:$0x3] =	stream.linear.gather [hbm4b:s15+s7], $0x4000, $0x38;
	[tilespmem:$0x11800] =	vst v63  }
0x145: {  	_ =	swait.ge [sflag:s3], $0x4000  }
0x146: {  	[sflag:s3] =	ssyncset.done $0x0  }
0x147: {  	[sflag:s3] =	ssyncadd.s32 $0xFFFFC000  }
0x148: {  	_ =	swait.ge [sflag:s4], $0x4000  }
0x149: {  	[sflag:s4] =	ssyncset.done $0x0  }
0x14a: {  	s8 =	simm.s32 $0x0;
	s9 =	simm.s32 $0x0;
	[sflag:s4] =	ssyncadd.s32 $0xFFFFC000  }
.LBB2_22:
0x14b: {  	s10 =	sshll.u32 s8, $0x2;
	s11 =	sand.u32 $0x7, s7  }
0x14c: {  	s10 =	sand.u32 $0xFFFF8000, s10;
	s11 =	sshll.u32 s11, $0x9  }
0x14d: {  	s10 =	sor.u32 s11, s10  }
0x14e: {  	s10 =	sshrl.u32 s10, $0x2  }
0x14f: {  	s12 =	sadd.s32 $0x4040, s10  }
0x150: {  	s10 =	sadd.s32 $0xC040, s10;
	v1 =	vld [tilespmem:s12+$0xFFFFFFC0]  }
0x151: {  	v0 =	vld [tilespmem:s10+$0xFFFFFFC0]  }
0x152: {  	v2 =	vld [tilespmem:s12+$0xFFFFFFD0]  }
0x153: {  	v3 =	vld [tilespmem:s10+$0xFFFFFFD0]  }
0x154: {  	v4 =	vld [tilespmem:s12+$0xFFFFFFE0]  }
0x155: {  	v5 =	vld [tilespmem:s10+$0xFFFFFFE0]  }
0x156: {  	v6 =	vld [tilespmem:s12+$0xFFFFFFF0];
	v0 =	vsub.f32 v0, v1  }
0x157: {  	v8 =	vimm.f32 $0.0e+00;
	v7 =	vld [tilespmem:s10+$0xFFFFFFF0]  }
0x158: {  	v3 =	vsub.f32 v3, v2;
	v10 =	vadd.f32 v1, v8;
	v9 =	vand.u32 $0x7FFFFFFF, v0;
	v0 =	vld [tilespmem:s12+$0x0]  }
0x159: {  	v8 =	vadd.f32 v9, v8;
	v9 =	vld [tilespmem:s10+$0x0]  }
0x15a: {  	v11 =	vsub.f32 v5, v4;
	v1 =	vld [tilespmem:s12+$0x10];
	v3 =	vand.u32 $0x7FFFFFFF, v3;
	v10 =	vadd.f32 v2, v10  }
0x15b: {  	v5 =	vld [tilespmem:s10+$0x10];
	v3 =	vadd.f32 v3, v8  }
0x15c: {  	v7 =	vsub.f32 v7, v6;
	v2 =	vld [tilespmem:s12+$0x20];
	v10 =	vadd.f32 v4, v10;
	v8 =	vand.u32 $0x7FFFFFFF, v11  }
0x15d: {  	v4 =	vld [tilespmem:s10+$0x20];
	v8 =	vadd.f32 v8, v3  }
0x15e: {  	v11 =	vand.u32 $0x7FFFFFFF, v7;
	v7 =	vadd.f32 v6, v10;
	v6 =	vld [tilespmem:s10+$0x30];
	v9 =	vsub.f32 v9, v0  }
0x15f: {  	s11 =	simm.s32 $0x0;
	v3 =	vld [tilespmem:s12+$0x30];
	s12 =	sadd.s32 $0x400, s12;
	v8 =	vadd.f32 v11, v8  }
.LBB2_23:
0x160: {  	v10 =	vld [tilespmem:s12+$0xFFFFFFC0];
	v9 =	vand.u32 $0x7FFFFFFF, v9;
	v5 =	vsub.f32 v5, v1;
	s10 =	sadd.s32 $0x400, s10  }
0x161: {  	s11 =	sadd.s32 $0x8, s11;
	v11 =	vld [tilespmem:s10+$0xFFFFFFC0];
	v0 =	vadd.f32 v0, v7;
	v7 =	vadd.f32 v9, v8  }
0x162: {  	p0 =	slt.u32 s11, $0x38;
	v8 =	vld [tilespmem:s12+$0xFFFFFFD0];
	v5 =	vand.u32 $0x7FFFFFFF, v5;
	v4 =	vsub.f32 v4, v2  }
0x163: {  	v9 =	vld [tilespmem:s10+$0xFFFFFFD0];
	v0 =	vadd.f32 v1, v0;
	v1 =	vadd.f32 v5, v7  }
0x164: {  	v7 =	vld [tilespmem:s12+$0xFFFFFFE0];
	v4 =	vand.u32 $0x7FFFFFFF, v4;
	v5 =	vsub.f32 v6, v3  }
0x165: {  	v6 =	vld [tilespmem:s10+$0xFFFFFFE0];
	v0 =	vadd.f32 v2, v0;
	v1 =	vadd.f32 v4, v1  }
0x166: {  	v2 =	vsub.f32 v11, v10;
	v11 =	vld [tilespmem:s12+$0xFFFFFFF0];
	v4 =	vand.u32 $0x7FFFFFFF, v5  }
0x167: {  	v12 =	vld [tilespmem:s10+$0xFFFFFFF0];
	v3 =	vadd.f32 v3, v0;
	v1 =	vadd.f32 v4, v1  }
0x168: {  	v2 =	vand.u32 $0x7FFFFFFF, v2;
	v4 =	vsub.f32 v9, v8;
	v0 =	vld [tilespmem:s12+$0x0]  }
0x169: {  	v3 =	vadd.f32 v10, v3;
	v2 =	vadd.f32 v2, v1;
	v9 =	vld [tilespmem:s10+$0x0]  }
0x16a: {  	v4 =	vand.u32 $0x7FFFFFFF, v4;
	v6 =	vsub.f32 v6, v7;
	v1 =	vld [tilespmem:s12+$0x10]  }
.Ltmp10:
0x16b: {  	v3 =	vadd.f32 v8, v3;
	v4 =	vadd.f32 v4, v2;
	v5 =	vld [tilespmem:s10+$0x10];
	(pc) =	sbr.rel @p0 .LBB2_23-.Ltmp10, $4  }
0x16c: {  	v6 =	vand.u32 $0x7FFFFFFF, v6;
	v8 =	vsub.f32 v12, v11;
	v2 =	vld [tilespmem:s12+$0x20]  }
0x16d: {  	v7 =	vadd.f32 v7, v3;
	v6 =	vadd.f32 v6, v4;
	v4 =	vld [tilespmem:s10+$0x20]  }
0x16e: {  	v8 =	vand.u32 $0x7FFFFFFF, v8;
	v9 =	vsub.f32 v9, v0;
	v3 =	vld [tilespmem:s12+$0x30]  }
0x16f: {  	s12 =	sadd.s32 $0x400, s12;
	v7 =	vadd.f32 v11, v7;
	v8 =	vadd.f32 v8, v6;
	v6 =	vld [tilespmem:s10+$0x30]  }
0x170: {  	_ = 	snop  }
0x171: {  	v9 =	vand.u32 $0x7FFFFFFF, v9;
	v5 =	vsub.f32 v5, v1;
	v0 =	vadd.f32 v0, v7  }
0x172: {  	v60 =	vadd.f32 v9, v8  }
0x173: {  	v5 =	vand.u32 $0x7FFFFFFF, v5;
	v4 =	vsub.f32 v4, v2;
	v0 =	vadd.f32 v1, v0  }
0x174: {  	s10 =	sshll.u32 s9, $0x5;
	s9 =	sadd.s32 $0x1, s9;
	v61 =	vadd.f32 v5, v60  }
0x175: {  	p0 =	sne.s32 s9, $0x10;
	v4 =	vand.u32 $0x7FFFFFFF, v4;
	v62 =	vsub.f32 v6, v3;
	v0 =	vadd.f32 v2, v0  }
.Ltmp11:
0x176: {  	v1 =	vadd.f32 v4, v61;
	(pc) =	sbr.rel @p0 .LBB2_22-.Ltmp11, $4  }
0x177: {  	v63 =	vand.u32 $0x7FFFFFFF, v62;
	v0 =	vadd.f32 v3, v0  }
0x178: {  	s10 =	sand.u32 $0x1E0, s10;
	v1 =	vadd.f32 v63, v1  }
0x179: {  	[tilespmem:s10+$0x10A00] =	vst v0  }
0x17a: {  	s8 =	sadd.s32 $0x400, s8;
	s7 =	sadd.s32 $0x1, s7;
	[tilespmem:s10+$0x10A10] =	vst v1  }
0x17b: {  	s7 =	simm.s32 $0x0  }
0x17c: {  	[tilespmem:s31], [sflag:$0x2] =	stream.linear.gather [hbm4b:s16+s7], $0x4000, $0x38;
	[tilespmem:$0x11800] =	vst v63  }
0x17d: {  	_ = 	snop  }
0x17e: {  	[tilespmem:s20], [sflag:$0x4] =	stream.linear.gather [hbm4b:s17+s7], $0x4000, $0x38;
	[tilespmem:$0x11800] =	vst v63  }
0x17f: {  	_ =	swait.ge [sflag:s0], $0x4000  }
0x180: {  	[sflag:s0] =	ssyncset.done $0x0  }
0x181: {  	[sflag:s0] =	ssyncadd.s32 $0xFFFFC000  }
0x182: {  	_ =	swait.ge [sflag:s2], $0x4000  }
0x183: {  	[sflag:s2] =	ssyncset.done $0x0  }
0x184: {  	s8 =	simm.s32 $0x0;
	s9 =	simm.s32 $0x0;
	[sflag:s2] =	ssyncadd.s32 $0xFFFFC000  }
.LBB2_26:
0x185: {  	s10 =	sshll.u32 s8, $0x2;
	s11 =	sand.u32 $0x7, s7  }
0x186: {  	s10 =	sand.u32 $0xFFFF8000, s10;
	s11 =	sshll.u32 s11, $0x9  }
0x187: {  	s10 =	sor.u32 s11, s10  }
0x188: {  	s10 =	sshrl.u32 s10, $0x2  }
0x189: {  	s12 =	sor.u32 $0x40, s10  }
0x18a: {  	s10 =	sadd.s32 $0x8040, s10;
	v1 =	vld [tilespmem:s12+$0xFFFFFFC0]  }
0x18b: {  	v0 =	vld [tilespmem:s10+$0xFFFFFFC0]  }
0x18c: {  	v2 =	vld [tilespmem:s12+$0xFFFFFFD0]  }
0x18d: {  	v3 =	vld [tilespmem:s10+$0xFFFFFFD0]  }
0x18e: {  	v4 =	vld [tilespmem:s12+$0xFFFFFFE0]  }
0x18f: {  	v5 =	vld [tilespmem:s10+$0xFFFFFFE0]  }
0x190: {  	v6 =	vld [tilespmem:s12+$0xFFFFFFF0];
	v0 =	vsub.f32 v0, v1  }
0x191: {  	v8 =	vimm.f32 $0.0e+00;
	v7 =	vld [tilespmem:s10+$0xFFFFFFF0]  }
0x192: {  	v3 =	vsub.f32 v3, v2;
	v10 =	vadd.f32 v1, v8;
	v9 =	vand.u32 $0x7FFFFFFF, v0;
	v0 =	vld [tilespmem:s12+$0x0]  }
0x193: {  	v8 =	vadd.f32 v9, v8;
	v9 =	vld [tilespmem:s10+$0x0]  }
0x194: {  	v11 =	vsub.f32 v5, v4;
	v1 =	vld [tilespmem:s12+$0x10];
	v3 =	vand.u32 $0x7FFFFFFF, v3;
	v10 =	vadd.f32 v2, v10  }
0x195: {  	v5 =	vld [tilespmem:s10+$0x10];
	v3 =	vadd.f32 v3, v8  }
0x196: {  	v7 =	vsub.f32 v7, v6;
	v2 =	vld [tilespmem:s12+$0x20];
	v10 =	vadd.f32 v4, v10;
	v8 =	vand.u32 $0x7FFFFFFF, v11  }
0x197: {  	v4 =	vld [tilespmem:s10+$0x20];
	v8 =	vadd.f32 v8, v3  }
0x198: {  	v11 =	vand.u32 $0x7FFFFFFF, v7;
	v7 =	vadd.f32 v6, v10;
	v6 =	vld [tilespmem:s10+$0x30];
	v9 =	vsub.f32 v9, v0  }
0x199: {  	s11 =	simm.s32 $0x0;
	v3 =	vld [tilespmem:s12+$0x30];
	s12 =	sadd.s32 $0x400, s12;
	v8 =	vadd.f32 v11, v8  }
.LBB2_27:
0x19a: {  	v10 =	vld [tilespmem:s12+$0xFFFFFFC0];
	v9 =	vand.u32 $0x7FFFFFFF, v9;
	v5 =	vsub.f32 v5, v1;
	s10 =	sadd.s32 $0x400, s10  }
0x19b: {  	s11 =	sadd.s32 $0x8, s11;
	v11 =	vld [tilespmem:s10+$0xFFFFFFC0];
	v0 =	vadd.f32 v0, v7;
	v7 =	vadd.f32 v9, v8  }
0x19c: {  	p0 =	slt.u32 s11, $0x38;
	v8 =	vld [tilespmem:s12+$0xFFFFFFD0];
	v5 =	vand.u32 $0x7FFFFFFF, v5;
	v4 =	vsub.f32 v4, v2  }
0x19d: {  	v9 =	vld [tilespmem:s10+$0xFFFFFFD0];
	v0 =	vadd.f32 v1, v0;
	v1 =	vadd.f32 v5, v7  }
0x19e: {  	v7 =	vld [tilespmem:s12+$0xFFFFFFE0];
	v4 =	vand.u32 $0x7FFFFFFF, v4;
	v5 =	vsub.f32 v6, v3  }
0x19f: {  	v6 =	vld [tilespmem:s10+$0xFFFFFFE0];
	v0 =	vadd.f32 v2, v0;
	v1 =	vadd.f32 v4, v1  }
0x1a0: {  	v2 =	vsub.f32 v11, v10;
	v11 =	vld [tilespmem:s12+$0xFFFFFFF0];
	v4 =	vand.u32 $0x7FFFFFFF, v5  }
0x1a1: {  	v12 =	vld [tilespmem:s10+$0xFFFFFFF0];
	v3 =	vadd.f32 v3, v0;
	v1 =	vadd.f32 v4, v1  }
0x1a2: {  	v2 =	vand.u32 $0x7FFFFFFF, v2;
	v4 =	vsub.f32 v9, v8;
	v0 =	vld [tilespmem:s12+$0x0]  }
0x1a3: {  	v3 =	vadd.f32 v10, v3;
	v2 =	vadd.f32 v2, v1;
	v9 =	vld [tilespmem:s10+$0x0]  }
0x1a4: {  	v4 =	vand.u32 $0x7FFFFFFF, v4;
	v6 =	vsub.f32 v6, v7;
	v1 =	vld [tilespmem:s12+$0x10]  }
.Ltmp12:
0x1a5: {  	v3 =	vadd.f32 v8, v3;
	v4 =	vadd.f32 v4, v2;
	v5 =	vld [tilespmem:s10+$0x10];
	(pc) =	sbr.rel @p0 .LBB2_27-.Ltmp12, $4  }
0x1a6: {  	v6 =	vand.u32 $0x7FFFFFFF, v6;
	v8 =	vsub.f32 v12, v11;
	v2 =	vld [tilespmem:s12+$0x20]  }
0x1a7: {  	v7 =	vadd.f32 v7, v3;
	v6 =	vadd.f32 v6, v4;
	v4 =	vld [tilespmem:s10+$0x20]  }
0x1a8: {  	v8 =	vand.u32 $0x7FFFFFFF, v8;
	v9 =	vsub.f32 v9, v0;
	v3 =	vld [tilespmem:s12+$0x30]  }
0x1a9: {  	s12 =	sadd.s32 $0x400, s12;
	v7 =	vadd.f32 v11, v7;
	v8 =	vadd.f32 v8, v6;
	v6 =	vld [tilespmem:s10+$0x30]  }
0x1aa: {  	_ = 	snop  }
0x1ab: {  	v9 =	vand.u32 $0x7FFFFFFF, v9;
	v5 =	vsub.f32 v5, v1;
	v0 =	vadd.f32 v0, v7  }
0x1ac: {  	v60 =	vadd.f32 v9, v8  }
0x1ad: {  	v5 =	vand.u32 $0x7FFFFFFF, v5;
	v4 =	vsub.f32 v4, v2;
	v0 =	vadd.f32 v1, v0  }
0x1ae: {  	s10 =	sshll.u32 s9, $0x5;
	s9 =	sadd.s32 $0x1, s9;
	v61 =	vadd.f32 v5, v60  }
0x1af: {  	p0 =	sne.s32 s9, $0x10;
	v4 =	vand.u32 $0x7FFFFFFF, v4;
	v62 =	vsub.f32 v6, v3;
	v0 =	vadd.f32 v2, v0  }
.Ltmp13:
0x1b0: {  	v1 =	vadd.f32 v4, v61;
	(pc) =	sbr.rel @p0 .LBB2_26-.Ltmp13, $4  }
0x1b1: {  	v63 =	vand.u32 $0x7FFFFFFF, v62;
	v0 =	vadd.f32 v3, v0  }
0x1b2: {  	s10 =	sand.u32 $0x1E0, s10;
	v1 =	vadd.f32 v63, v1  }
0x1b3: {  	[tilespmem:s10+$0x10C00] =	vst v0  }
0x1b4: {  	s8 =	sadd.s32 $0x400, s8;
	s7 =	sadd.s32 $0x1, s7;
	[tilespmem:s10+$0x10C10] =	vst v1  }
0x1b5: {  	s7 =	simm.s32 $0x0  }
0x1b6: {  	[tilespmem:s7], [sflag:$0x1] =	stream.linear.gather [hbm4b:s18+s7], $0x4000, $0x38;
	[tilespmem:$0x11800] =	vst v63  }
0x1b7: {  	_ = 	snop  }
0x1b8: {  	[tilespmem:s30], [sflag:$0x3] =	stream.linear.gather [hbm4b:s19+s7], $0x4000, $0x38;
	[tilespmem:$0x11800] =	vst v63  }
0x1b9: {  	_ =	swait.ge [sflag:s3], $0x4000  }
0x1ba: {  	[sflag:s3] =	ssyncset.done $0x0  }
0x1bb: {  	[sflag:s3] =	ssyncadd.s32 $0xFFFFC000  }
0x1bc: {  	_ =	swait.ge [sflag:s4], $0x4000  }
0x1bd: {  	[sflag:s4] =	ssyncset.done $0x0  }
0x1be: {  	s8 =	simm.s32 $0x0;
	s9 =	simm.s32 $0x0;
	[sflag:s4] =	ssyncadd.s32 $0xFFFFC000  }
.LBB2_30:
0x1bf: {  	s10 =	sshll.u32 s8, $0x2;
	s11 =	sand.u32 $0x7, s7  }
0x1c0: {  	s10 =	sand.u32 $0xFFFF8000, s10;
	s11 =	sshll.u32 s11, $0x9  }
0x1c1: {  	s10 =	sor.u32 s11, s10  }
0x1c2: {  	s10 =	sshrl.u32 s10, $0x2  }
0x1c3: {  	s12 =	sadd.s32 $0x4040, s10  }
0x1c4: {  	s10 =	sadd.s32 $0xC040, s10;
	v1 =	vld [tilespmem:s12+$0xFFFFFFC0]  }
0x1c5: {  	v0 =	vld [tilespmem:s10+$0xFFFFFFC0]  }
0x1c6: {  	v2 =	vld [tilespmem:s12+$0xFFFFFFD0]  }
0x1c7: {  	v3 =	vld [tilespmem:s10+$0xFFFFFFD0]  }
0x1c8: {  	v4 =	vld [tilespmem:s12+$0xFFFFFFE0]  }
0x1c9: {  	v5 =	vld [tilespmem:s10+$0xFFFFFFE0]  }
0x1ca: {  	v6 =	vld [tilespmem:s12+$0xFFFFFFF0];
	v0 =	vsub.f32 v0, v1  }
0x1cb: {  	v8 =	vimm.f32 $0.0e+00;
	v7 =	vld [tilespmem:s10+$0xFFFFFFF0]  }
0x1cc: {  	v3 =	vsub.f32 v3, v2;
	v10 =	vadd.f32 v1, v8;
	v9 =	vand.u32 $0x7FFFFFFF, v0;
	v0 =	vld [tilespmem:s12+$0x0]  }
0x1cd: {  	v8 =	vadd.f32 v9, v8;
	v9 =	vld [tilespmem:s10+$0x0]  }
0x1ce: {  	v11 =	vsub.f32 v5, v4;
	v1 =	vld [tilespmem:s12+$0x10];
	v3 =	vand.u32 $0x7FFFFFFF, v3;
	v10 =	vadd.f32 v2, v10  }
0x1cf: {  	v5 =	vld [tilespmem:s10+$0x10];
	v3 =	vadd.f32 v3, v8  }
0x1d0: {  	v7 =	vsub.f32 v7, v6;
	v2 =	vld [tilespmem:s12+$0x20];
	v10 =	vadd.f32 v4, v10;
	v8 =	vand.u32 $0x7FFFFFFF, v11  }
0x1d1: {  	v4 =	vld [tilespmem:s10+$0x20];
	v8 =	vadd.f32 v8, v3  }
0x1d2: {  	v11 =	vand.u32 $0x7FFFFFFF, v7;
	v7 =	vadd.f32 v6, v10;
	v6 =	vld [tilespmem:s10+$0x30];
	v9 =	vsub.f32 v9, v0  }
0x1d3: {  	s11 =	simm.s32 $0x0;
	v3 =	vld [tilespmem:s12+$0x30];
	s12 =	sadd.s32 $0x400, s12;
	v8 =	vadd.f32 v11, v8  }
.LBB2_31:
0x1d4: {  	v10 =	vld [tilespmem:s12+$0xFFFFFFC0];
	v9 =	vand.u32 $0x7FFFFFFF, v9;
	v5 =	vsub.f32 v5, v1;
	s10 =	sadd.s32 $0x400, s10  }
0x1d5: {  	s11 =	sadd.s32 $0x8, s11;
	v11 =	vld [tilespmem:s10+$0xFFFFFFC0];
	v0 =	vadd.f32 v0, v7;
	v7 =	vadd.f32 v9, v8  }
0x1d6: {  	p0 =	slt.u32 s11, $0x38;
	v8 =	vld [tilespmem:s12+$0xFFFFFFD0];
	v5 =	vand.u32 $0x7FFFFFFF, v5;
	v4 =	vsub.f32 v4, v2  }
0x1d7: {  	v9 =	vld [tilespmem:s10+$0xFFFFFFD0];
	v0 =	vadd.f32 v1, v0;
	v1 =	vadd.f32 v5, v7  }
0x1d8: {  	v7 =	vld [tilespmem:s12+$0xFFFFFFE0];
	v4 =	vand.u32 $0x7FFFFFFF, v4;
	v5 =	vsub.f32 v6, v3  }
0x1d9: {  	v6 =	vld [tilespmem:s10+$0xFFFFFFE0];
	v0 =	vadd.f32 v2, v0;
	v1 =	vadd.f32 v4, v1  }
0x1da: {  	v2 =	vsub.f32 v11, v10;
	v11 =	vld [tilespmem:s12+$0xFFFFFFF0];
	v4 =	vand.u32 $0x7FFFFFFF, v5  }
0x1db: {  	v12 =	vld [tilespmem:s10+$0xFFFFFFF0];
	v3 =	vadd.f32 v3, v0;
	v1 =	vadd.f32 v4, v1  }
0x1dc: {  	v2 =	vand.u32 $0x7FFFFFFF, v2;
	v4 =	vsub.f32 v9, v8;
	v0 =	vld [tilespmem:s12+$0x0]  }
0x1dd: {  	v3 =	vadd.f32 v10, v3;
	v2 =	vadd.f32 v2, v1;
	v9 =	vld [tilespmem:s10+$0x0]  }
0x1de: {  	v4 =	vand.u32 $0x7FFFFFFF, v4;
	v6 =	vsub.f32 v6, v7;
	v1 =	vld [tilespmem:s12+$0x10]  }
.Ltmp14:
0x1df: {  	v3 =	vadd.f32 v8, v3;
	v4 =	vadd.f32 v4, v2;
	v5 =	vld [tilespmem:s10+$0x10];
	(pc) =	sbr.rel @p0 .LBB2_31-.Ltmp14, $4  }
0x1e0: {  	v6 =	vand.u32 $0x7FFFFFFF, v6;
	v8 =	vsub.f32 v12, v11;
	v2 =	vld [tilespmem:s12+$0x20]  }
0x1e1: {  	v7 =	vadd.f32 v7, v3;
	v6 =	vadd.f32 v6, v4;
	v4 =	vld [tilespmem:s10+$0x20]  }
0x1e2: {  	v8 =	vand.u32 $0x7FFFFFFF, v8;
	v9 =	vsub.f32 v9, v0;
	v3 =	vld [tilespmem:s12+$0x30]  }
0x1e3: {  	s12 =	sadd.s32 $0x400, s12;
	v7 =	vadd.f32 v11, v7;
	v8 =	vadd.f32 v8, v6;
	v6 =	vld [tilespmem:s10+$0x30]  }
0x1e4: {  	_ = 	snop  }
0x1e5: {  	v9 =	vand.u32 $0x7FFFFFFF, v9;
	v5 =	vsub.f32 v5, v1;
	v0 =	vadd.f32 v0, v7  }
0x1e6: {  	v60 =	vadd.f32 v9, v8  }
0x1e7: {  	v5 =	vand.u32 $0x7FFFFFFF, v5;
	v4 =	vsub.f32 v4, v2;
	v0 =	vadd.f32 v1, v0  }
0x1e8: {  	s10 =	sshll.u32 s9, $0x5;
	s9 =	sadd.s32 $0x1, s9;
	v61 =	vadd.f32 v5, v60  }
0x1e9: {  	p0 =	sne.s32 s9, $0x10;
	v4 =	vand.u32 $0x7FFFFFFF, v4;
	v62 =	vsub.f32 v6, v3;
	v0 =	vadd.f32 v2, v0  }
.Ltmp15:
0x1ea: {  	v1 =	vadd.f32 v4, v61;
	(pc) =	sbr.rel @p0 .LBB2_30-.Ltmp15, $4  }
0x1eb: {  	v63 =	vand.u32 $0x7FFFFFFF, v62;
	v0 =	vadd.f32 v3, v0  }
0x1ec: {  	s10 =	sand.u32 $0x1E0, s10;
	v1 =	vadd.f32 v63, v1  }
0x1ed: {  	[tilespmem:s10+$0x10E00] =	vst v0  }
0x1ee: {  	s8 =	sadd.s32 $0x400, s8;
	s7 =	sadd.s32 $0x1, s7;
	[tilespmem:s10+$0x10E10] =	vst v1  }
0x1ef: {  	s7 =	simm.s32 $0x0  }
0x1f0: {  	[tilespmem:s31], [sflag:$0x2] =	stream.linear.gather [hbm4b:s21+s7], $0x4000, $0x38;
	[tilespmem:$0x11800] =	vst v63  }
0x1f1: {  	_ = 	snop  }
0x1f2: {  	[tilespmem:s20], [sflag:$0x4] =	stream.linear.gather [hbm4b:s22+s7], $0x4000, $0x38;
	[tilespmem:$0x11800] =	vst v63  }
0x1f3: {  	_ =	swait.ge [sflag:s0], $0x4000  }
0x1f4: {  	[sflag:s0] =	ssyncset.done $0x0  }
0x1f5: {  	[sflag:s0] =	ssyncadd.s32 $0xFFFFC000  }
0x1f6: {  	_ =	swait.ge [sflag:s2], $0x4000  }
0x1f7: {  	[sflag:s2] =	ssyncset.done $0x0  }
0x1f8: {  	s8 =	simm.s32 $0x0;
	s9 =	simm.s32 $0x0;
	[sflag:s2] =	ssyncadd.s32 $0xFFFFC000  }
.LBB2_34:
0x1f9: {  	s10 =	sshll.u32 s8, $0x2;
	s11 =	sand.u32 $0x7, s7  }
0x1fa: {  	s10 =	sand.u32 $0xFFFF8000, s10;
	s11 =	sshll.u32 s11, $0x9  }
0x1fb: {  	s10 =	sor.u32 s11, s10  }
0x1fc: {  	s10 =	sshrl.u32 s10, $0x2  }
0x1fd: {  	s12 =	sor.u32 $0x40, s10  }
0x1fe: {  	s10 =	sadd.s32 $0x8040, s10;
	v1 =	vld [tilespmem:s12+$0xFFFFFFC0]  }
0x1ff: {  	v0 =	vld [tilespmem:s10+$0xFFFFFFC0]  }
0x200: {  	v2 =	vld [tilespmem:s12+$0xFFFFFFD0]  }
0x201: {  	v3 =	vld [tilespmem:s10+$0xFFFFFFD0]  }
0x202: {  	v4 =	vld [tilespmem:s12+$0xFFFFFFE0]  }
0x203: {  	v5 =	vld [tilespmem:s10+$0xFFFFFFE0]  }
0x204: {  	v6 =	vld [tilespmem:s12+$0xFFFFFFF0];
	v0 =	vsub.f32 v0, v1  }
0x205: {  	v8 =	vimm.f32 $0.0e+00;
	v7 =	vld [tilespmem:s10+$0xFFFFFFF0]  }
0x206: {  	v3 =	vsub.f32 v3, v2;
	v10 =	vadd.f32 v1, v8;
	v9 =	vand.u32 $0x7FFFFFFF, v0;
	v0 =	vld [tilespmem:s12+$0x0]  }
0x207: {  	v8 =	vadd.f32 v9, v8;
	v9 =	vld [tilespmem:s10+$0x0]  }
0x208: {  	v11 =	vsub.f32 v5, v4;
	v1 =	vld [tilespmem:s12+$0x10];
	v3 =	vand.u32 $0x7FFFFFFF, v3;
	v10 =	vadd.f32 v2, v10  }
0x209: {  	v5 =	vld [tilespmem:s10+$0x10];
	v3 =	vadd.f32 v3, v8  }
0x20a: {  	v7 =	vsub.f32 v7, v6;
	v2 =	vld [tilespmem:s12+$0x20];
	v10 =	vadd.f32 v4, v10;
	v8 =	vand.u32 $0x7FFFFFFF, v11  }
0x20b: {  	v4 =	vld [tilespmem:s10+$0x20];
	v8 =	vadd.f32 v8, v3  }
0x20c: {  	v11 =	vand.u32 $0x7FFFFFFF, v7;
	v7 =	vadd.f32 v6, v10;
	v6 =	vld [tilespmem:s10+$0x30];
	v9 =	vsub.f32 v9, v0  }
0x20d: {  	s11 =	simm.s32 $0x0;
	v3 =	vld [tilespmem:s12+$0x30];
	s12 =	sadd.s32 $0x400, s12;
	v8 =	vadd.f32 v11, v8  }
.LBB2_35:
0x20e: {  	v10 =	vld [tilespmem:s12+$0xFFFFFFC0];
	v9 =	vand.u32 $0x7FFFFFFF, v9;
	v5 =	vsub.f32 v5, v1;
	s10 =	sadd.s32 $0x400, s10  }
0x20f: {  	s11 =	sadd.s32 $0x8, s11;
	v11 =	vld [tilespmem:s10+$0xFFFFFFC0];
	v0 =	vadd.f32 v0, v7;
	v7 =	vadd.f32 v9, v8  }
0x210: {  	p0 =	slt.u32 s11, $0x38;
	v8 =	vld [tilespmem:s12+$0xFFFFFFD0];
	v5 =	vand.u32 $0x7FFFFFFF, v5;
	v4 =	vsub.f32 v4, v2  }
0x211: {  	v9 =	vld [tilespmem:s10+$0xFFFFFFD0];
	v0 =	vadd.f32 v1, v0;
	v1 =	vadd.f32 v5, v7  }
0x212: {  	v7 =	vld [tilespmem:s12+$0xFFFFFFE0];
	v4 =	vand.u32 $0x7FFFFFFF, v4;
	v5 =	vsub.f32 v6, v3  }
0x213: {  	v6 =	vld [tilespmem:s10+$0xFFFFFFE0];
	v0 =	vadd.f32 v2, v0;
	v1 =	vadd.f32 v4, v1  }
0x214: {  	v2 =	vsub.f32 v11, v10;
	v11 =	vld [tilespmem:s12+$0xFFFFFFF0];
	v4 =	vand.u32 $0x7FFFFFFF, v5  }
0x215: {  	v12 =	vld [tilespmem:s10+$0xFFFFFFF0];
	v3 =	vadd.f32 v3, v0;
	v1 =	vadd.f32 v4, v1  }
0x216: {  	v2 =	vand.u32 $0x7FFFFFFF, v2;
	v4 =	vsub.f32 v9, v8;
	v0 =	vld [tilespmem:s12+$0x0]  }
0x217: {  	v3 =	vadd.f32 v10, v3;
	v2 =	vadd.f32 v2, v1;
	v9 =	vld [tilespmem:s10+$0x0]  }
0x218: {  	v4 =	vand.u32 $0x7FFFFFFF, v4;
	v6 =	vsub.f32 v6, v7;
	v1 =	vld [tilespmem:s12+$0x10]  }
.Ltmp16:
0x219: {  	v3 =	vadd.f32 v8, v3;
	v4 =	vadd.f32 v4, v2;
	v5 =	vld [tilespmem:s10+$0x10];
	(pc) =	sbr.rel @p0 .LBB2_35-.Ltmp16, $4  }
0x21a: {  	v6 =	vand.u32 $0x7FFFFFFF, v6;
	v8 =	vsub.f32 v12, v11;
	v2 =	vld [tilespmem:s12+$0x20]  }
0x21b: {  	v7 =	vadd.f32 v7, v3;
	v6 =	vadd.f32 v6, v4;
	v4 =	vld [tilespmem:s10+$0x20]  }
0x21c: {  	v8 =	vand.u32 $0x7FFFFFFF, v8;
	v9 =	vsub.f32 v9, v0;
	v3 =	vld [tilespmem:s12+$0x30]  }
0x21d: {  	s12 =	sadd.s32 $0x400, s12;
	v7 =	vadd.f32 v11, v7;
	v8 =	vadd.f32 v8, v6;
	v6 =	vld [tilespmem:s10+$0x30]  }
0x21e: {  	_ = 	snop  }
0x21f: {  	v9 =	vand.u32 $0x7FFFFFFF, v9;
	v5 =	vsub.f32 v5, v1;
	v0 =	vadd.f32 v0, v7  }
0x220: {  	v60 =	vadd.f32 v9, v8  }
0x221: {  	v5 =	vand.u32 $0x7FFFFFFF, v5;
	v4 =	vsub.f32 v4, v2;
	v0 =	vadd.f32 v1, v0  }
0x222: {  	s10 =	sshll.u32 s9, $0x5;
	s9 =	sadd.s32 $0x1, s9;
	v61 =	vadd.f32 v5, v60  }
0x223: {  	p0 =	sne.s32 s9, $0x10;
	v4 =	vand.u32 $0x7FFFFFFF, v4;
	v62 =	vsub.f32 v6, v3;
	v0 =	vadd.f32 v2, v0  }
.Ltmp17:
0x224: {  	v1 =	vadd.f32 v4, v61;
	(pc) =	sbr.rel @p0 .LBB2_34-.Ltmp17, $4  }
0x225: {  	v63 =	vand.u32 $0x7FFFFFFF, v62;
	v0 =	vadd.f32 v3, v0  }
0x226: {  	s10 =	sand.u32 $0x1E0, s10;
	v1 =	vadd.f32 v63, v1  }
0x227: {  	[tilespmem:s10+$0x11000] =	vst v0  }
0x228: {  	s8 =	sadd.s32 $0x400, s8;
	s7 =	sadd.s32 $0x1, s7;
	[tilespmem:s10+$0x11010] =	vst v1  }
0x229: {  	s7 =	simm.s32 $0x0  }
0x22a: {  	[tilespmem:s7], [sflag:$0x1] =	stream.linear.gather [hbm4b:s23+s7], $0x4000, $0x38;
	[tilespmem:$0x11800] =	vst v63  }
0x22b: {  	_ = 	snop  }
0x22c: {  	[tilespmem:s30], [sflag:$0x3] =	stream.linear.gather [hbm4b:s24+s7], $0x4000, $0x38;
	[tilespmem:$0x11800] =	vst v63  }
0x22d: {  	_ =	swait.ge [sflag:s3], $0x4000  }
0x22e: {  	[sflag:s3] =	ssyncset.done $0x0  }
0x22f: {  	[sflag:s3] =	ssyncadd.s32 $0xFFFFC000  }
0x230: {  	_ =	swait.ge [sflag:s4], $0x4000  }
0x231: {  	[sflag:s4] =	ssyncset.done $0x0  }
0x232: {  	s8 =	simm.s32 $0x0;
	s9 =	simm.s32 $0x0;
	[sflag:s4] =	ssyncadd.s32 $0xFFFFC000  }
.LBB2_38:
0x233: {  	s10 =	sshll.u32 s8, $0x2;
	s11 =	sand.u32 $0x7, s7  }
0x234: {  	s10 =	sand.u32 $0xFFFF8000, s10;
	s11 =	sshll.u32 s11, $0x9  }
0x235: {  	s10 =	sor.u32 s11, s10  }
0x236: {  	s10 =	sshrl.u32 s10, $0x2  }
0x237: {  	s12 =	sadd.s32 $0x4040, s10  }
0x238: {  	s10 =	sadd.s32 $0xC040, s10;
	v1 =	vld [tilespmem:s12+$0xFFFFFFC0]  }
0x239: {  	v0 =	vld [tilespmem:s10+$0xFFFFFFC0]  }
0x23a: {  	v2 =	vld [tilespmem:s12+$0xFFFFFFD0]  }
0x23b: {  	v3 =	vld [tilespmem:s10+$0xFFFFFFD0]  }
0x23c: {  	v4 =	vld [tilespmem:s12+$0xFFFFFFE0]  }
0x23d: {  	v5 =	vld [tilespmem:s10+$0xFFFFFFE0]  }
0x23e: {  	v6 =	vld [tilespmem:s12+$0xFFFFFFF0];
	v0 =	vsub.f32 v0, v1  }
0x23f: {  	v8 =	vimm.f32 $0.0e+00;
	v7 =	vld [tilespmem:s10+$0xFFFFFFF0]  }
0x240: {  	v3 =	vsub.f32 v3, v2;
	v10 =	vadd.f32 v1, v8;
	v9 =	vand.u32 $0x7FFFFFFF, v0;
	v0 =	vld [tilespmem:s12+$0x0]  }
0x241: {  	v8 =	vadd.f32 v9, v8;
	v9 =	vld [tilespmem:s10+$0x0]  }
0x242: {  	v11 =	vsub.f32 v5, v4;
	v1 =	vld [tilespmem:s12+$0x10];
	v3 =	vand.u32 $0x7FFFFFFF, v3;
	v10 =	vadd.f32 v2, v10  }
0x243: {  	v5 =	vld [tilespmem:s10+$0x10];
	v3 =	vadd.f32 v3, v8  }
0x244: {  	v7 =	vsub.f32 v7, v6;
	v2 =	vld [tilespmem:s12+$0x20];
	v10 =	vadd.f32 v4, v10;
	v8 =	vand.u32 $0x7FFFFFFF, v11  }
0x245: {  	v4 =	vld [tilespmem:s10+$0x20];
	v8 =	vadd.f32 v8, v3  }
0x246: {  	v11 =	vand.u32 $0x7FFFFFFF, v7;
	v7 =	vadd.f32 v6, v10;
	v6 =	vld [tilespmem:s10+$0x30];
	v9 =	vsub.f32 v9, v0  }
0x247: {  	s11 =	simm.s32 $0x0;
	v3 =	vld [tilespmem:s12+$0x30];
	s12 =	sadd.s32 $0x400, s12;
	v8 =	vadd.f32 v11, v8  }
.LBB2_39:
0x248: {  	v10 =	vld [tilespmem:s12+$0xFFFFFFC0];
	v9 =	vand.u32 $0x7FFFFFFF, v9;
	v5 =	vsub.f32 v5, v1;
	s10 =	sadd.s32 $0x400, s10  }
0x249: {  	s11 =	sadd.s32 $0x8, s11;
	v11 =	vld [tilespmem:s10+$0xFFFFFFC0];
	v0 =	vadd.f32 v0, v7;
	v7 =	vadd.f32 v9, v8  }
0x24a: {  	p0 =	slt.u32 s11, $0x38;
	v8 =	vld [tilespmem:s12+$0xFFFFFFD0];
	v5 =	vand.u32 $0x7FFFFFFF, v5;
	v4 =	vsub.f32 v4, v2  }
0x24b: {  	v9 =	vld [tilespmem:s10+$0xFFFFFFD0];
	v0 =	vadd.f32 v1, v0;
	v1 =	vadd.f32 v5, v7  }
0x24c: {  	v7 =	vld [tilespmem:s12+$0xFFFFFFE0];
	v4 =	vand.u32 $0x7FFFFFFF, v4;
	v5 =	vsub.f32 v6, v3  }
0x24d: {  	v6 =	vld [tilespmem:s10+$0xFFFFFFE0];
	v0 =	vadd.f32 v2, v0;
	v1 =	vadd.f32 v4, v1  }
0x24e: {  	v2 =	vsub.f32 v11, v10;
	v11 =	vld [tilespmem:s12+$0xFFFFFFF0];
	v4 =	vand.u32 $0x7FFFFFFF, v5  }
0x24f: {  	v12 =	vld [tilespmem:s10+$0xFFFFFFF0];
	v3 =	vadd.f32 v3, v0;
	v1 =	vadd.f32 v4, v1  }
0x250: {  	v2 =	vand.u32 $0x7FFFFFFF, v2;
	v4 =	vsub.f32 v9, v8;
	v0 =	vld [tilespmem:s12+$0x0]  }
0x251: {  	v3 =	vadd.f32 v10, v3;
	v2 =	vadd.f32 v2, v1;
	v9 =	vld [tilespmem:s10+$0x0]  }
0x252: {  	v4 =	vand.u32 $0x7FFFFFFF, v4;
	v6 =	vsub.f32 v6, v7;
	v1 =	vld [tilespmem:s12+$0x10]  }
.Ltmp18:
0x253: {  	v3 =	vadd.f32 v8, v3;
	v4 =	vadd.f32 v4, v2;
	v5 =	vld [tilespmem:s10+$0x10];
	(pc) =	sbr.rel @p0 .LBB2_39-.Ltmp18, $4  }
0x254: {  	v6 =	vand.u32 $0x7FFFFFFF, v6;
	v8 =	vsub.f32 v12, v11;
	v2 =	vld [tilespmem:s12+$0x20]  }
0x255: {  	v7 =	vadd.f32 v7, v3;
	v6 =	vadd.f32 v6, v4;
	v4 =	vld [tilespmem:s10+$0x20]  }
0x256: {  	v8 =	vand.u32 $0x7FFFFFFF, v8;
	v9 =	vsub.f32 v9, v0;
	v3 =	vld [tilespmem:s12+$0x30]  }
0x257: {  	s12 =	sadd.s32 $0x400, s12;
	v7 =	vadd.f32 v11, v7;
	v8 =	vadd.f32 v8, v6;
	v6 =	vld [tilespmem:s10+$0x30]  }
0x258: {  	_ = 	snop  }
0x259: {  	v9 =	vand.u32 $0x7FFFFFFF, v9;
	v5 =	vsub.f32 v5, v1;
	v0 =	vadd.f32 v0, v7  }
0x25a: {  	v60 =	vadd.f32 v9, v8  }
0x25b: {  	v5 =	vand.u32 $0x7FFFFFFF, v5;
	v4 =	vsub.f32 v4, v2;
	v0 =	vadd.f32 v1, v0  }
0x25c: {  	s10 =	sshll.u32 s9, $0x5;
	s9 =	sadd.s32 $0x1, s9;
	v61 =	vadd.f32 v5, v60  }
0x25d: {  	p0 =	sne.s32 s9, $0x10;
	v4 =	vand.u32 $0x7FFFFFFF, v4;
	v62 =	vsub.f32 v6, v3;
	v0 =	vadd.f32 v2, v0  }
.Ltmp19:
0x25e: {  	v1 =	vadd.f32 v4, v61;
	(pc) =	sbr.rel @p0 .LBB2_38-.Ltmp19, $4  }
0x25f: {  	v63 =	vand.u32 $0x7FFFFFFF, v62;
	v0 =	vadd.f32 v3, v0  }
0x260: {  	s10 =	sand.u32 $0x1E0, s10;
	v1 =	vadd.f32 v63, v1  }
0x261: {  	[tilespmem:s10+$0x11200] =	vst v0  }
0x262: {  	s8 =	sadd.s32 $0x400, s8;
	s7 =	sadd.s32 $0x1, s7;
	[tilespmem:s10+$0x11210] =	vst v1  }
0x263: {  	s7 =	simm.s32 $0x0  }
0x264: {  	[tilespmem:s31], [sflag:$0x2] =	stream.linear.gather [hbm4b:s25+s7], $0x4000, $0x38;
	[tilespmem:$0x11800] =	vst v63  }
0x265: {  	_ = 	snop  }
0x266: {  	[tilespmem:s20], [sflag:$0x4] =	stream.linear.gather [hbm4b:s26+s7], $0x4000, $0x38;
	[tilespmem:$0x11800] =	vst v63  }
0x267: {  	_ =	swait.ge [sflag:s0], $0x4000  }
0x268: {  	[sflag:s0] =	ssyncset.done $0x0  }
0x269: {  	[sflag:s0] =	ssyncadd.s32 $0xFFFFC000  }
0x26a: {  	_ =	swait.ge [sflag:s2], $0x4000  }
0x26b: {  	[sflag:s2] =	ssyncset.done $0x0  }
0x26c: {  	s8 =	simm.s32 $0x0;
	s9 =	simm.s32 $0x0;
	[sflag:s2] =	ssyncadd.s32 $0xFFFFC000  }
.LBB2_42:
0x26d: {  	s10 =	sshll.u32 s8, $0x2;
	s11 =	sand.u32 $0x7, s7  }
0x26e: {  	s10 =	sand.u32 $0xFFFF8000, s10;
	s11 =	sshll.u32 s11, $0x9  }
0x26f: {  	s10 =	sor.u32 s11, s10  }
0x270: {  	s10 =	sshrl.u32 s10, $0x2  }
0x271: {  	s12 =	sor.u32 $0x40, s10  }
0x272: {  	s10 =	sadd.s32 $0x8040, s10;
	v1 =	vld [tilespmem:s12+$0xFFFFFFC0]  }
0x273: {  	v0 =	vld [tilespmem:s10+$0xFFFFFFC0]  }
0x274: {  	v2 =	vld [tilespmem:s12+$0xFFFFFFD0]  }
0x275: {  	v3 =	vld [tilespmem:s10+$0xFFFFFFD0]  }
0x276: {  	v4 =	vld [tilespmem:s12+$0xFFFFFFE0]  }
0x277: {  	v5 =	vld [tilespmem:s10+$0xFFFFFFE0]  }
0x278: {  	v6 =	vld [tilespmem:s12+$0xFFFFFFF0];
	v0 =	vsub.f32 v0, v1  }
0x279: {  	v8 =	vimm.f32 $0.0e+00;
	v7 =	vld [tilespmem:s10+$0xFFFFFFF0]  }
0x27a: {  	v3 =	vsub.f32 v3, v2;
	v10 =	vadd.f32 v1, v8;
	v9 =	vand.u32 $0x7FFFFFFF, v0;
	v0 =	vld [tilespmem:s12+$0x0]  }
0x27b: {  	v8 =	vadd.f32 v9, v8;
	v9 =	vld [tilespmem:s10+$0x0]  }
0x27c: {  	v11 =	vsub.f32 v5, v4;
	v1 =	vld [tilespmem:s12+$0x10];
	v3 =	vand.u32 $0x7FFFFFFF, v3;
	v10 =	vadd.f32 v2, v10  }
0x27d: {  	v5 =	vld [tilespmem:s10+$0x10];
	v3 =	vadd.f32 v3, v8  }
0x27e: {  	v7 =	vsub.f32 v7, v6;
	v2 =	vld [tilespmem:s12+$0x20];
	v10 =	vadd.f32 v4, v10;
	v8 =	vand.u32 $0x7FFFFFFF, v11  }
0x27f: {  	v4 =	vld [tilespmem:s10+$0x20];
	v8 =	vadd.f32 v8, v3  }
0x280: {  	v11 =	vand.u32 $0x7FFFFFFF, v7;
	v7 =	vadd.f32 v6, v10;
	v6 =	vld [tilespmem:s10+$0x30];
	v9 =	vsub.f32 v9, v0  }
0x281: {  	s11 =	simm.s32 $0x0;
	v3 =	vld [tilespmem:s12+$0x30];
	s12 =	sadd.s32 $0x400, s12;
	v8 =	vadd.f32 v11, v8  }
.LBB2_43:
0x282: {  	v10 =	vld [tilespmem:s12+$0xFFFFFFC0];
	v9 =	vand.u32 $0x7FFFFFFF, v9;
	v5 =	vsub.f32 v5, v1;
	s10 =	sadd.s32 $0x400, s10  }
0x283: {  	s11 =	sadd.s32 $0x8, s11;
	v11 =	vld [tilespmem:s10+$0xFFFFFFC0];
	v0 =	vadd.f32 v0, v7;
	v7 =	vadd.f32 v9, v8  }
0x284: {  	p0 =	slt.u32 s11, $0x38;
	v8 =	vld [tilespmem:s12+$0xFFFFFFD0];
	v5 =	vand.u32 $0x7FFFFFFF, v5;
	v4 =	vsub.f32 v4, v2  }
0x285: {  	v9 =	vld [tilespmem:s10+$0xFFFFFFD0];
	v0 =	vadd.f32 v1, v0;
	v1 =	vadd.f32 v5, v7  }
0x286: {  	v7 =	vld [tilespmem:s12+$0xFFFFFFE0];
	v4 =	vand.u32 $0x7FFFFFFF, v4;
	v5 =	vsub.f32 v6, v3  }
0x287: {  	v6 =	vld [tilespmem:s10+$0xFFFFFFE0];
	v0 =	vadd.f32 v2, v0;
	v1 =	vadd.f32 v4, v1  }
0x288: {  	v2 =	vsub.f32 v11, v10;
	v11 =	vld [tilespmem:s12+$0xFFFFFFF0];
	v4 =	vand.u32 $0x7FFFFFFF, v5  }
0x289: {  	v12 =	vld [tilespmem:s10+$0xFFFFFFF0];
	v3 =	vadd.f32 v3, v0;
	v1 =	vadd.f32 v4, v1  }
0x28a: {  	v2 =	vand.u32 $0x7FFFFFFF, v2;
	v4 =	vsub.f32 v9, v8;
	v0 =	vld [tilespmem:s12+$0x0]  }
0x28b: {  	v3 =	vadd.f32 v10, v3;
	v2 =	vadd.f32 v2, v1;
	v9 =	vld [tilespmem:s10+$0x0]  }
0x28c: {  	v4 =	vand.u32 $0x7FFFFFFF, v4;
	v6 =	vsub.f32 v6, v7;
	v1 =	vld [tilespmem:s12+$0x10]  }
.Ltmp20:
0x28d: {  	v3 =	vadd.f32 v8, v3;
	v4 =	vadd.f32 v4, v2;
	v5 =	vld [tilespmem:s10+$0x10];
	(pc) =	sbr.rel @p0 .LBB2_43-.Ltmp20, $4  }
0x28e: {  	v6 =	vand.u32 $0x7FFFFFFF, v6;
	v8 =	vsub.f32 v12, v11;
	v2 =	vld [tilespmem:s12+$0x20]  }
0x28f: {  	v7 =	vadd.f32 v7, v3;
	v6 =	vadd.f32 v6, v4;
	v4 =	vld [tilespmem:s10+$0x20]  }
0x290: {  	v8 =	vand.u32 $0x7FFFFFFF, v8;
	v9 =	vsub.f32 v9, v0;
	v3 =	vld [tilespmem:s12+$0x30]  }
0x291: {  	s12 =	sadd.s32 $0x400, s12;
	v7 =	vadd.f32 v11, v7;
	v8 =	vadd.f32 v8, v6;
	v6 =	vld [tilespmem:s10+$0x30]  }
0x292: {  	_ = 	snop  }
0x293: {  	v9 =	vand.u32 $0x7FFFFFFF, v9;
	v5 =	vsub.f32 v5, v1;
	v0 =	vadd.f32 v0, v7  }
0x294: {  	v60 =	vadd.f32 v9, v8  }
0x295: {  	v5 =	vand.u32 $0x7FFFFFFF, v5;
	v4 =	vsub.f32 v4, v2;
	v0 =	vadd.f32 v1, v0  }
0x296: {  	s10 =	sshll.u32 s9, $0x5;
	s9 =	sadd.s32 $0x1, s9;
	v61 =	vadd.f32 v5, v60  }
0x297: {  	p0 =	sne.s32 s9, $0x10;
	v4 =	vand.u32 $0x7FFFFFFF, v4;
	v62 =	vsub.f32 v6, v3;
	v0 =	vadd.f32 v2, v0  }
.Ltmp21:
0x298: {  	v1 =	vadd.f32 v4, v61;
	(pc) =	sbr.rel @p0 .LBB2_42-.Ltmp21, $4  }
0x299: {  	v63 =	vand.u32 $0x7FFFFFFF, v62;
	v0 =	vadd.f32 v3, v0  }
0x29a: {  	s10 =	sand.u32 $0x1E0, s10;
	v1 =	vadd.f32 v63, v1  }
0x29b: {  	[tilespmem:s10+$0x11400] =	vst v0  }
0x29c: {  	s8 =	sadd.s32 $0x400, s8;
	s7 =	sadd.s32 $0x1, s7;
	[tilespmem:s10+$0x11410] =	vst v1  }
0x29d: {  	_ =	swait.ge [sflag:s3], $0x4000  }
0x29e: {  	[sflag:s3] =	ssyncset.done $0x0  }
0x29f: {  	[sflag:s3] =	ssyncadd.s32 $0xFFFFC000  }
0x2a0: {  	_ =	swait.ge [sflag:s4], $0x4000  }
0x2a1: {  	s7 =	simm.s32 $0x0;
	[sflag:s4] =	ssyncset.done $0x0  }
0x2a2: {  	s8 =	simm.s32 $0x0;
	s9 =	simm.s32 $0x0;
	[sflag:s4] =	ssyncadd.s32 $0xFFFFC000  }
.LBB2_46:
0x2a3: {  	s10 =	sshll.u32 s8, $0x2;
	s11 =	sand.u32 $0x7, s7  }
0x2a4: {  	s10 =	sand.u32 $0xFFFF8000, s10;
	s11 =	sshll.u32 s11, $0x9  }
0x2a5: {  	s10 =	sor.u32 s11, s10  }
0x2a6: {  	s10 =	sshrl.u32 s10, $0x2  }
0x2a7: {  	s12 =	sadd.s32 $0x4040, s10  }
0x2a8: {  	s10 =	sadd.s32 $0xC040, s10;
	v1 =	vld [tilespmem:s12+$0xFFFFFFC0]  }
0x2a9: {  	v0 =	vld [tilespmem:s10+$0xFFFFFFC0]  }
0x2aa: {  	v2 =	vld [tilespmem:s12+$0xFFFFFFD0]  }
0x2ab: {  	v3 =	vld [tilespmem:s10+$0xFFFFFFD0]  }
0x2ac: {  	v4 =	vld [tilespmem:s12+$0xFFFFFFE0]  }
0x2ad: {  	v5 =	vld [tilespmem:s10+$0xFFFFFFE0]  }
0x2ae: {  	v6 =	vld [tilespmem:s12+$0xFFFFFFF0];
	v0 =	vsub.f32 v0, v1  }
0x2af: {  	v8 =	vimm.f32 $0.0e+00;
	v7 =	vld [tilespmem:s10+$0xFFFFFFF0]  }
0x2b0: {  	v3 =	vsub.f32 v3, v2;
	v10 =	vadd.f32 v1, v8;
	v9 =	vand.u32 $0x7FFFFFFF, v0;
	v0 =	vld [tilespmem:s12+$0x0]  }
0x2b1: {  	v8 =	vadd.f32 v9, v8;
	v9 =	vld [tilespmem:s10+$0x0]  }
0x2b2: {  	v11 =	vsub.f32 v5, v4;
	v1 =	vld [tilespmem:s12+$0x10];
	v3 =	vand.u32 $0x7FFFFFFF, v3;
	v10 =	vadd.f32 v2, v10  }
0x2b3: {  	v5 =	vld [tilespmem:s10+$0x10];
	v3 =	vadd.f32 v3, v8  }
0x2b4: {  	v7 =	vsub.f32 v7, v6;
	v2 =	vld [tilespmem:s12+$0x20];
	v10 =	vadd.f32 v4, v10;
	v8 =	vand.u32 $0x7FFFFFFF, v11  }
0x2b5: {  	v4 =	vld [tilespmem:s10+$0x20];
	v8 =	vadd.f32 v8, v3  }
0x2b6: {  	v11 =	vand.u32 $0x7FFFFFFF, v7;
	v7 =	vadd.f32 v6, v10;
	v6 =	vld [tilespmem:s10+$0x30];
	v9 =	vsub.f32 v9, v0  }
0x2b7: {  	s11 =	simm.s32 $0x0;
	v3 =	vld [tilespmem:s12+$0x30];
	s12 =	sadd.s32 $0x400, s12;
	v8 =	vadd.f32 v11, v8  }
.LBB2_47:
0x2b8: {  	v10 =	vld [tilespmem:s12+$0xFFFFFFC0];
	v9 =	vand.u32 $0x7FFFFFFF, v9;
	v5 =	vsub.f32 v5, v1;
	s10 =	sadd.s32 $0x400, s10  }
0x2b9: {  	s11 =	sadd.s32 $0x8, s11;
	v11 =	vld [tilespmem:s10+$0xFFFFFFC0];
	v0 =	vadd.f32 v0, v7;
	v7 =	vadd.f32 v9, v8  }
0x2ba: {  	p0 =	slt.u32 s11, $0x38;
	v8 =	vld [tilespmem:s12+$0xFFFFFFD0];
	v5 =	vand.u32 $0x7FFFFFFF, v5;
	v4 =	vsub.f32 v4, v2  }
0x2bb: {  	v9 =	vld [tilespmem:s10+$0xFFFFFFD0];
	v0 =	vadd.f32 v1, v0;
	v1 =	vadd.f32 v5, v7  }
0x2bc: {  	v7 =	vld [tilespmem:s12+$0xFFFFFFE0];
	v4 =	vand.u32 $0x7FFFFFFF, v4;
	v5 =	vsub.f32 v6, v3  }
0x2bd: {  	v6 =	vld [tilespmem:s10+$0xFFFFFFE0];
	v0 =	vadd.f32 v2, v0;
	v1 =	vadd.f32 v4, v1  }
0x2be: {  	v2 =	vsub.f32 v11, v10;
	v11 =	vld [tilespmem:s12+$0xFFFFFFF0];
	v4 =	vand.u32 $0x7FFFFFFF, v5  }
0x2bf: {  	v12 =	vld [tilespmem:s10+$0xFFFFFFF0];
	v3 =	vadd.f32 v3, v0;
	v1 =	vadd.f32 v4, v1  }
0x2c0: {  	v2 =	vand.u32 $0x7FFFFFFF, v2;
	v4 =	vsub.f32 v9, v8;
	v0 =	vld [tilespmem:s12+$0x0]  }
0x2c1: {  	v3 =	vadd.f32 v10, v3;
	v2 =	vadd.f32 v2, v1;
	v9 =	vld [tilespmem:s10+$0x0]  }
0x2c2: {  	v4 =	vand.u32 $0x7FFFFFFF, v4;
	v6 =	vsub.f32 v6, v7;
	v1 =	vld [tilespmem:s12+$0x10]  }
.Ltmp22:
0x2c3: {  	v3 =	vadd.f32 v8, v3;
	v4 =	vadd.f32 v4, v2;
	v5 =	vld [tilespmem:s10+$0x10];
	(pc) =	sbr.rel @p0 .LBB2_47-.Ltmp22, $4  }
0x2c4: {  	v6 =	vand.u32 $0x7FFFFFFF, v6;
	v8 =	vsub.f32 v12, v11;
	v2 =	vld [tilespmem:s12+$0x20]  }
0x2c5: {  	v7 =	vadd.f32 v7, v3;
	v6 =	vadd.f32 v6, v4;
	v4 =	vld [tilespmem:s10+$0x20]  }
0x2c6: {  	v8 =	vand.u32 $0x7FFFFFFF, v8;
	v9 =	vsub.f32 v9, v0;
	v3 =	vld [tilespmem:s12+$0x30]  }
0x2c7: {  	s12 =	sadd.s32 $0x400, s12;
	v7 =	vadd.f32 v11, v7;
	v8 =	vadd.f32 v8, v6;
	v6 =	vld [tilespmem:s10+$0x30]  }
0x2c8: {  	_ = 	snop  }
0x2c9: {  	v9 =	vand.u32 $0x7FFFFFFF, v9;
	v5 =	vsub.f32 v5, v1;
	v0 =	vadd.f32 v0, v7  }
0x2ca: {  	v60 =	vadd.f32 v9, v8  }
0x2cb: {  	v5 =	vand.u32 $0x7FFFFFFF, v5;
	v4 =	vsub.f32 v4, v2;
	v0 =	vadd.f32 v1, v0  }
0x2cc: {  	s10 =	sshll.u32 s9, $0x5;
	s9 =	sadd.s32 $0x1, s9;
	v61 =	vadd.f32 v5, v60  }
0x2cd: {  	p0 =	sne.s32 s9, $0x10;
	v4 =	vand.u32 $0x7FFFFFFF, v4;
	v62 =	vsub.f32 v6, v3;
	v0 =	vadd.f32 v2, v0  }
.Ltmp23:
0x2ce: {  	v1 =	vadd.f32 v4, v61;
	(pc) =	sbr.rel @p0 .LBB2_46-.Ltmp23, $4  }
0x2cf: {  	v63 =	vand.u32 $0x7FFFFFFF, v62;
	v0 =	vadd.f32 v3, v0  }
0x2d0: {  	s10 =	sand.u32 $0x1E0, s10;
	v1 =	vadd.f32 v63, v1  }
0x2d1: {  	[tilespmem:s10+$0x11600] =	vst v0  }
0x2d2: {  	s8 =	sadd.s32 $0x400, s8;
	s7 =	sadd.s32 $0x1, s7;
	[tilespmem:s10+$0x11610] =	vst v1  }
0x2d3: {  	s6 =	sadd.s32 $0x1, s6  }
0x2d4: {  	p0 =	sne.s32 s6, s29  }
.Ltmp24:
0x2d5: {  	s7 =	simm.s32 $0x10000;
	(pc) =	sbr.rel @p0 .LBB2_1-.Ltmp24, $4  }
0x2d6: {  	[hbm4b:s28+s1] =	stream.linear.scatter [tilespmem:s7], [sflag:$0x5], $0x1800, $0x38;
	[tilespmem:$0x11800] =	vst v63  }
0x2d7: {  	_ =	swait.ge [sflag:s5], $0x1800  }
0x2d8: {  	[sflag:s5] =	ssyncset.done $0x0  }
0x2d9: {  	[sflag:s5] =	ssyncadd.s32 $0xFFFFE800  }
0x2da: {  	_ =	sfence.sel $0x180000  }
0x2db: {  	[bflag:$0x0] =	sbarrier.arrive $0xFFFF  }
0x2dc: {  	_ =	strace $0x90000047  }
0x2dd: {  	s0 =	stileid.u32;
	[bflag:$0x2] =	sbarrier.arrive $0xFFFF  }
0x2de: {  	p0 =	sne.s32 s0, $0x0;
	s0 =	rddreg [dreg:$0x3]  }
0x2df: {  	s0 =	sadd.s32 @!p0 $0x100000, s0  }
0x2e0: {  	[sflag:s0] =	ssyncadd.tile.s32 @!p0 $0x1;
	_ =	shalt  }
.Lfunc_end2:
_tile_overlayer_lowered:
.L_overlay_start_2:
0x2e1: {  	(tag) =	ssettag $0x2  }
0x2e2: {  	s0 =	rddreg [dreg:$0x0];
	s2 =	stileid.u32  }
0x2e3: {  	s1 =	rddreg [dreg:$0x1];
	p0 =	sne.s32 s2, $0x0  }
0x2e4: {  	s3 =	rddreg [dreg:$0x2];
	[bflag:$0x3] =	sbarrier.arrive $0xFFFF;
	s2 =	simm.s32 @!p0 $0x1C05  }
0x2e5: {  	[timem:s3], [sflag:s2] =	dma.local @!p0 [hbm:s0], s1  }
0x2e6: {  	s0 =	simm.s32 @!p0 $0x5  }
0x2e7: {  	_ =	swait.ge @!p0 [sflag:s0], s1  }
0x2e8: {  	s1 =	ssub.s32 @!p0 $0x0, s1;
	[sflag:s0] =	ssyncset.done @!p0 $0x0  }
0x2e9: {  	[sflag:s0] =	ssyncadd.s32 @!p0 s1  }
0x2ea: {  	[bflag:$0x3] =	sbarrier.arrive $0xFFFF  }
0x2eb: {  	_ =	shalt  }

</sc_bundles>
